<compile_context>
chip_gen: v7x
topology: tpu7x:2x2x1
jax: 0.10.2.dev20260603
libtpu: 0.0.44.dev20260713+nightly
codegen_flags: <defaults>
</compile_context>

<pallas_src>
import functools

import jax
import jax.numpy as jnp
from jax import lax
from jax.experimental import pallas as pl
from jax.experimental.pallas import tpu as pltpu
from jax.experimental.pallas import tpu_sc as plsc

_C = 4096
_L = 16
_NC, _NS = 2, 16
_NW = _NC * _NS
_TR = 8
_NQ = 4
_QC = _C // _NQ


def _sc_permute(x3, perm):
    n_tr = x3.shape[0]
    tr_per_w = n_tr // _NW
    mesh = plsc.VectorSubcoreMesh(core_axis_name="c", subcore_axis_name="s")

    @functools.partial(
        pl.kernel,
        out_type=jax.ShapeDtypeStruct((n_tr, _TR, _C), jnp.float32),
        mesh=mesh,
        compiler_params=pltpu.CompilerParams(
            needs_layout_passes=False, use_tc_tiling_on_sc=True
        ),
        scratch_types=[
            pltpu.VMEM((_C + _L,), jnp.int32),
            pltpu.VMEM((_TR, _C), jnp.float32),
            pltpu.VMEM((_TR, _C), jnp.float32),
            pltpu.VMEM((_TR, _QC), jnp.float32),
            pltpu.VMEM((_TR, _QC), jnp.float32),
            pltpu.VMEM((_TR, _QC), jnp.float32),
            pltpu.VMEM((_TR, _QC), jnp.float32),
            pltpu.SemaphoreType.DMA,
            pltpu.SemaphoreType.DMA,
            pltpu.SemaphoreType.DMA,
            pltpu.SemaphoreType.DMA,
            pltpu.SemaphoreType.DMA,
            pltpu.SemaphoreType.DMA,
        ],
    )
    def k(x_hbm, perm_hbm, out_hbm, perm_v, in0, in1, oq0, oq1, oq2, oq3,
          si0, si1, sq0, sq1, sq2, sq3):
        wid = lax.axis_index("s") * _NC + lax.axis_index("c")
        tr0 = wid * tr_per_w
        pltpu.sync_copy(perm_hbm, perm_v.at[pl.ds(0, _C)])
        ins, sis = (in0, in1), (si0, si1)
        oqs, sqs = (oq0, oq1, oq2, oq3), (sq0, sq1, sq2, sq3)

        def start_in(i, b):
            pltpu.async_copy(x_hbm.at[tr0 + i], ins[b], sis[b])

        def wait_in(b):
            pltpu.make_async_copy(x_hbm.at[0], ins[b], sis[b]).wait()

        def start_out(i, q):
            pltpu.async_copy(
                oqs[q],
                out_hbm.at[tr0 + i, :, pl.ds(q * _QC, _QC)],
                sqs[q])

        def wait_out(q):
            pltpu.make_async_copy(
                oqs[q],
                out_hbm.at[0, :, pl.ds(0, _QC)],
                sqs[q]).wait()

        start_in(0, 0)
        start_in(1, 1)
        sr_splats = [jnp.full((_L,), sr, jnp.int32) for sr in range(_TR)]

        def loop_body(i2, carry):
            for b in range(2):
                i = i2 * 2 + b
                wait_in(b)
                in_v = ins[b]
                for q in range(_NQ):
                    @pl.when(i > 0)
                    def _():
                        wait_out(q)

                    out_v = oqs[q]

                    def chunk_body(c, p, q=q, in_v=in_v, out_v=out_v):
                        col = c * _L
                        p_next = perm_v[pl.ds(q * _QC + col + _L, _L)]
                        vals = [plsc.load_gather(in_v, [sr_splats[sr], p])
                                for sr in range(_TR)]
                        for sr in range(_TR):
                            out_v[sr, pl.ds(col, _L)] = vals[sr]
                        return p_next

                    p0 = perm_v[pl.ds(q * _QC, _L)]
                    lax.fori_loop(0, _QC // _L, chunk_body, p0, unroll=2)
                    start_out(i, q)

                @pl.when(i + 2 < tr_per_w)
                def _():
                    start_in(i + 2, b)

            return carry

        lax.fori_loop(0, tr_per_w // 2, loop_body, 0)
        for q in range(_NQ):
            wait_out(q)

    return k(x3, perm)


def kernel(x, perm):
    rows = x.shape[0] * x.shape[1]
    out = _sc_permute(x.reshape(rows // _TR, _TR, _C), perm)
    return out.reshape(x.shape)

# --- scband reference (transcript-rebuilt; emitter-appended) ---
"""Pipeline reference for scband-permutation-layer-83167746719785 (READ-ONLY COPY).

The authoritative reference and input builder live on the scoring server;
editing this copy changes nothing except your own understanding.
"""

import jax, jax.numpy as jnp
import numpy as np


def setup_inputs(seed: int = 0) -> dict:
    key = jax.random.key(seed)
    size = 4096
    x = jax.random.normal(key, (4, 4096, 4096), dtype=jnp.float32)
    # fixed permutation parameter (requires_grad=False in torch)
    perm = jnp.asarray(np.random.RandomState(0).permutation(size), dtype=jnp.int32)
    return {"x": x, "perm": perm}


def reference(x, perm):
    # equivalent to x[..., self.permutation_vec]
    return jnp.take(x, perm, axis=-1)

if __name__ == "__main__":
    import jax
    _d = setup_inputs()
    print(jax.jit(kernel)(*tuple(_d.values())))

</pallas_src>

<mosaic_0001>
#map = affine_map<(d0, d1) -> (0, 0, 0)>
#map1 = affine_map<(d0, d1) -> (0)>
module attributes {stable_mosaic.version = 14 : i64} {
  func.func @k(%arg0: i32, %arg1: i32, %arg2: memref<2048x8x4096xf32, #tpu.memory_space<hbm>>, %arg3: memref<4096xi32, #tpu.memory_space<hbm>>, %arg4: memref<2048x8x4096xf32, #tpu.memory_space<hbm>>, %arg5: memref<4112xi32, #tpu.memory_space<vmem>>, %arg6: memref<8x4096xf32, #tpu.memory_space<vmem>>, %arg7: memref<8x4096xf32, #tpu.memory_space<vmem>>, %arg8: memref<8x1024xf32, #tpu.memory_space<vmem>>, %arg9: memref<8x1024xf32, #tpu.memory_space<vmem>>, %arg10: memref<8x1024xf32, #tpu.memory_space<vmem>>, %arg11: memref<8x1024xf32, #tpu.memory_space<vmem>>, %arg12: memref<!tpu.dma_semaphore, #tpu.memory_space<semaphore_mem>>, %arg13: memref<!tpu.dma_semaphore, #tpu.memory_space<semaphore_mem>>, %arg14: memref<!tpu.dma_semaphore, #tpu.memory_space<semaphore_mem>>, %arg15: memref<!tpu.dma_semaphore, #tpu.memory_space<semaphore_mem>>, %arg16: memref<!tpu.dma_semaphore, #tpu.memory_space<semaphore_mem>>, %arg17: memref<!tpu.dma_semaphore, #tpu.memory_space<semaphore_mem>>) attributes {dimension_semantics = [#tpu.dimension_semantics<core_parallel>, #tpu.dimension_semantics<subcore_parallel>], iteration_bounds = array<i64: 2, 16>, scalar_prefetch = 0 : i64, scratch_operands = 13 : i64, tpu.core_type = #tpu.core_type<sc_vector_subcore>, window_params = [{transform_indices = #map}, {transform_indices = #map1}, {transform_indices = #map}]} {
    %mul3A = arith.constant 2 : i32
    %mul3A_0 = arith.muli %arg1, %mul3A : i32
    %add3A = arith.addi %mul3A_0, %arg0 : i32
    %mul3A_1 = arith.constant 64 : i32
    %mul3A_2 = arith.muli %add3A, %mul3A_1 : i32
    "tpu.region"() ({
      %run_scoped3A = tpu.sem_alloc : memref<!tpu.dma_semaphore, #tpu.memory_space<semaphore_mem>>
      %dma_start3A_77 = arith.constant 0 : i32
      %dma_start3A_78 = tpu.memref_slice %arg5[%dma_start3A_77] : memref<4112xi32, #tpu.memory_space<vmem>> -> memref<4096xi32, #tpu.memory_space<vmem>>
      %dma_start3A_79 = arith.constant 0 : i32
      %dma_start3A_80 = tpu.memref_slice %arg5[%dma_start3A_79] : memref<4112xi32, #tpu.memory_space<vmem>> -> memref<4096xi32, #tpu.memory_space<vmem>>
      tpu.enqueue_dma source(%arg3 : memref<4096xi32, #tpu.memory_space<hbm>>) target(%dma_start3A_80 : memref<4096xi32, #tpu.memory_space<vmem>>) target_semaphore(%run_scoped3A : memref<!tpu.dma_semaphore, #tpu.memory_space<semaphore_mem>>)
      %dma_wait3A_81 = arith.constant 0 : i32
      %dma_wait3A_82 = tpu.memref_slice %arg5[%dma_wait3A_81] : memref<4112xi32, #tpu.memory_space<vmem>> -> memref<4096xi32, #tpu.memory_space<vmem>>
      %dma_wait3A_83 = arith.constant 0 : i32
      %dma_wait3A_84 = tpu.memref_slice %arg5[%dma_wait3A_83] : memref<4112xi32, #tpu.memory_space<vmem>> -> memref<4096xi32, #tpu.memory_space<vmem>>
      tpu.wait_dma2 semaphore(%run_scoped3A : memref<!tpu.dma_semaphore, #tpu.memory_space<semaphore_mem>>) src(%arg3 : memref<4096xi32, #tpu.memory_space<hbm>>) dst(%dma_wait3A_84 : memref<4096xi32, #tpu.memory_space<vmem>>)
      tpu.yield
    }) : () -> ()
    %add3A_3 = arith.constant 0 : i32
    %add3A_4 = arith.addi %mul3A_2, %add3A_3 : i32
    %dma_start3A = arith.constant 0 : i32
    %dma_start3A_5 = arith.constant 0 : i32
    %dma_start3A_6 = tpu.memref_slice %arg2[%add3A_4, %dma_start3A, %dma_start3A_5] : memref<2048x8x4096xf32, #tpu.memory_space<hbm>> -> memref<1x8x4096xf32, #tpu.memory_space<hbm>>
    %dma_start3A_7 = tpu.memref_squeeze %dma_start3A_6 : memref<1x8x4096xf32, #tpu.memory_space<hbm>> -> memref<8x4096xf32, #tpu.memory_space<hbm>>
    %dma_start3A_8 = arith.constant 0 : i32
    %dma_start3A_9 = arith.constant 0 : i32
    %dma_start3A_10 = tpu.memref_slice %arg2[%add3A_4, %dma_start3A_8, %dma_start3A_9] : memref<2048x8x4096xf32, #tpu.memory_space<hbm>> -> memref<1x8x4096xf32, #tpu.memory_space<hbm>>
    %dma_start3A_11 = tpu.memref_squeeze %dma_start3A_10 : memref<1x8x4096xf32, #tpu.memory_space<hbm>> -> memref<8x4096xf32, #tpu.memory_space<hbm>>
    tpu.enqueue_dma source(%dma_start3A_11 : memref<8x4096xf32, #tpu.memory_space<hbm>>) target(%arg6 : memref<8x4096xf32, #tpu.memory_space<vmem>>) target_semaphore(%arg12 : memref<!tpu.dma_semaphore, #tpu.memory_space<semaphore_mem>>)
    %add3A_12 = arith.constant 1 : i32
    %add3A_13 = arith.addi %mul3A_2, %add3A_12 : i32
    %dma_start3A_14 = arith.constant 0 : i32
    %dma_start3A_15 = arith.constant 0 : i32
    %dma_start3A_16 = tpu.memref_slice %arg2[%add3A_13, %dma_start3A_14, %dma_start3A_15] : memref<2048x8x4096xf32, #tpu.memory_space<hbm>> -> memref<1x8x4096xf32, #tpu.memory_space<hbm>>
    %dma_start3A_17 = tpu.memref_squeeze %dma_start3A_16 : memref<1x8x4096xf32, #tpu.memory_space<hbm>> -> memref<8x4096xf32, #tpu.memory_space<hbm>>
    %dma_start3A_18 = arith.constant 0 : i32
    %dma_start3A_19 = arith.constant 0 : i32
    %dma_start3A_20 = tpu.memref_slice %arg2[%add3A_13, %dma_start3A_18, %dma_start3A_19] : memref<2048x8x4096xf32, #tpu.memory_space<hbm>> -> memref<1x8x4096xf32, #tpu.memory_space<hbm>>
    %dma_start3A_21 = tpu.memref_squeeze %dma_start3A_20 : memref<1x8x4096xf32, #tpu.memory_space<hbm>> -> memref<8x4096xf32, #tpu.memory_space<hbm>>
    tpu.enqueue_dma source(%dma_start3A_21 : memref<8x4096xf32, #tpu.memory_space<hbm>>) target(%arg7 : memref<8x4096xf32, #tpu.memory_space<vmem>>) target_semaphore(%arg13 : memref<!tpu.dma_semaphore, #tpu.memory_space<semaphore_mem>>)
    %broadcast_in_dim3A = arith.constant 0 : i32
    %broadcast_in_dim3A_22 = vector.broadcast %broadcast_in_dim3A : i32 to vector<16xi32>
    %broadcast_in_dim3A_23 = arith.constant 1 : i32
    %broadcast_in_dim3A_24 = vector.broadcast %broadcast_in_dim3A_23 : i32 to vector<16xi32>
    %broadcast_in_dim3A_25 = arith.constant 2 : i32
    %broadcast_in_dim3A_26 = vector.broadcast %broadcast_in_dim3A_25 : i32 to vector<16xi32>
    %broadcast_in_dim3A_27 = arith.constant 3 : i32
    %broadcast_in_dim3A_28 = vector.broadcast %broadcast_in_dim3A_27 : i32 to vector<16xi32>
    %broadcast_in_dim3A_29 = arith.constant 4 : i32
    %broadcast_in_dim3A_30 = vector.broadcast %broadcast_in_dim3A_29 : i32 to vector<16xi32>
    %broadcast_in_dim3A_31 = arith.constant 5 : i32
    %broadcast_in_dim3A_32 = vector.broadcast %broadcast_in_dim3A_31 : i32 to vector<16xi32>
    %broadcast_in_dim3A_33 = arith.constant 6 : i32
    %broadcast_in_dim3A_34 = vector.broadcast %broadcast_in_dim3A_33 : i32 to vector<16xi32>
    %broadcast_in_dim3A_35 = arith.constant 7 : i32
    %broadcast_in_dim3A_36 = vector.broadcast %broadcast_in_dim3A_35 : i32 to vector<16xi32>
    %scan3A = arith.constant 0 : i32
    %scan3A_37 = arith.constant 0 : i32
    %scan3A_38 = arith.constant 32 : i32
    %scan3A_39 = arith.addi %scan3A_37, %scan3A_38 : i32
    %scan3A_40 = arith.constant 1 : i32
    scf.for %scan3A_77 = %scan3A_37 to %scan3A_39 step %scan3A_40  : i32 {
      %mul3A_78 = arith.constant 2 : i32
      %mul3A_79 = arith.muli %scan3A_77, %mul3A_78 : i32
      %add3A_80 = arith.constant 0 : i32
      %add3A_81 = arith.addi %mul3A_79, %add3A_80 : i32
      %dma_wait3A_82 = arith.constant 0 : i32
      %dma_wait3A_83 = arith.constant 0 : i32
      %dma_wait3A_84 = arith.constant 0 : i32
      %dma_wait3A_85 = tpu.memref_slice %arg2[%dma_wait3A_82, %dma_wait3A_83, %dma_wait3A_84] : memref<2048x8x4096xf32, #tpu.memory_space<hbm>> -> memref<1x8x4096xf32, #tpu.memory_space<hbm>>
      %dma_wait3A_86 = tpu.memref_squeeze %dma_wait3A_85 : memref<1x8x4096xf32, #tpu.memory_space<hbm>> -> memref<8x4096xf32, #tpu.memory_space<hbm>>
      %dma_wait3A_87 = arith.constant 0 : i32
      %dma_wait3A_88 = arith.constant 0 : i32
      %dma_wait3A_89 = tpu.memref_slice %arg2[%dma_wait3A_82, %dma_wait3A_87, %dma_wait3A_88] : memref<2048x8x4096xf32, #tpu.memory_space<hbm>> -> memref<1x8x4096xf32, #tpu.memory_space<hbm>>
      %dma_wait3A_90 = tpu.memref_squeeze %dma_wait3A_89 : memref<1x8x4096xf32, #tpu.memory_space<hbm>> -> memref<8x4096xf32, #tpu.memory_space<hbm>>
      tpu.wait_dma2 semaphore(%arg12 : memref<!tpu.dma_semaphore, #tpu.memory_space<semaphore_mem>>) src(%dma_wait3A_90 : memref<8x4096xf32, #tpu.memory_space<hbm>>) dst(%arg6 : memref<8x4096xf32, #tpu.memory_space<vmem>>)
      %gt3A = arith.constant 0 : i32
      %gt3A_91 = arith.cmpi sgt, %add3A_81, %gt3A : i32
      %convert_element_type3A = arith.extui %gt3A_91 : i1 to i32
      %cond3A = arith.constant 0 : i32
      %cond3A_92 = arith.cmpi ne, %convert_element_type3A, %cond3A : i32
      scf.if %cond3A_92 {
        %dma_wait3A_289 = arith.constant 0 : i32
        %dma_wait3A_290 = arith.constant 0 : i32
        %dma_wait3A_291 = arith.constant 0 : i32
        %dma_wait3A_292 = tpu.memref_slice %arg4[%dma_wait3A_289, %dma_wait3A_290, %dma_wait3A_291] : memref<2048x8x4096xf32, #tpu.memory_space<hbm>> -> memref<1x8x1024xf32, #tpu.memory_space<hbm>>
        %dma_wait3A_293 = tpu.memref_squeeze %dma_wait3A_292 : memref<1x8x1024xf32, #tpu.memory_space<hbm>> -> memref<8x1024xf32, #tpu.memory_space<hbm>>
        %dma_wait3A_294 = arith.constant 0 : i32
        %dma_wait3A_295 = arith.constant 0 : i32
        %dma_wait3A_296 = tpu.memref_slice %arg4[%dma_wait3A_289, %dma_wait3A_294, %dma_wait3A_295] : memref<2048x8x4096xf32, #tpu.memory_space<hbm>> -> memref<1x8x1024xf32, #tpu.memory_space<hbm>>
        %dma_wait3A_297 = tpu.memref_squeeze %dma_wait3A_296 : memref<1x8x1024xf32, #tpu.memory_space<hbm>> -> memref<8x1024xf32, #tpu.memory_space<hbm>>
        tpu.wait_dma2 semaphore(%arg14 : memref<!tpu.dma_semaphore, #tpu.memory_space<semaphore_mem>>) src(%arg8 : memref<8x1024xf32, #tpu.memory_space<vmem>>) dst(%dma_wait3A_297 : memref<8x1024xf32, #tpu.memory_space<hbm>>)
      } else {
      }
      %get3A = arith.constant 0 : index
      %get3A_93 = tpu.vector_load %arg5[%get3A] {strides = array<i32>} : memref<4112xi32, #tpu.memory_space<vmem>>, vector<16xi32>,
      %scan3A_94 = arith.constant 0 : i32
      %scan3A_95 = arith.constant 64 : i32
      %scan3A_96 = arith.addi %scan3A_94, %scan3A_95 : i32
      %scan3A_97 = arith.constant 2 : i32
      %scan3A_98 = scf.for %scan3A_289 = %scan3A_94 to %scan3A_96 step %scan3A_97 iter_args(%scan3A_290 = %get3A_93) -> (vector<16xi32>)  : i32 {
        %mul3A_291 = arith.constant 16 : i32
        %mul3A_292 = arith.muli %scan3A_289, %mul3A_291 : i32
        %add3A_293 = arith.constant 0 : i32
        %add3A_294 = arith.addi %add3A_293, %mul3A_292 : i32
        %add3A_295 = arith.constant 16 : i32
        %add3A_296 = arith.addi %add3A_294, %add3A_295 : i32
        %get3A_297 = arith.index_cast %add3A_296 : i32 to index
        %get3A_298 = tpu.vector_load %arg5[%get3A_297] {strides = array<i32>} : memref<4112xi32, #tpu.memory_space<vmem>>, vector<16xi32>,
        %gather3A = tpu.vector_load_idx %arg6[%broadcast_in_dim3A_22, %scan3A_290] : memref<8x4096xf32, #tpu.memory_space<vmem>>[vector<16xi32>, vector<16xi32>], vector<16xf32>,
        %gather3A_299 = tpu.vector_load_idx %arg6[%broadcast_in_dim3A_24, %scan3A_290] : memref<8x4096xf32, #tpu.memory_space<vmem>>[vector<16xi32>, vector<16xi32>], vector<16xf32>,
        %gather3A_300 = tpu.vector_load_idx %arg6[%broadcast_in_dim3A_26, %scan3A_290] : memref<8x4096xf32, #tpu.memory_space<vmem>>[vector<16xi32>, vector<16xi32>], vector<16xf32>,
        %gather3A_301 = tpu.vector_load_idx %arg6[%broadcast_in_dim3A_28, %scan3A_290] : memref<8x4096xf32, #tpu.memory_space<vmem>>[vector<16xi32>, vector<16xi32>], vector<16xf32>,
        %gather3A_302 = tpu.vector_load_idx %arg6[%broadcast_in_dim3A_30, %scan3A_290] : memref<8x4096xf32, #tpu.memory_space<vmem>>[vector<16xi32>, vector<16xi32>], vector<16xf32>,
        %gather3A_303 = tpu.vector_load_idx %arg6[%broadcast_in_dim3A_32, %scan3A_290] : memref<8x4096xf32, #tpu.memory_space<vmem>>[vector<16xi32>, vector<16xi32>], vector<16xf32>,
        %gather3A_304 = tpu.vector_load_idx %arg6[%broadcast_in_dim3A_34, %scan3A_290] : memref<8x4096xf32, #tpu.memory_space<vmem>>[vector<16xi32>, vector<16xi32>], vector<16xf32>,
        %gather3A_305 = tpu.vector_load_idx %arg6[%broadcast_in_dim3A_36, %scan3A_290] : memref<8x4096xf32, #tpu.memory_space<vmem>>[vector<16xi32>, vector<16xi32>], vector<16xf32>,
        %swap3A = arith.constant 0 : i32
        %swap3A_306 = arith.index_cast %swap3A : i32 to index
        %swap3A_307 = arith.index_cast %mul3A_292 : i32 to index
        %swap3A_308 = tpu.vector_load %arg8[%swap3A_306, %swap3A_307] {strides = array<i32>} : memref<8x1024xf32, #tpu.memory_space<vmem>>, vector<16xf32>,
        tpu.vector_store %arg8[%swap3A_306, %swap3A_307], %gather3A {strides = array<i32>} : memref<8x1024xf32, #tpu.memory_space<vmem>>, vector<16xf32>,
        %swap3A_309 = arith.constant 1 : i32
        %swap3A_310 = arith.index_cast %swap3A_309 : i32 to index
        %swap3A_311 = arith.index_cast %mul3A_292 : i32 to index
        %swap3A_312 = tpu.vector_load %arg8[%swap3A_310, %swap3A_311] {strides = array<i32>} : memref<8x1024xf32, #tpu.memory_space<vmem>>, vector<16xf32>,
        tpu.vector_store %arg8[%swap3A_310, %swap3A_311], %gather3A_299 {strides = array<i32>} : memref<8x1024xf32, #tpu.memory_space<vmem>>, vector<16xf32>,
        %swap3A_313 = arith.constant 2 : i32
        %swap3A_314 = arith.index_cast %swap3A_313 : i32 to index
        %swap3A_315 = arith.index_cast %mul3A_292 : i32 to index
        %swap3A_316 = tpu.vector_load %arg8[%swap3A_314, %swap3A_315] {strides = array<i32>} : memref<8x1024xf32, #tpu.memory_space<vmem>>, vector<16xf32>,
        tpu.vector_store %arg8[%swap3A_314, %swap3A_315], %gather3A_300 {strides = array<i32>} : memref<8x1024xf32, #tpu.memory_space<vmem>>, vector<16xf32>,
        %swap3A_317 = arith.constant 3 : i32
        %swap3A_318 = arith.index_cast %swap3A_317 : i32 to index
        %swap3A_319 = arith.index_cast %mul3A_292 : i32 to index
        %swap3A_320 = tpu.vector_load %arg8[%swap3A_318, %swap3A_319] {strides = array<i32>} : memref<8x1024xf32, #tpu.memory_space<vmem>>, vector<16xf32>,
        tpu.vector_store %arg8[%swap3A_318, %swap3A_319], %gather3A_301 {strides = array<i32>} : memref<8x1024xf32, #tpu.memory_space<vmem>>, vector<16xf32>,
        %swap3A_321 = arith.constant 4 : i32
        %swap3A_322 = arith.index_cast %swap3A_321 : i32 to index
        %swap3A_323 = arith.index_cast %mul3A_292 : i32 to index
        %swap3A_324 = tpu.vector_load %arg8[%swap3A_322, %swap3A_323] {strides = array<i32>} : memref<8x1024xf32, #tpu.memory_space<vmem>>, vector<16xf32>,
        tpu.vector_store %arg8[%swap3A_322, %swap3A_323], %gather3A_302 {strides = array<i32>} : memref<8x1024xf32, #tpu.memory_space<vmem>>, vector<16xf32>,
        %swap3A_325 = arith.constant 5 : i32
        %swap3A_326 = arith.index_cast %swap3A_325 : i32 to index
        %swap3A_327 = arith.index_cast %mul3A_292 : i32 to index
        %swap3A_328 = tpu.vector_load %arg8[%swap3A_326, %swap3A_327] {strides = array<i32>} : memref<8x1024xf32, #tpu.memory_space<vmem>>, vector<16xf32>,
        tpu.vector_store %arg8[%swap3A_326, %swap3A_327], %gather3A_303 {strides = array<i32>} : memref<8x1024xf32, #tpu.memory_space<vmem>>, vector<16xf32>,
        %swap3A_329 = arith.constant 6 : i32
        %swap3A_330 = arith.index_cast %swap3A_329 : i32 to index
        %swap3A_331 = arith.index_cast %mul3A_292 : i32 to index
        %swap3A_332 = tpu.vector_load %arg8[%swap3A_330, %swap3A_331] {strides = array<i32>} : memref<8x1024xf32, #tpu.memory_space<vmem>>, vector<16xf32>,
        tpu.vector_store %arg8[%swap3A_330, %swap3A_331], %gather3A_304 {strides = array<i32>} : memref<8x1024xf32, #tpu.memory_space<vmem>>, vector<16xf32>,
        %swap3A_333 = arith.constant 7 : i32
        %swap3A_334 = arith.index_cast %swap3A_333 : i32 to index
        %swap3A_335 = arith.index_cast %mul3A_292 : i32 to index
        %swap3A_336 = tpu.vector_load %arg8[%swap3A_334, %swap3A_335] {strides = array<i32>} : memref<8x1024xf32, #tpu.memory_space<vmem>>, vector<16xf32>,
        tpu.vector_store %arg8[%swap3A_334, %swap3A_335], %gather3A_305 {strides = array<i32>} : memref<8x1024xf32, #tpu.memory_space<vmem>>, vector<16xf32>,
        %scan3A_337 = arith.constant 1 : i32
        %scan3A_338 = arith.addi %scan3A_289, %scan3A_337 : i32
        %mul3A_339 = arith.constant 16 : i32
        %mul3A_340 = arith.muli %scan3A_338, %mul3A_339 : i32
        %add3A_341 = arith.constant 0 : i32
        %add3A_342 = arith.addi %add3A_341, %mul3A_340 : i32
        %add3A_343 = arith.constant 16 : i32
        %add3A_344 = arith.addi %add3A_342, %add3A_343 : i32
        %get3A_345 = arith.index_cast %add3A_344 : i32 to index
        %get3A_346 = tpu.vector_load %arg5[%get3A_345] {strides = array<i32>} : memref<4112xi32, #tpu.memory_space<vmem>>, vector<16xi32>,
        %gather3A_347 = tpu.vector_load_idx %arg6[%broadcast_in_dim3A_22, %get3A_298] : memref<8x4096xf32, #tpu.memory_space<vmem>>[vector<16xi32>, vector<16xi32>], vector<16xf32>,
        %gather3A_348 = tpu.vector_load_idx %arg6[%broadcast_in_dim3A_24, %get3A_298] : memref<8x4096xf32, #tpu.memory_space<vmem>>[vector<16xi32>, vector<16xi32>], vector<16xf32>,
        %gather3A_349 = tpu.vector_load_idx %arg6[%broadcast_in_dim3A_26, %get3A_298] : memref<8x4096xf32, #tpu.memory_space<vmem>>[vector<16xi32>, vector<16xi32>], vector<16xf32>,
        %gather3A_350 = tpu.vector_load_idx %arg6[%broadcast_in_dim3A_28, %get3A_298] : memref<8x4096xf32, #tpu.memory_space<vmem>>[vector<16xi32>, vector<16xi32>], vector<16xf32>,
        %gather3A_351 = tpu.vector_load_idx %arg6[%broadcast_in_dim3A_30, %get3A_298] : memref<8x4096xf32, #tpu.memory_space<vmem>>[vector<16xi32>, vector<16xi32>], vector<16xf32>,
        %gather3A_352 = tpu.vector_load_idx %arg6[%broadcast_in_dim3A_32, %get3A_298] : memref<8x4096xf32, #tpu.memory_space<vmem>>[vector<16xi32>, vector<16xi32>], vector<16xf32>,
        %gather3A_353 = tpu.vector_load_idx %arg6[%broadcast_in_dim3A_34, %get3A_298] : memref<8x4096xf32, #tpu.memory_space<vmem>>[vector<16xi32>, vector<16xi32>], vector<16xf32>,
        %gather3A_354 = tpu.vector_load_idx %arg6[%broadcast_in_dim3A_36, %get3A_298] : memref<8x4096xf32, #tpu.memory_space<vmem>>[vector<16xi32>, vector<16xi32>], vector<16xf32>,
        %swap3A_355 = arith.constant 0 : i32
        %swap3A_356 = arith.index_cast %swap3A_355 : i32 to index
        %swap3A_357 = arith.index_cast %mul3A_340 : i32 to index
        %swap3A_358 = tpu.vector_load %arg8[%swap3A_356, %swap3A_357] {strides = array<i32>} : memref<8x1024xf32, #tpu.memory_space<vmem>>, vector<16xf32>,
        tpu.vector_store %arg8[%swap3A_356, %swap3A_357], %gather3A_347 {strides = array<i32>} : memref<8x1024xf32, #tpu.memory_space<vmem>>, vector<16xf32>,
        %swap3A_359 = arith.constant 1 : i32
        %swap3A_360 = arith.index_cast %swap3A_359 : i32 to index
        %swap3A_361 = arith.index_cast %mul3A_340 : i32 to index
        %swap3A_362 = tpu.vector_load %arg8[%swap3A_360, %swap3A_361] {strides = array<i32>} : memref<8x1024xf32, #tpu.memory_space<vmem>>, vector<16xf32>,
        tpu.vector_store %arg8[%swap3A_360, %swap3A_361], %gather3A_348 {strides = array<i32>} : memref<8x1024xf32, #tpu.memory_space<vmem>>, vector<16xf32>,
        %swap3A_363 = arith.constant 2 : i32
        %swap3A_364 = arith.index_cast %swap3A_363 : i32 to index
        %swap3A_365 = arith.index_cast %mul3A_340 : i32 to index
        %swap3A_366 = tpu.vector_load %arg8[%swap3A_364, %swap3A_365] {strides = array<i32>} : memref<8x1024xf32, #tpu.memory_space<vmem>>, vector<16xf32>,
        tpu.vector_store %arg8[%swap3A_364, %swap3A_365], %gather3A_349 {strides = array<i32>} : memref<8x1024xf32, #tpu.memory_space<vmem>>, vector<16xf32>,
        %swap3A_367 = arith.constant 3 : i32
        %swap3A_368 = arith.index_cast %swap3A_367 : i32 to index
        %swap3A_369 = arith.index_cast %mul3A_340 : i32 to index
        %swap3A_370 = tpu.vector_load %arg8[%swap3A_368, %swap3A_369] {strides = array<i32>} : memref<8x1024xf32, #tpu.memory_space<vmem>>, vector<16xf32>,
        tpu.vector_store %arg8[%swap3A_368, %swap3A_369], %gather3A_350 {strides = array<i32>} : memref<8x1024xf32, #tpu.memory_space<vmem>>, vector<16xf32>,
        %swap3A_371 = arith.constant 4 : i32
        %swap3A_372 = arith.index_cast %swap3A_371 : i32 to index
        %swap3A_373 = arith.index_cast %mul3A_340 : i32 to index
        %swap3A_374 = tpu.vector_load %arg8[%swap3A_372, %swap3A_373] {strides = array<i32>} : memref<8x1024xf32, #tpu.memory_space<vmem>>, vector<16xf32>,
        tpu.vector_store %arg8[%swap3A_372, %swap3A_373], %gather3A_351 {strides = array<i32>} : memref<8x1024xf32, #tpu.memory_space<vmem>>, vector<16xf32>,
        %swap3A_375 = arith.constant 5 : i32
        %swap3A_376 = arith.index_cast %swap3A_375 : i32 to index
        %swap3A_377 = arith.index_cast %mul3A_340 : i32 to index
        %swap3A_378 = tpu.vector_load %arg8[%swap3A_376, %swap3A_377] {strides = array<i32>} : memref<8x1024xf32, #tpu.memory_space<vmem>>, vector<16xf32>,
        tpu.vector_store %arg8[%swap3A_376, %swap3A_377], %gather3A_352 {strides = array<i32>} : memref<8x1024xf32, #tpu.memory_space<vmem>>, vector<16xf32>,
        %swap3A_379 = arith.constant 6 : i32
        %swap3A_380 = arith.index_cast %swap3A_379 : i32 to index
        %swap3A_381 = arith.index_cast %mul3A_340 : i32 to index
        %swap3A_382 = tpu.vector_load %arg8[%swap3A_380, %swap3A_381] {strides = array<i32>} : memref<8x1024xf32, #tpu.memory_space<vmem>>, vector<16xf32>,
        tpu.vector_store %arg8[%swap3A_380, %swap3A_381], %gather3A_353 {strides = array<i32>} : memref<8x1024xf32, #tpu.memory_space<vmem>>, vector<16xf32>,
        %swap3A_383 = arith.constant 7 : i32
        %swap3A_384 = arith.index_cast %swap3A_383 : i32 to index
        %swap3A_385 = arith.index_cast %mul3A_340 : i32 to index
        %swap3A_386 = tpu.vector_load %arg8[%swap3A_384, %swap3A_385] {strides = array<i32>} : memref<8x1024xf32, #tpu.memory_space<vmem>>, vector<16xf32>,
        tpu.vector_store %arg8[%swap3A_384, %swap3A_385], %gather3A_354 {strides = array<i32>} : memref<8x1024xf32, #tpu.memory_space<vmem>>, vector<16xf32>,
        scf.yield %get3A_346 : vector<16xi32>
      }
      %scan3A_99 = arith.constant 64 : i32
      %add3A_100 = arith.addi %mul3A_2, %add3A_81 : i32
      %dma_start3A_101 = arith.constant 0 : i32
      %dma_start3A_102 = arith.constant 0 : i32
      %dma_start3A_103 = tpu.memref_slice %arg4[%add3A_100, %dma_start3A_101, %dma_start3A_102] : memref<2048x8x4096xf32, #tpu.memory_space<hbm>> -> memref<1x8x1024xf32, #tpu.memory_space<hbm>>
      %dma_start3A_104 = tpu.memref_squeeze %dma_start3A_103 : memref<1x8x1024xf32, #tpu.memory_space<hbm>> -> memref<8x1024xf32, #tpu.memory_space<hbm>>
      %dma_start3A_105 = arith.constant 0 : i32
      %dma_start3A_106 = arith.constant 0 : i32
      %dma_start3A_107 = tpu.memref_slice %arg4[%add3A_100, %dma_start3A_105, %dma_start3A_106] : memref<2048x8x4096xf32, #tpu.memory_space<hbm>> -> memref<1x8x1024xf32, #tpu.memory_space<hbm>>
      %dma_start3A_108 = tpu.memref_squeeze %dma_start3A_107 : memref<1x8x1024xf32, #tpu.memory_space<hbm>> -> memref<8x1024xf32, #tpu.memory_space<hbm>>
      tpu.enqueue_dma source(%arg8 : memref<8x1024xf32, #tpu.memory_space<vmem>>) target(%dma_start3A_108 : memref<8x1024xf32, #tpu.memory_space<hbm>>) target_semaphore(%arg14 : memref<!tpu.dma_semaphore, #tpu.memory_space<semaphore_mem>>)
      %gt3A_109 = arith.constant 0 : i32
      %gt3A_110 = arith.cmpi sgt, %add3A_81, %gt3A_109 : i32
      %convert_element_type3A_111 = arith.extui %gt3A_110 : i1 to i32
      %cond3A_112 = arith.constant 0 : i32
      %cond3A_113 = arith.cmpi ne, %convert_element_type3A_111, %cond3A_112 : i32
      scf.if %cond3A_113 {
        %dma_wait3A_289 = arith.constant 0 : i32
        %dma_wait3A_290 = arith.constant 0 : i32
        %dma_wait3A_291 = arith.constant 0 : i32
        %dma_wait3A_292 = tpu.memref_slice %arg4[%dma_wait3A_289, %dma_wait3A_290, %dma_wait3A_291] : memref<2048x8x4096xf32, #tpu.memory_space<hbm>> -> memref<1x8x1024xf32, #tpu.memory_space<hbm>>
        %dma_wait3A_293 = tpu.memref_squeeze %dma_wait3A_292 : memref<1x8x1024xf32, #tpu.memory_space<hbm>> -> memref<8x1024xf32, #tpu.memory_space<hbm>>
        %dma_wait3A_294 = arith.constant 0 : i32
        %dma_wait3A_295 = arith.constant 0 : i32
        %dma_wait3A_296 = tpu.memref_slice %arg4[%dma_wait3A_289, %dma_wait3A_294, %dma_wait3A_295] : memref<2048x8x4096xf32, #tpu.memory_space<hbm>> -> memref<1x8x1024xf32, #tpu.memory_space<hbm>>
        %dma_wait3A_297 = tpu.memref_squeeze %dma_wait3A_296 : memref<1x8x1024xf32, #tpu.memory_space<hbm>> -> memref<8x1024xf32, #tpu.memory_space<hbm>>
        tpu.wait_dma2 semaphore(%arg15 : memref<!tpu.dma_semaphore, #tpu.memory_space<semaphore_mem>>) src(%arg9 : memref<8x1024xf32, #tpu.memory_space<vmem>>) dst(%dma_wait3A_297 : memref<8x1024xf32, #tpu.memory_space<hbm>>)
      } else {
      }
      %get3A_114 = arith.constant 1024 : index
      %get3A_115 = tpu.vector_load %arg5[%get3A_114] {strides = array<i32>} : memref<4112xi32, #tpu.memory_space<vmem>>, vector<16xi32>,
      %scan3A_116 = arith.constant 0 : i32
      %scan3A_117 = arith.constant 64 : i32
      %scan3A_118 = arith.addi %scan3A_116, %scan3A_117 : i32
      %scan3A_119 = arith.constant 2 : i32
      %scan3A_120 = scf.for %scan3A_289 = %scan3A_116 to %scan3A_118 step %scan3A_119 iter_args(%scan3A_290 = %get3A_115) -> (vector<16xi32>)  : i32 {
        %mul3A_291 = arith.constant 16 : i32
        %mul3A_292 = arith.muli %scan3A_289, %mul3A_291 : i32
        %add3A_293 = arith.constant 1024 : i32
        %add3A_294 = arith.addi %add3A_293, %mul3A_292 : i32
        %add3A_295 = arith.constant 16 : i32
        %add3A_296 = arith.addi %add3A_294, %add3A_295 : i32
        %get3A_297 = arith.index_cast %add3A_296 : i32 to index
        %get3A_298 = tpu.vector_load %arg5[%get3A_297] {strides = array<i32>} : memref<4112xi32, #tpu.memory_space<vmem>>, vector<16xi32>,
        %gather3A = tpu.vector_load_idx %arg6[%broadcast_in_dim3A_22, %scan3A_290] : memref<8x4096xf32, #tpu.memory_space<vmem>>[vector<16xi32>, vector<16xi32>], vector<16xf32>,
        %gather3A_299 = tpu.vector_load_idx %arg6[%broadcast_in_dim3A_24, %scan3A_290] : memref<8x4096xf32, #tpu.memory_space<vmem>>[vector<16xi32>, vector<16xi32>], vector<16xf32>,
        %gather3A_300 = tpu.vector_load_idx %arg6[%broadcast_in_dim3A_26, %scan3A_290] : memref<8x4096xf32, #tpu.memory_space<vmem>>[vector<16xi32>, vector<16xi32>], vector<16xf32>,
        %gather3A_301 = tpu.vector_load_idx %arg6[%broadcast_in_dim3A_28, %scan3A_290] : memref<8x4096xf32, #tpu.memory_space<vmem>>[vector<16xi32>, vector<16xi32>], vector<16xf32>,
        %gather3A_302 = tpu.vector_load_idx %arg6[%broadcast_in_dim3A_30, %scan3A_290] : memref<8x4096xf32, #tpu.memory_space<vmem>>[vector<16xi32>, vector<16xi32>], vector<16xf32>,
        %gather3A_303 = tpu.vector_load_idx %arg6[%broadcast_in_dim3A_32, %scan3A_290] : memref<8x4096xf32, #tpu.memory_space<vmem>>[vector<16xi32>, vector<16xi32>], vector<16xf32>,
        %gather3A_304 = tpu.vector_load_idx %arg6[%broadcast_in_dim3A_34, %scan3A_290] : memref<8x4096xf32, #tpu.memory_space<vmem>>[vector<16xi32>, vector<16xi32>], vector<16xf32>,
        %gather3A_305 = tpu.vector_load_idx %arg6[%broadcast_in_dim3A_36, %scan3A_290] : memref<8x4096xf32, #tpu.memory_space<vmem>>[vector<16xi32>, vector<16xi32>], vector<16xf32>,
        %swap3A = arith.constant 0 : i32
        %swap3A_306 = arith.index_cast %swap3A : i32 to index
        %swap3A_307 = arith.index_cast %mul3A_292 : i32 to index
        %swap3A_308 = tpu.vector_load %arg9[%swap3A_306, %swap3A_307] {strides = array<i32>} : memref<8x1024xf32, #tpu.memory_space<vmem>>, vector<16xf32>,
        tpu.vector_store %arg9[%swap3A_306, %swap3A_307], %gather3A {strides = array<i32>} : memref<8x1024xf32, #tpu.memory_space<vmem>>, vector<16xf32>,
        %swap3A_309 = arith.constant 1 : i32
        %swap3A_310 = arith.index_cast %swap3A_309 : i32 to index
        %swap3A_311 = arith.index_cast %mul3A_292 : i32 to index
        %swap3A_312 = tpu.vector_load %arg9[%swap3A_310, %swap3A_311] {strides = array<i32>} : memref<8x1024xf32, #tpu.memory_space<vmem>>, vector<16xf32>,
        tpu.vector_store %arg9[%swap3A_310, %swap3A_311], %gather3A_299 {strides = array<i32>} : memref<8x1024xf32, #tpu.memory_space<vmem>>, vector<16xf32>,
        %swap3A_313 = arith.constant 2 : i32
        %swap3A_314 = arith.index_cast %swap3A_313 : i32 to index
        %swap3A_315 = arith.index_cast %mul3A_292 : i32 to index
        %swap3A_316 = tpu.vector_load %arg9[%swap3A_314, %swap3A_315] {strides = array<i32>} : memref<8x1024xf32, #tpu.memory_space<vmem>>, vector<16xf32>,
        tpu.vector_store %arg9[%swap3A_314, %swap3A_315], %gather3A_300 {strides = array<i32>} : memref<8x1024xf32, #tpu.memory_space<vmem>>, vector<16xf32>,
        %swap3A_317 = arith.constant 3 : i32
        %swap3A_318 = arith.index_cast %swap3A_317 : i32 to index
        %swap3A_319 = arith.index_cast %mul3A_292 : i32 to index
        %swap3A_320 = tpu.vector_load %arg9[%swap3A_318, %swap3A_319] {strides = array<i32>} : memref<8x1024xf32, #tpu.memory_space<vmem>>, vector<16xf32>,
        tpu.vector_store %arg9[%swap3A_318, %swap3A_319], %gather3A_301 {strides = array<i32>} : memref<8x1024xf32, #tpu.memory_space<vmem>>, vector<16xf32>,
        %swap3A_321 = arith.constant 4 : i32
        %swap3A_322 = arith.index_cast %swap3A_321 : i32 to index
        %swap3A_323 = arith.index_cast %mul3A_292 : i32 to index
        %swap3A_324 = tpu.vector_load %arg9[%swap3A_322, %swap3A_323] {strides = array<i32>} : memref<8x1024xf32, #tpu.memory_space<vmem>>, vector<16xf32>,
        tpu.vector_store %arg9[%swap3A_322, %swap3A_323], %gather3A_302 {strides = array<i32>} : memref<8x1024xf32, #tpu.memory_space<vmem>>, vector<16xf32>,
        %swap3A_325 = arith.constant 5 : i32
        %swap3A_326 = arith.index_cast %swap3A_325 : i32 to index
        %swap3A_327 = arith.index_cast %mul3A_292 : i32 to index
        %swap3A_328 = tpu.vector_load %arg9[%swap3A_326, %swap3A_327] {strides = array<i32>} : memref<8x1024xf32, #tpu.memory_space<vmem>>, vector<16xf32>,
        tpu.vector_store %arg9[%swap3A_326, %swap3A_327], %gather3A_303 {strides = array<i32>} : memref<8x1024xf32, #tpu.memory_space<vmem>>, vector<16xf32>,
        %swap3A_329 = arith.constant 6 : i32
        %swap3A_330 = arith.index_cast %swap3A_329 : i32 to index
        %swap3A_331 = arith.index_cast %mul3A_292 : i32 to index
        %swap3A_332 = tpu.vector_load %arg9[%swap3A_330, %swap3A_331] {strides = array<i32>} : memref<8x1024xf32, #tpu.memory_space<vmem>>, vector<16xf32>,
        tpu.vector_store %arg9[%swap3A_330, %swap3A_331], %gather3A_304 {strides = array<i32>} : memref<8x1024xf32, #tpu.memory_space<vmem>>, vector<16xf32>,
        %swap3A_333 = arith.constant 7 : i32
        %swap3A_334 = arith.index_cast %swap3A_333 : i32 to index
        %swap3A_335 = arith.index_cast %mul3A_292 : i32 to index
        %swap3A_336 = tpu.vector_load %arg9[%swap3A_334, %swap3A_335] {strides = array<i32>} : memref<8x1024xf32, #tpu.memory_space<vmem>>, vector<16xf32>,
        tpu.vector_store %arg9[%swap3A_334, %swap3A_335], %gather3A_305 {strides = array<i32>} : memref<8x1024xf32, #tpu.memory_space<vmem>>, vector<16xf32>,
        %scan3A_337 = arith.constant 1 : i32
        %scan3A_338 = arith.addi %scan3A_289, %scan3A_337 : i32
        %mul3A_339 = arith.constant 16 : i32
        %mul3A_340 = arith.muli %scan3A_338, %mul3A_339 : i32
        %add3A_341 = arith.constant 1024 : i32
        %add3A_342 = arith.addi %add3A_341, %mul3A_340 : i32
        %add3A_343 = arith.constant 16 : i32
        %add3A_344 = arith.addi %add3A_342, %add3A_343 : i32
        %get3A_345 = arith.index_cast %add3A_344 : i32 to index
        %get3A_346 = tpu.vector_load %arg5[%get3A_345] {strides = array<i32>} : memref<4112xi32, #tpu.memory_space<vmem>>, vector<16xi32>,
        %gather3A_347 = tpu.vector_load_idx %arg6[%broadcast_in_dim3A_22, %get3A_298] : memref<8x4096xf32, #tpu.memory_space<vmem>>[vector<16xi32>, vector<16xi32>], vector<16xf32>,
        %gather3A_348 = tpu.vector_load_idx %arg6[%broadcast_in_dim3A_24, %get3A_298] : memref<8x4096xf32, #tpu.memory_space<vmem>>[vector<16xi32>, vector<16xi32>], vector<16xf32>,
        %gather3A_349 = tpu.vector_load_idx %arg6[%broadcast_in_dim3A_26, %get3A_298] : memref<8x4096xf32, #tpu.memory_space<vmem>>[vector<16xi32>, vector<16xi32>], vector<16xf32>,
        %gather3A_350 = tpu.vector_load_idx %arg6[%broadcast_in_dim3A_28, %get3A_298] : memref<8x4096xf32, #tpu.memory_space<vmem>>[vector<16xi32>, vector<16xi32>], vector<16xf32>,
        %gather3A_351 = tpu.vector_load_idx %arg6[%broadcast_in_dim3A_30, %get3A_298] : memref<8x4096xf32, #tpu.memory_space<vmem>>[vector<16xi32>, vector<16xi32>], vector<16xf32>,
        %gather3A_352 = tpu.vector_load_idx %arg6[%broadcast_in_dim3A_32, %get3A_298] : memref<8x4096xf32, #tpu.memory_space<vmem>>[vector<16xi32>, vector<16xi32>], vector<16xf32>,
        %gather3A_353 = tpu.vector_load_idx %arg6[%broadcast_in_dim3A_34, %get3A_298] : memref<8x4096xf32, #tpu.memory_space<vmem>>[vector<16xi32>, vector<16xi32>], vector<16xf32>,
        %gather3A_354 = tpu.vector_load_idx %arg6[%broadcast_in_dim3A_36, %get3A_298] : memref<8x4096xf32, #tpu.memory_space<vmem>>[vector<16xi32>, vector<16xi32>], vector<16xf32>,
        %swap3A_355 = arith.constant 0 : i32
        %swap3A_356 = arith.index_cast %swap3A_355 : i32 to index
        %swap3A_357 = arith.index_cast %mul3A_340 : i32 to index
        %swap3A_358 = tpu.vector_load %arg9[%swap3A_356, %swap3A_357] {strides = array<i32>} : memref<8x1024xf32, #tpu.memory_space<vmem>>, vector<16xf32>,
        tpu.vector_store %arg9[%swap3A_356, %swap3A_357], %gather3A_347 {strides = array<i32>} : memref<8x1024xf32, #tpu.memory_space<vmem>>, vector<16xf32>,
        %swap3A_359 = arith.constant 1 : i32
        %swap3A_360 = arith.index_cast %swap3A_359 : i32 to index
        %swap3A_361 = arith.index_cast %mul3A_340 : i32 to index
        %swap3A_362 = tpu.vector_load %arg9[%swap3A_360, %swap3A_361] {strides = array<i32>} : memref<8x1024xf32, #tpu.memory_space<vmem>>, vector<16xf32>,
        tpu.vector_store %arg9[%swap3A_360, %swap3A_361], %gather3A_348 {strides = array<i32>} : memref<8x1024xf32, #tpu.memory_space<vmem>>, vector<16xf32>,
        %swap3A_363 = arith.constant 2 : i32
        %swap3A_364 = arith.index_cast %swap3A_363 : i32 to index
        %swap3A_365 = arith.index_cast %mul3A_340 : i32 to index
        %swap3A_366 = tpu.vector_load %arg9[%swap3A_364, %swap3A_365] {strides = array<i32>} : memref<8x1024xf32, #tpu.memory_space<vmem>>, vector<16xf32>,
        tpu.vector_store %arg9[%swap3A_364, %swap3A_365], %gather3A_349 {strides = array<i32>} : memref<8x1024xf32, #tpu.memory_space<vmem>>, vector<16xf32>,
        %swap3A_367 = arith.constant 3 : i32
        %swap3A_368 = arith.index_cast %swap3A_367 : i32 to index
        %swap3A_369 = arith.index_cast %mul3A_340 : i32 to index
        %swap3A_370 = tpu.vector_load %arg9[%swap3A_368, %swap3A_369] {strides = array<i32>} : memref<8x1024xf32, #tpu.memory_space<vmem>>, vector<16xf32>,
        tpu.vector_store %arg9[%swap3A_368, %swap3A_369], %gather3A_350 {strides = array<i32>} : memref<8x1024xf32, #tpu.memory_space<vmem>>, vector<16xf32>,
        %swap3A_371 = arith.constant 4 : i32
        %swap3A_372 = arith.index_cast %swap3A_371 : i32 to index
        %swap3A_373 = arith.index_cast %mul3A_340 : i32 to index
        %swap3A_374 = tpu.vector_load %arg9[%swap3A_372, %swap3A_373] {strides = array<i32>} : memref<8x1024xf32, #tpu.memory_space<vmem>>, vector<16xf32>,
        tpu.vector_store %arg9[%swap3A_372, %swap3A_373], %gather3A_351 {strides = array<i32>} : memref<8x1024xf32, #tpu.memory_space<vmem>>, vector<16xf32>,
        %swap3A_375 = arith.constant 5 : i32
        %swap3A_376 = arith.index_cast %swap3A_375 : i32 to index
        %swap3A_377 = arith.index_cast %mul3A_340 : i32 to index
        %swap3A_378 = tpu.vector_load %arg9[%swap3A_376, %swap3A_377] {strides = array<i32>} : memref<8x1024xf32, #tpu.memory_space<vmem>>, vector<16xf32>,
        tpu.vector_store %arg9[%swap3A_376, %swap3A_377], %gather3A_352 {strides = array<i32>} : memref<8x1024xf32, #tpu.memory_space<vmem>>, vector<16xf32>,
        %swap3A_379 = arith.constant 6 : i32
        %swap3A_380 = arith.index_cast %swap3A_379 : i32 to index
        %swap3A_381 = arith.index_cast %mul3A_340 : i32 to index
        %swap3A_382 = tpu.vector_load %arg9[%swap3A_380, %swap3A_381] {strides = array<i32>} : memref<8x1024xf32, #tpu.memory_space<vmem>>, vector<16xf32>,
        tpu.vector_store %arg9[%swap3A_380, %swap3A_381], %gather3A_353 {strides = array<i32>} : memref<8x1024xf32, #tpu.memory_space<vmem>>, vector<16xf32>,
        %swap3A_383 = arith.constant 7 : i32
        %swap3A_384 = arith.index_cast %swap3A_383 : i32 to index
        %swap3A_385 = arith.index_cast %mul3A_340 : i32 to index
        %swap3A_386 = tpu.vector_load %arg9[%swap3A_384, %swap3A_385] {strides = array<i32>} : memref<8x1024xf32, #tpu.memory_space<vmem>>, vector<16xf32>,
        tpu.vector_store %arg9[%swap3A_384, %swap3A_385], %gather3A_354 {strides = array<i32>} : memref<8x1024xf32, #tpu.memory_space<vmem>>, vector<16xf32>,
        scf.yield %get3A_346 : vector<16xi32>
      }
      %scan3A_121 = arith.constant 64 : i32
      %add3A_122 = arith.addi %mul3A_2, %add3A_81 : i32
      %dma_start3A_123 = arith.constant 0 : i32
      %dma_start3A_124 = arith.constant 1024 : i32
      %dma_start3A_125 = tpu.memref_slice %arg4[%add3A_122, %dma_start3A_123, %dma_start3A_124] : memref<2048x8x4096xf32, #tpu.memory_space<hbm>> -> memref<1x8x1024xf32, #tpu.memory_space<hbm>>
      %dma_start3A_126 = tpu.memref_squeeze %dma_start3A_125 : memref<1x8x1024xf32, #tpu.memory_space<hbm>> -> memref<8x1024xf32, #tpu.memory_space<hbm>>
      %dma_start3A_127 = arith.constant 0 : i32
      %dma_start3A_128 = arith.constant 1024 : i32
      %dma_start3A_129 = tpu.memref_slice %arg4[%add3A_122, %dma_start3A_127, %dma_start3A_128] : memref<2048x8x4096xf32, #tpu.memory_space<hbm>> -> memref<1x8x1024xf32, #tpu.memory_space<hbm>>
      %dma_start3A_130 = tpu.memref_squeeze %dma_start3A_129 : memref<1x8x1024xf32, #tpu.memory_space<hbm>> -> memref<8x1024xf32, #tpu.memory_space<hbm>>
      tpu.enqueue_dma source(%arg9 : memref<8x1024xf32, #tpu.memory_space<vmem>>) target(%dma_start3A_130 : memref<8x1024xf32, #tpu.memory_space<hbm>>) target_semaphore(%arg15 : memref<!tpu.dma_semaphore, #tpu.memory_space<semaphore_mem>>)
      %gt3A_131 = arith.constant 0 : i32
      %gt3A_132 = arith.cmpi sgt, %add3A_81, %gt3A_131 : i32
      %convert_element_type3A_133 = arith.extui %gt3A_132 : i1 to i32
      %cond3A_134 = arith.constant 0 : i32
      %cond3A_135 = arith.cmpi ne, %convert_element_type3A_133, %cond3A_134 : i32
      scf.if %cond3A_135 {
        %dma_wait3A_289 = arith.constant 0 : i32
        %dma_wait3A_290 = arith.constant 0 : i32
        %dma_wait3A_291 = arith.constant 0 : i32
        %dma_wait3A_292 = tpu.memref_slice %arg4[%dma_wait3A_289, %dma_wait3A_290, %dma_wait3A_291] : memref<2048x8x4096xf32, #tpu.memory_space<hbm>> -> memref<1x8x1024xf32, #tpu.memory_space<hbm>>
        %dma_wait3A_293 = tpu.memref_squeeze %dma_wait3A_292 : memref<1x8x1024xf32, #tpu.memory_space<hbm>> -> memref<8x1024xf32, #tpu.memory_space<hbm>>
        %dma_wait3A_294 = arith.constant 0 : i32
        %dma_wait3A_295 = arith.constant 0 : i32
        %dma_wait3A_296 = tpu.memref_slice %arg4[%dma_wait3A_289, %dma_wait3A_294, %dma_wait3A_295] : memref<2048x8x4096xf32, #tpu.memory_space<hbm>> -> memref<1x8x1024xf32, #tpu.memory_space<hbm>>
        %dma_wait3A_297 = tpu.memref_squeeze %dma_wait3A_296 : memref<1x8x1024xf32, #tpu.memory_space<hbm>> -> memref<8x1024xf32, #tpu.memory_space<hbm>>
        tpu.wait_dma2 semaphore(%arg16 : memref<!tpu.dma_semaphore, #tpu.memory_space<semaphore_mem>>) src(%arg10 : memref<8x1024xf32, #tpu.memory_space<vmem>>) dst(%dma_wait3A_297 : memref<8x1024xf32, #tpu.memory_space<hbm>>)
      } else {
      }
      %get3A_136 = arith.constant 2048 : index
      %get3A_137 = tpu.vector_load %arg5[%get3A_136] {strides = array<i32>} : memref<4112xi32, #tpu.memory_space<vmem>>, vector<16xi32>,
      %scan3A_138 = arith.constant 0 : i32
      %scan3A_139 = arith.constant 64 : i32
      %scan3A_140 = arith.addi %scan3A_138, %scan3A_139 : i32
      %scan3A_141 = arith.constant 2 : i32
      %scan3A_142 = scf.for %scan3A_289 = %scan3A_138 to %scan3A_140 step %scan3A_141 iter_args(%scan3A_290 = %get3A_137) -> (vector<16xi32>)  : i32 {
        %mul3A_291 = arith.constant 16 : i32
        %mul3A_292 = arith.muli %scan3A_289, %mul3A_291 : i32
        %add3A_293 = arith.constant 2048 : i32
        %add3A_294 = arith.addi %add3A_293, %mul3A_292 : i32
        %add3A_295 = arith.constant 16 : i32
        %add3A_296 = arith.addi %add3A_294, %add3A_295 : i32
        %get3A_297 = arith.index_cast %add3A_296 : i32 to index
        %get3A_298 = tpu.vector_load %arg5[%get3A_297] {strides = array<i32>} : memref<4112xi32, #tpu.memory_space<vmem>>, vector<16xi32>,
        %gather3A = tpu.vector_load_idx %arg6[%broadcast_in_dim3A_22, %scan3A_290] : memref<8x4096xf32, #tpu.memory_space<vmem>>[vector<16xi32>, vector<16xi32>], vector<16xf32>,
        %gather3A_299 = tpu.vector_load_idx %arg6[%broadcast_in_dim3A_24, %scan3A_290] : memref<8x4096xf32, #tpu.memory_space<vmem>>[vector<16xi32>, vector<16xi32>], vector<16xf32>,
        %gather3A_300 = tpu.vector_load_idx %arg6[%broadcast_in_dim3A_26, %scan3A_290] : memref<8x4096xf32, #tpu.memory_space<vmem>>[vector<16xi32>, vector<16xi32>], vector<16xf32>,
        %gather3A_301 = tpu.vector_load_idx %arg6[%broadcast_in_dim3A_28, %scan3A_290] : memref<8x4096xf32, #tpu.memory_space<vmem>>[vector<16xi32>, vector<16xi32>], vector<16xf32>,
        %gather3A_302 = tpu.vector_load_idx %arg6[%broadcast_in_dim3A_30, %scan3A_290] : memref<8x4096xf32, #tpu.memory_space<vmem>>[vector<16xi32>, vector<16xi32>], vector<16xf32>,
        %gather3A_303 = tpu.vector_load_idx %arg6[%broadcast_in_dim3A_32, %scan3A_290] : memref<8x4096xf32, #tpu.memory_space<vmem>>[vector<16xi32>, vector<16xi32>], vector<16xf32>,
        %gather3A_304 = tpu.vector_load_idx %arg6[%broadcast_in_dim3A_34, %scan3A_290] : memref<8x4096xf32, #tpu.memory_space<vmem>>[vector<16xi32>, vector<16xi32>], vector<16xf32>,
        %gather3A_305 = tpu.vector_load_idx %arg6[%broadcast_in_dim3A_36, %scan3A_290] : memref<8x4096xf32, #tpu.memory_space<vmem>>[vector<16xi32>, vector<16xi32>], vector<16xf32>,
        %swap3A = arith.constant 0 : i32
        %swap3A_306 = arith.index_cast %swap3A : i32 to index
        %swap3A_307 = arith.index_cast %mul3A_292 : i32 to index
        %swap3A_308 = tpu.vector_load %arg10[%swap3A_306, %swap3A_307] {strides = array<i32>} : memref<8x1024xf32, #tpu.memory_space<vmem>>, vector<16xf32>,
        tpu.vector_store %arg10[%swap3A_306, %swap3A_307], %gather3A {strides = array<i32>} : memref<8x1024xf32, #tpu.memory_space<vmem>>, vector<16xf32>,
        %swap3A_309 = arith.constant 1 : i32
        %swap3A_310 = arith.index_cast %swap3A_309 : i32 to index
        %swap3A_311 = arith.index_cast %mul3A_292 : i32 to index
        %swap3A_312 = tpu.vector_load %arg10[%swap3A_310, %swap3A_311] {strides = array<i32>} : memref<8x1024xf32, #tpu.memory_space<vmem>>, vector<16xf32>,
        tpu.vector_store %arg10[%swap3A_310, %swap3A_311], %gather3A_299 {strides = array<i32>} : memref<8x1024xf32, #tpu.memory_space<vmem>>, vector<16xf32>,
        %swap3A_313 = arith.constant 2 : i32
        %swap3A_314 = arith.index_cast %swap3A_313 : i32 to index
        %swap3A_315 = arith.index_cast %mul3A_292 : i32 to index
        %swap3A_316 = tpu.vector_load %arg10[%swap3A_314, %swap3A_315] {strides = array<i32>} : memref<8x1024xf32, #tpu.memory_space<vmem>>, vector<16xf32>,
        tpu.vector_store %arg10[%swap3A_314, %swap3A_315], %gather3A_300 {strides = array<i32>} : memref<8x1024xf32, #tpu.memory_space<vmem>>, vector<16xf32>,
        %swap3A_317 = arith.constant 3 : i32
        %swap3A_318 = arith.index_cast %swap3A_317 : i32 to index
        %swap3A_319 = arith.index_cast %mul3A_292 : i32 to index
        %swap3A_320 = tpu.vector_load %arg10[%swap3A_318, %swap3A_319] {strides = array<i32>} : memref<8x1024xf32, #tpu.memory_space<vmem>>, vector<16xf32>,
        tpu.vector_store %arg10[%swap3A_318, %swap3A_319], %gather3A_301 {strides = array<i32>} : memref<8x1024xf32, #tpu.memory_space<vmem>>, vector<16xf32>,
        %swap3A_321 = arith.constant 4 : i32
        %swap3A_322 = arith.index_cast %swap3A_321 : i32 to index
        %swap3A_323 = arith.index_cast %mul3A_292 : i32 to index
        %swap3A_324 = tpu.vector_load %arg10[%swap3A_322, %swap3A_323] {strides = array<i32>} : memref<8x1024xf32, #tpu.memory_space<vmem>>, vector<16xf32>,
        tpu.vector_store %arg10[%swap3A_322, %swap3A_323], %gather3A_302 {strides = array<i32>} : memref<8x1024xf32, #tpu.memory_space<vmem>>, vector<16xf32>,
        %swap3A_325 = arith.constant 5 : i32
        %swap3A_326 = arith.index_cast %swap3A_325 : i32 to index
        %swap3A_327 = arith.index_cast %mul3A_292 : i32 to index
        %swap3A_328 = tpu.vector_load %arg10[%swap3A_326, %swap3A_327] {strides = array<i32>} : memref<8x1024xf32, #tpu.memory_space<vmem>>, vector<16xf32>,
        tpu.vector_store %arg10[%swap3A_326, %swap3A_327], %gather3A_303 {strides = array<i32>} : memref<8x1024xf32, #tpu.memory_space<vmem>>, vector<16xf32>,
        %swap3A_329 = arith.constant 6 : i32
        %swap3A_330 = arith.index_cast %swap3A_329 : i32 to index
        %swap3A_331 = arith.index_cast %mul3A_292 : i32 to index
        %swap3A_332 = tpu.vector_load %arg10[%swap3A_330, %swap3A_331] {strides = array<i32>} : memref<8x1024xf32, #tpu.memory_space<vmem>>, vector<16xf32>,
        tpu.vector_store %arg10[%swap3A_330, %swap3A_331], %gather3A_304 {strides = array<i32>} : memref<8x1024xf32, #tpu.memory_space<vmem>>, vector<16xf32>,
        %swap3A_333 = arith.constant 7 : i32
        %swap3A_334 = arith.index_cast %swap3A_333 : i32 to index
        %swap3A_335 = arith.index_cast %mul3A_292 : i32 to index
        %swap3A_336 = tpu.vector_load %arg10[%swap3A_334, %swap3A_335] {strides = array<i32>} : memref<8x1024xf32, #tpu.memory_space<vmem>>, vector<16xf32>,
        tpu.vector_store %arg10[%swap3A_334, %swap3A_335], %gather3A_305 {strides = array<i32>} : memref<8x1024xf32, #tpu.memory_space<vmem>>, vector<16xf32>,
        %scan3A_337 = arith.constant 1 : i32
        %scan3A_338 = arith.addi %scan3A_289, %scan3A_337 : i32
        %mul3A_339 = arith.constant 16 : i32
        %mul3A_340 = arith.muli %scan3A_338, %mul3A_339 : i32
        %add3A_341 = arith.constant 2048 : i32
        %add3A_342 = arith.addi %add3A_341, %mul3A_340 : i32
        %add3A_343 = arith.constant 16 : i32
        %add3A_344 = arith.addi %add3A_342, %add3A_343 : i32
        %get3A_345 = arith.index_cast %add3A_344 : i32 to index
        %get3A_346 = tpu.vector_load %arg5[%get3A_345] {strides = array<i32>} : memref<4112xi32, #tpu.memory_space<vmem>>, vector<16xi32>,
        %gather3A_347 = tpu.vector_load_idx %arg6[%broadcast_in_dim3A_22, %get3A_298] : memref<8x4096xf32, #tpu.memory_space<vmem>>[vector<16xi32>, vector<16xi32>], vector<16xf32>,
        %gather3A_348 = tpu.vector_load_idx %arg6[%broadcast_in_dim3A_24, %get3A_298] : memref<8x4096xf32, #tpu.memory_space<vmem>>[vector<16xi32>, vector<16xi32>], vector<16xf32>,
        %gather3A_349 = tpu.vector_load_idx %arg6[%broadcast_in_dim3A_26, %get3A_298] : memref<8x4096xf32, #tpu.memory_space<vmem>>[vector<16xi32>, vector<16xi32>], vector<16xf32>,
        %gather3A_350 = tpu.vector_load_idx %arg6[%broadcast_in_dim3A_28, %get3A_298] : memref<8x4096xf32, #tpu.memory_space<vmem>>[vector<16xi32>, vector<16xi32>], vector<16xf32>,
        %gather3A_351 = tpu.vector_load_idx %arg6[%broadcast_in_dim3A_30, %get3A_298] : memref<8x4096xf32, #tpu.memory_space<vmem>>[vector<16xi32>, vector<16xi32>], vector<16xf32>,
        %gather3A_352 = tpu.vector_load_idx %arg6[%broadcast_in_dim3A_32, %get3A_298] : memref<8x4096xf32, #tpu.memory_space<vmem>>[vector<16xi32>, vector<16xi32>], vector<16xf32>,
        %gather3A_353 = tpu.vector_load_idx %arg6[%broadcast_in_dim3A_34, %get3A_298] : memref<8x4096xf32, #tpu.memory_space<vmem>>[vector<16xi32>, vector<16xi32>], vector<16xf32>,
        %gather3A_354 = tpu.vector_load_idx %arg6[%broadcast_in_dim3A_36, %get3A_298] : memref<8x4096xf32, #tpu.memory_space<vmem>>[vector<16xi32>, vector<16xi32>], vector<16xf32>,
        %swap3A_355 = arith.constant 0 : i32
        %swap3A_356 = arith.index_cast %swap3A_355 : i32 to index
        %swap3A_357 = arith.index_cast %mul3A_340 : i32 to index
        %swap3A_358 = tpu.vector_load %arg10[%swap3A_356, %swap3A_357] {strides = array<i32>} : memref<8x1024xf32, #tpu.memory_space<vmem>>, vector<16xf32>,
        tpu.vector_store %arg10[%swap3A_356, %swap3A_357], %gather3A_347 {strides = array<i32>} : memref<8x1024xf32, #tpu.memory_space<vmem>>, vector<16xf32>,
        %swap3A_359 = arith.constant 1 : i32
        %swap3A_360 = arith.index_cast %swap3A_359 : i32 to index
        %swap3A_361 = arith.index_cast %mul3A_340 : i32 to index
        %swap3A_362 = tpu.vector_load %arg10[%swap3A_360, %swap3A_361] {strides = array<i32>} : memref<8x1024xf32, #tpu.memory_space<vmem>>, vector<16xf32>,
        tpu.vector_store %arg10[%swap3A_360, %swap3A_361], %gather3A_348 {strides = array<i32>} : memref<8x1024xf32, #tpu.memory_space<vmem>>, vector<16xf32>,
        %swap3A_363 = arith.constant 2 : i32
        %swap3A_364 = arith.index_cast %swap3A_363 : i32 to index
        %swap3A_365 = arith.index_cast %mul3A_340 : i32 to index
        %swap3A_366 = tpu.vector_load %arg10[%swap3A_364, %swap3A_365] {strides = array<i32>} : memref<8x1024xf32, #tpu.memory_space<vmem>>, vector<16xf32>,
        tpu.vector_store %arg10[%swap3A_364, %swap3A_365], %gather3A_349 {strides = array<i32>} : memref<8x1024xf32, #tpu.memory_space<vmem>>, vector<16xf32>,
        %swap3A_367 = arith.constant 3 : i32
        %swap3A_368 = arith.index_cast %swap3A_367 : i32 to index
        %swap3A_369 = arith.index_cast %mul3A_340 : i32 to index
        %swap3A_370 = tpu.vector_load %arg10[%swap3A_368, %swap3A_369] {strides = array<i32>} : memref<8x1024xf32, #tpu.memory_space<vmem>>, vector<16xf32>,
        tpu.vector_store %arg10[%swap3A_368, %swap3A_369], %gather3A_350 {strides = array<i32>} : memref<8x1024xf32, #tpu.memory_space<vmem>>, vector<16xf32>,
        %swap3A_371 = arith.constant 4 : i32
        %swap3A_372 = arith.index_cast %swap3A_371 : i32 to index
        %swap3A_373 = arith.index_cast %mul3A_340 : i32 to index
        %swap3A_374 = tpu.vector_load %arg10[%swap3A_372, %swap3A_373] {strides = array<i32>} : memref<8x1024xf32, #tpu.memory_space<vmem>>, vector<16xf32>,
        tpu.vector_store %arg10[%swap3A_372, %swap3A_373], %gather3A_351 {strides = array<i32>} : memref<8x1024xf32, #tpu.memory_space<vmem>>, vector<16xf32>,
        %swap3A_375 = arith.constant 5 : i32
        %swap3A_376 = arith.index_cast %swap3A_375 : i32 to index
        %swap3A_377 = arith.index_cast %mul3A_340 : i32 to index
        %swap3A_378 = tpu.vector_load %arg10[%swap3A_376, %swap3A_377] {strides = array<i32>} : memref<8x1024xf32, #tpu.memory_space<vmem>>, vector<16xf32>,
        tpu.vector_store %arg10[%swap3A_376, %swap3A_377], %gather3A_352 {strides = array<i32>} : memref<8x1024xf32, #tpu.memory_space<vmem>>, vector<16xf32>,
        %swap3A_379 = arith.constant 6 : i32
        %swap3A_380 = arith.index_cast %swap3A_379 : i32 to index
        %swap3A_381 = arith.index_cast %mul3A_340 : i32 to index
        %swap3A_382 = tpu.vector_load %arg10[%swap3A_380, %swap3A_381] {strides = array<i32>} : memref<8x1024xf32, #tpu.memory_space<vmem>>, vector<16xf32>,
        tpu.vector_store %arg10[%swap3A_380, %swap3A_381], %gather3A_353 {strides = array<i32>} : memref<8x1024xf32, #tpu.memory_space<vmem>>, vector<16xf32>,
        %swap3A_383 = arith.constant 7 : i32
        %swap3A_384 = arith.index_cast %swap3A_383 : i32 to index
        %swap3A_385 = arith.index_cast %mul3A_340 : i32 to index
        %swap3A_386 = tpu.vector_load %arg10[%swap3A_384, %swap3A_385] {strides = array<i32>} : memref<8x1024xf32, #tpu.memory_space<vmem>>, vector<16xf32>,
        tpu.vector_store %arg10[%swap3A_384, %swap3A_385], %gather3A_354 {strides = array<i32>} : memref<8x1024xf32, #tpu.memory_space<vmem>>, vector<16xf32>,
        scf.yield %get3A_346 : vector<16xi32>
      }
      %scan3A_143 = arith.constant 64 : i32
      %add3A_144 = arith.addi %mul3A_2, %add3A_81 : i32
      %dma_start3A_145 = arith.constant 0 : i32
      %dma_start3A_146 = arith.constant 2048 : i32
      %dma_start3A_147 = tpu.memref_slice %arg4[%add3A_144, %dma_start3A_145, %dma_start3A_146] : memref<2048x8x4096xf32, #tpu.memory_space<hbm>> -> memref<1x8x1024xf32, #tpu.memory_space<hbm>>
      %dma_start3A_148 = tpu.memref_squeeze %dma_start3A_147 : memref<1x8x1024xf32, #tpu.memory_space<hbm>> -> memref<8x1024xf32, #tpu.memory_space<hbm>>
      %dma_start3A_149 = arith.constant 0 : i32
      %dma_start3A_150 = arith.constant 2048 : i32
      %dma_start3A_151 = tpu.memref_slice %arg4[%add3A_144, %dma_start3A_149, %dma_start3A_150] : memref<2048x8x4096xf32, #tpu.memory_space<hbm>> -> memref<1x8x1024xf32, #tpu.memory_space<hbm>>
      %dma_start3A_152 = tpu.memref_squeeze %dma_start3A_151 : memref<1x8x1024xf32, #tpu.memory_space<hbm>> -> memref<8x1024xf32, #tpu.memory_space<hbm>>
      tpu.enqueue_dma source(%arg10 : memref<8x1024xf32, #tpu.memory_space<vmem>>) target(%dma_start3A_152 : memref<8x1024xf32, #tpu.memory_space<hbm>>) target_semaphore(%arg16 : memref<!tpu.dma_semaphore, #tpu.memory_space<semaphore_mem>>)
      %gt3A_153 = arith.constant 0 : i32
      %gt3A_154 = arith.cmpi sgt, %add3A_81, %gt3A_153 : i32
      %convert_element_type3A_155 = arith.extui %gt3A_154 : i1 to i32
      %cond3A_156 = arith.constant 0 : i32
      %cond3A_157 = arith.cmpi ne, %convert_element_type3A_155, %cond3A_156 : i32
      scf.if %cond3A_157 {
        %dma_wait3A_289 = arith.constant 0 : i32
        %dma_wait3A_290 = arith.constant 0 : i32
        %dma_wait3A_291 = arith.constant 0 : i32
        %dma_wait3A_292 = tpu.memref_slice %arg4[%dma_wait3A_289, %dma_wait3A_290, %dma_wait3A_291] : memref<2048x8x4096xf32, #tpu.memory_space<hbm>> -> memref<1x8x1024xf32, #tpu.memory_space<hbm>>
        %dma_wait3A_293 = tpu.memref_squeeze %dma_wait3A_292 : memref<1x8x1024xf32, #tpu.memory_space<hbm>> -> memref<8x1024xf32, #tpu.memory_space<hbm>>
        %dma_wait3A_294 = arith.constant 0 : i32
        %dma_wait3A_295 = arith.constant 0 : i32
        %dma_wait3A_296 = tpu.memref_slice %arg4[%dma_wait3A_289, %dma_wait3A_294, %dma_wait3A_295] : memref<2048x8x4096xf32, #tpu.memory_space<hbm>> -> memref<1x8x1024xf32, #tpu.memory_space<hbm>>
        %dma_wait3A_297 = tpu.memref_squeeze %dma_wait3A_296 : memref<1x8x1024xf32, #tpu.memory_space<hbm>> -> memref<8x1024xf32, #tpu.memory_space<hbm>>
        tpu.wait_dma2 semaphore(%arg17 : memref<!tpu.dma_semaphore, #tpu.memory_space<semaphore_mem>>) src(%arg11 : memref<8x1024xf32, #tpu.memory_space<vmem>>) dst(%dma_wait3A_297 : memref<8x1024xf32, #tpu.memory_space<hbm>>)
      } else {
      }
      %get3A_158 = arith.constant 3072 : index
      %get3A_159 = tpu.vector_load %arg5[%get3A_158] {strides = array<i32>} : memref<4112xi32, #tpu.memory_space<vmem>>, vector<16xi32>,
      %scan3A_160 = arith.constant 0 : i32
      %scan3A_161 = arith.constant 64 : i32
      %scan3A_162 = arith.addi %scan3A_160, %scan3A_161 : i32
      %scan3A_163 = arith.constant 2 : i32
      %scan3A_164 = scf.for %scan3A_289 = %scan3A_160 to %scan3A_162 step %scan3A_163 iter_args(%scan3A_290 = %get3A_159) -> (vector<16xi32>)  : i32 {
        %mul3A_291 = arith.constant 16 : i32
        %mul3A_292 = arith.muli %scan3A_289, %mul3A_291 : i32
        %add3A_293 = arith.constant 3072 : i32
        %add3A_294 = arith.addi %add3A_293, %mul3A_292 : i32
        %add3A_295 = arith.constant 16 : i32
        %add3A_296 = arith.addi %add3A_294, %add3A_295 : i32
        %get3A_297 = arith.index_cast %add3A_296 : i32 to index
        %get3A_298 = tpu.vector_load %arg5[%get3A_297] {strides = array<i32>} : memref<4112xi32, #tpu.memory_space<vmem>>, vector<16xi32>,
        %gather3A = tpu.vector_load_idx %arg6[%broadcast_in_dim3A_22, %scan3A_290] : memref<8x4096xf32, #tpu.memory_space<vmem>>[vector<16xi32>, vector<16xi32>], vector<16xf32>,
        %gather3A_299 = tpu.vector_load_idx %arg6[%broadcast_in_dim3A_24, %scan3A_290] : memref<8x4096xf32, #tpu.memory_space<vmem>>[vector<16xi32>, vector<16xi32>], vector<16xf32>,
        %gather3A_300 = tpu.vector_load_idx %arg6[%broadcast_in_dim3A_26, %scan3A_290] : memref<8x4096xf32, #tpu.memory_space<vmem>>[vector<16xi32>, vector<16xi32>], vector<16xf32>,
        %gather3A_301 = tpu.vector_load_idx %arg6[%broadcast_in_dim3A_28, %scan3A_290] : memref<8x4096xf32, #tpu.memory_space<vmem>>[vector<16xi32>, vector<16xi32>], vector<16xf32>,
        %gather3A_302 = tpu.vector_load_idx %arg6[%broadcast_in_dim3A_30, %scan3A_290] : memref<8x4096xf32, #tpu.memory_space<vmem>>[vector<16xi32>, vector<16xi32>], vector<16xf32>,
        %gather3A_303 = tpu.vector_load_idx %arg6[%broadcast_in_dim3A_32, %scan3A_290] : memref<8x4096xf32, #tpu.memory_space<vmem>>[vector<16xi32>, vector<16xi32>], vector<16xf32>,
        %gather3A_304 = tpu.vector_load_idx %arg6[%broadcast_in_dim3A_34, %scan3A_290] : memref<8x4096xf32, #tpu.memory_space<vmem>>[vector<16xi32>, vector<16xi32>], vector<16xf32>,
        %gather3A_305 = tpu.vector_load_idx %arg6[%broadcast_in_dim3A_36, %scan3A_290] : memref<8x4096xf32, #tpu.memory_space<vmem>>[vector<16xi32>, vector<16xi32>], vector<16xf32>,
        %swap3A = arith.constant 0 : i32
        %swap3A_306 = arith.index_cast %swap3A : i32 to index
        %swap3A_307 = arith.index_cast %mul3A_292 : i32 to index
        %swap3A_308 = tpu.vector_load %arg11[%swap3A_306, %swap3A_307] {strides = array<i32>} : memref<8x1024xf32, #tpu.memory_space<vmem>>, vector<16xf32>,
        tpu.vector_store %arg11[%swap3A_306, %swap3A_307], %gather3A {strides = array<i32>} : memref<8x1024xf32, #tpu.memory_space<vmem>>, vector<16xf32>,
        %swap3A_309 = arith.constant 1 : i32
        %swap3A_310 = arith.index_cast %swap3A_309 : i32 to index
        %swap3A_311 = arith.index_cast %mul3A_292 : i32 to index
        %swap3A_312 = tpu.vector_load %arg11[%swap3A_310, %swap3A_311] {strides = array<i32>} : memref<8x1024xf32, #tpu.memory_space<vmem>>, vector<16xf32>,
        tpu.vector_store %arg11[%swap3A_310, %swap3A_311], %gather3A_299 {strides = array<i32>} : memref<8x1024xf32, #tpu.memory_space<vmem>>, vector<16xf32>,
        %swap3A_313 = arith.constant 2 : i32
        %swap3A_314 = arith.index_cast %swap3A_313 : i32 to index
        %swap3A_315 = arith.index_cast %mul3A_292 : i32 to index
        %swap3A_316 = tpu.vector_load %arg11[%swap3A_314, %swap3A_315] {strides = array<i32>} : memref<8x1024xf32, #tpu.memory_space<vmem>>, vector<16xf32>,
        tpu.vector_store %arg11[%swap3A_314, %swap3A_315], %gather3A_300 {strides = array<i32>} : memref<8x1024xf32, #tpu.memory_space<vmem>>, vector<16xf32>,
        %swap3A_317 = arith.constant 3 : i32
        %swap3A_318 = arith.index_cast %swap3A_317 : i32 to index
        %swap3A_319 = arith.index_cast %mul3A_292 : i32 to index
        %swap3A_320 = tpu.vector_load %arg11[%swap3A_318, %swap3A_319] {strides = array<i32>} : memref<8x1024xf32, #tpu.memory_space<vmem>>, vector<16xf32>,
        tpu.vector_store %arg11[%swap3A_318, %swap3A_319], %gather3A_301 {strides = array<i32>} : memref<8x1024xf32, #tpu.memory_space<vmem>>, vector<16xf32>,
        %swap3A_321 = arith.constant 4 : i32
        %swap3A_322 = arith.index_cast %swap3A_321 : i32 to index
        %swap3A_323 = arith.index_cast %mul3A_292 : i32 to index
        %swap3A_324 = tpu.vector_load %arg11[%swap3A_322, %swap3A_323] {strides = array<i32>} : memref<8x1024xf32, #tpu.memory_space<vmem>>, vector<16xf32>,
        tpu.vector_store %arg11[%swap3A_322, %swap3A_323], %gather3A_302 {strides = array<i32>} : memref<8x1024xf32, #tpu.memory_space<vmem>>, vector<16xf32>,
        %swap3A_325 = arith.constant 5 : i32
        %swap3A_326 = arith.index_cast %swap3A_325 : i32 to index
        %swap3A_327 = arith.index_cast %mul3A_292 : i32 to index
        %swap3A_328 = tpu.vector_load %arg11[%swap3A_326, %swap3A_327] {strides = array<i32>} : memref<8x1024xf32, #tpu.memory_space<vmem>>, vector<16xf32>,
        tpu.vector_store %arg11[%swap3A_326, %swap3A_327], %gather3A_303 {strides = array<i32>} : memref<8x1024xf32, #tpu.memory_space<vmem>>, vector<16xf32>,
        %swap3A_329 = arith.constant 6 : i32
        %swap3A_330 = arith.index_cast %swap3A_329 : i32 to index
        %swap3A_331 = arith.index_cast %mul3A_292 : i32 to index
        %swap3A_332 = tpu.vector_load %arg11[%swap3A_330, %swap3A_331] {strides = array<i32>} : memref<8x1024xf32, #tpu.memory_space<vmem>>, vector<16xf32>,
        tpu.vector_store %arg11[%swap3A_330, %swap3A_331], %gather3A_304 {strides = array<i32>} : memref<8x1024xf32, #tpu.memory_space<vmem>>, vector<16xf32>,
        %swap3A_333 = arith.constant 7 : i32
        %swap3A_334 = arith.index_cast %swap3A_333 : i32 to index
        %swap3A_335 = arith.index_cast %mul3A_292 : i32 to index
        %swap3A_336 = tpu.vector_load %arg11[%swap3A_334, %swap3A_335] {strides = array<i32>} : memref<8x1024xf32, #tpu.memory_space<vmem>>, vector<16xf32>,
        tpu.vector_store %arg11[%swap3A_334, %swap3A_335], %gather3A_305 {strides = array<i32>} : memref<8x1024xf32, #tpu.memory_space<vmem>>, vector<16xf32>,
        %scan3A_337 = arith.constant 1 : i32
        %scan3A_338 = arith.addi %scan3A_289, %scan3A_337 : i32
        %mul3A_339 = arith.constant 16 : i32
        %mul3A_340 = arith.muli %scan3A_338, %mul3A_339 : i32
        %add3A_341 = arith.constant 3072 : i32
        %add3A_342 = arith.addi %add3A_341, %mul3A_340 : i32
        %add3A_343 = arith.constant 16 : i32
        %add3A_344 = arith.addi %add3A_342, %add3A_343 : i32
        %get3A_345 = arith.index_cast %add3A_344 : i32 to index
        %get3A_346 = tpu.vector_load %arg5[%get3A_345] {strides = array<i32>} : memref<4112xi32, #tpu.memory_space<vmem>>, vector<16xi32>,
        %gather3A_347 = tpu.vector_load_idx %arg6[%broadcast_in_dim3A_22, %get3A_298] : memref<8x4096xf32, #tpu.memory_space<vmem>>[vector<16xi32>, vector<16xi32>], vector<16xf32>,
        %gather3A_348 = tpu.vector_load_idx %arg6[%broadcast_in_dim3A_24, %get3A_298] : memref<8x4096xf32, #tpu.memory_space<vmem>>[vector<16xi32>, vector<16xi32>], vector<16xf32>,
        %gather3A_349 = tpu.vector_load_idx %arg6[%broadcast_in_dim3A_26, %get3A_298] : memref<8x4096xf32, #tpu.memory_space<vmem>>[vector<16xi32>, vector<16xi32>], vector<16xf32>,
        %gather3A_350 = tpu.vector_load_idx %arg6[%broadcast_in_dim3A_28, %get3A_298] : memref<8x4096xf32, #tpu.memory_space<vmem>>[vector<16xi32>, vector<16xi32>], vector<16xf32>,
        %gather3A_351 = tpu.vector_load_idx %arg6[%broadcast_in_dim3A_30, %get3A_298] : memref<8x4096xf32, #tpu.memory_space<vmem>>[vector<16xi32>, vector<16xi32>], vector<16xf32>,
        %gather3A_352 = tpu.vector_load_idx %arg6[%broadcast_in_dim3A_32, %get3A_298] : memref<8x4096xf32, #tpu.memory_space<vmem>>[vector<16xi32>, vector<16xi32>], vector<16xf32>,
        %gather3A_353 = tpu.vector_load_idx %arg6[%broadcast_in_dim3A_34, %get3A_298] : memref<8x4096xf32, #tpu.memory_space<vmem>>[vector<16xi32>, vector<16xi32>], vector<16xf32>,
        %gather3A_354 = tpu.vector_load_idx %arg6[%broadcast_in_dim3A_36, %get3A_298] : memref<8x4096xf32, #tpu.memory_space<vmem>>[vector<16xi32>, vector<16xi32>], vector<16xf32>,
        %swap3A_355 = arith.constant 0 : i32
        %swap3A_356 = arith.index_cast %swap3A_355 : i32 to index
        %swap3A_357 = arith.index_cast %mul3A_340 : i32 to index
        %swap3A_358 = tpu.vector_load %arg11[%swap3A_356, %swap3A_357] {strides = array<i32>} : memref<8x1024xf32, #tpu.memory_space<vmem>>, vector<16xf32>,
        tpu.vector_store %arg11[%swap3A_356, %swap3A_357], %gather3A_347 {strides = array<i32>} : memref<8x1024xf32, #tpu.memory_space<vmem>>, vector<16xf32>,
        %swap3A_359 = arith.constant 1 : i32
        %swap3A_360 = arith.index_cast %swap3A_359 : i32 to index
        %swap3A_361 = arith.index_cast %mul3A_340 : i32 to index
        %swap3A_362 = tpu.vector_load %arg11[%swap3A_360, %swap3A_361] {strides = array<i32>} : memref<8x1024xf32, #tpu.memory_space<vmem>>, vector<16xf32>,
        tpu.vector_store %arg11[%swap3A_360, %swap3A_361], %gather3A_348 {strides = array<i32>} : memref<8x1024xf32, #tpu.memory_space<vmem>>, vector<16xf32>,
        %swap3A_363 = arith.constant 2 : i32
        %swap3A_364 = arith.index_cast %swap3A_363 : i32 to index
        %swap3A_365 = arith.index_cast %mul3A_340 : i32 to index
        %swap3A_366 = tpu.vector_load %arg11[%swap3A_364, %swap3A_365] {strides = array<i32>} : memref<8x1024xf32, #tpu.memory_space<vmem>>, vector<16xf32>,
        tpu.vector_store %arg11[%swap3A_364, %swap3A_365], %gather3A_349 {strides = array<i32>} : memref<8x1024xf32, #tpu.memory_space<vmem>>, vector<16xf32>,
        %swap3A_367 = arith.constant 3 : i32
        %swap3A_368 = arith.index_cast %swap3A_367 : i32 to index
        %swap3A_369 = arith.index_cast %mul3A_340 : i32 to index
        %swap3A_370 = tpu.vector_load %arg11[%swap3A_368, %swap3A_369] {strides = array<i32>} : memref<8x1024xf32, #tpu.memory_space<vmem>>, vector<16xf32>,
        tpu.vector_store %arg11[%swap3A_368, %swap3A_369], %gather3A_350 {strides = array<i32>} : memref<8x1024xf32, #tpu.memory_space<vmem>>, vector<16xf32>,
        %swap3A_371 = arith.constant 4 : i32
        %swap3A_372 = arith.index_cast %swap3A_371 : i32 to index
        %swap3A_373 = arith.index_cast %mul3A_340 : i32 to index
        %swap3A_374 = tpu.vector_load %arg11[%swap3A_372, %swap3A_373] {strides = array<i32>} : memref<8x1024xf32, #tpu.memory_space<vmem>>, vector<16xf32>,
        tpu.vector_store %arg11[%swap3A_372, %swap3A_373], %gather3A_351 {strides = array<i32>} : memref<8x1024xf32, #tpu.memory_space<vmem>>, vector<16xf32>,
        %swap3A_375 = arith.constant 5 : i32
        %swap3A_376 = arith.index_cast %swap3A_375 : i32 to index
        %swap3A_377 = arith.index_cast %mul3A_340 : i32 to index
        %swap3A_378 = tpu.vector_load %arg11[%swap3A_376, %swap3A_377] {strides = array<i32>} : memref<8x1024xf32, #tpu.memory_space<vmem>>, vector<16xf32>,
        tpu.vector_store %arg11[%swap3A_376, %swap3A_377], %gather3A_352 {strides = array<i32>} : memref<8x1024xf32, #tpu.memory_space<vmem>>, vector<16xf32>,
        %swap3A_379 = arith.constant 6 : i32
        %swap3A_380 = arith.index_cast %swap3A_379 : i32 to index
        %swap3A_381 = arith.index_cast %mul3A_340 : i32 to index
        %swap3A_382 = tpu.vector_load %arg11[%swap3A_380, %swap3A_381] {strides = array<i32>} : memref<8x1024xf32, #tpu.memory_space<vmem>>, vector<16xf32>,
        tpu.vector_store %arg11[%swap3A_380, %swap3A_381], %gather3A_353 {strides = array<i32>} : memref<8x1024xf32, #tpu.memory_space<vmem>>, vector<16xf32>,
        %swap3A_383 = arith.constant 7 : i32
        %swap3A_384 = arith.index_cast %swap3A_383 : i32 to index
        %swap3A_385 = arith.index_cast %mul3A_340 : i32 to index
        %swap3A_386 = tpu.vector_load %arg11[%swap3A_384, %swap3A_385] {strides = array<i32>} : memref<8x1024xf32, #tpu.memory_space<vmem>>, vector<16xf32>,
        tpu.vector_store %arg11[%swap3A_384, %swap3A_385], %gather3A_354 {strides = array<i32>} : memref<8x1024xf32, #tpu.memory_space<vmem>>, vector<16xf32>,
        scf.yield %get3A_346 : vector<16xi32>
      }
      %scan3A_165 = arith.constant 64 : i32
      %add3A_166 = arith.addi %mul3A_2, %add3A_81 : i32
      %dma_start3A_167 = arith.constant 0 : i32
      %dma_start3A_168 = arith.constant 3072 : i32
      %dma_start3A_169 = tpu.memref_slice %arg4[%add3A_166, %dma_start3A_167, %dma_start3A_168] : memref<2048x8x4096xf32, #tpu.memory_space<hbm>> -> memref<1x8x1024xf32, #tpu.memory_space<hbm>>
      %dma_start3A_170 = tpu.memref_squeeze %dma_start3A_169 : memref<1x8x1024xf32, #tpu.memory_space<hbm>> -> memref<8x1024xf32, #tpu.memory_space<hbm>>
      %dma_start3A_171 = arith.constant 0 : i32
      %dma_start3A_172 = arith.constant 3072 : i32
      %dma_start3A_173 = tpu.memref_slice %arg4[%add3A_166, %dma_start3A_171, %dma_start3A_172] : memref<2048x8x4096xf32, #tpu.memory_space<hbm>> -> memref<1x8x1024xf32, #tpu.memory_space<hbm>>
      %dma_start3A_174 = tpu.memref_squeeze %dma_start3A_173 : memref<1x8x1024xf32, #tpu.memory_space<hbm>> -> memref<8x1024xf32, #tpu.memory_space<hbm>>
      tpu.enqueue_dma source(%arg11 : memref<8x1024xf32, #tpu.memory_space<vmem>>) target(%dma_start3A_174 : memref<8x1024xf32, #tpu.memory_space<hbm>>) target_semaphore(%arg17 : memref<!tpu.dma_semaphore, #tpu.memory_space<semaphore_mem>>)
      %add3A_175 = arith.constant 2 : i32
      %add3A_176 = arith.addi %add3A_81, %add3A_175 : i32
      %lt3A = arith.constant 64 : i32
      %lt3A_177 = arith.cmpi slt, %add3A_176, %lt3A : i32
      %convert_element_type3A_178 = arith.extui %lt3A_177 : i1 to i32
      %cond3A_179 = arith.constant 0 : i32
      %cond3A_180 = arith.cmpi ne, %convert_element_type3A_178, %cond3A_179 : i32
      scf.if %cond3A_180 {
        %add3A_289 = arith.constant 2 : i32
        %add3A_290 = arith.addi %add3A_81, %add3A_289 : i32
        %add3A_291 = arith.addi %mul3A_2, %add3A_290 : i32
        %dma_start3A_292 = arith.constant 0 : i32
        %dma_start3A_293 = arith.constant 0 : i32
        %dma_start3A_294 = tpu.memref_slice %arg2[%add3A_291, %dma_start3A_292, %dma_start3A_293] : memref<2048x8x4096xf32, #tpu.memory_space<hbm>> -> memref<1x8x4096xf32, #tpu.memory_space<hbm>>
        %dma_start3A_295 = tpu.memref_squeeze %dma_start3A_294 : memref<1x8x4096xf32, #tpu.memory_space<hbm>> -> memref<8x4096xf32, #tpu.memory_space<hbm>>
        %dma_start3A_296 = arith.constant 0 : i32
        %dma_start3A_297 = arith.constant 0 : i32
        %dma_start3A_298 = tpu.memref_slice %arg2[%add3A_291, %dma_start3A_296, %dma_start3A_297] : memref<2048x8x4096xf32, #tpu.memory_space<hbm>> -> memref<1x8x4096xf32, #tpu.memory_space<hbm>>
        %dma_start3A_299 = tpu.memref_squeeze %dma_start3A_298 : memref<1x8x4096xf32, #tpu.memory_space<hbm>> -> memref<8x4096xf32, #tpu.memory_space<hbm>>
        tpu.enqueue_dma source(%dma_start3A_299 : memref<8x4096xf32, #tpu.memory_space<hbm>>) target(%arg6 : memref<8x4096xf32, #tpu.memory_space<vmem>>) target_semaphore(%arg12 : memref<!tpu.dma_semaphore, #tpu.memory_space<semaphore_mem>>)
      } else {
      }
      %mul3A_181 = arith.constant 2 : i32
      %mul3A_182 = arith.muli %scan3A_77, %mul3A_181 : i32
      %add3A_183 = arith.constant 1 : i32
      %add3A_184 = arith.addi %mul3A_182, %add3A_183 : i32
      %dma_wait3A_185 = arith.constant 0 : i32
      %dma_wait3A_186 = arith.constant 0 : i32
      %dma_wait3A_187 = arith.constant 0 : i32
      %dma_wait3A_188 = tpu.memref_slice %arg2[%dma_wait3A_185, %dma_wait3A_186, %dma_wait3A_187] : memref<2048x8x4096xf32, #tpu.memory_space<hbm>> -> memref<1x8x4096xf32, #tpu.memory_space<hbm>>
      %dma_wait3A_189 = tpu.memref_squeeze %dma_wait3A_188 : memref<1x8x4096xf32, #tpu.memory_space<hbm>> -> memref<8x4096xf32, #tpu.memory_space<hbm>>
      %dma_wait3A_190 = arith.constant 0 : i32
      %dma_wait3A_191 = arith.constant 0 : i32
      %dma_wait3A_192 = tpu.memref_slice %arg2[%dma_wait3A_185, %dma_wait3A_190, %dma_wait3A_191] : memref<2048x8x4096xf32, #tpu.memory_space<hbm>> -> memref<1x8x4096xf32, #tpu.memory_space<hbm>>
      %dma_wait3A_193 = tpu.memref_squeeze %dma_wait3A_192 : memref<1x8x4096xf32, #tpu.memory_space<hbm>> -> memref<8x4096xf32, #tpu.memory_space<hbm>>
      tpu.wait_dma2 semaphore(%arg13 : memref<!tpu.dma_semaphore, #tpu.memory_space<semaphore_mem>>) src(%dma_wait3A_193 : memref<8x4096xf32, #tpu.memory_space<hbm>>) dst(%arg7 : memref<8x4096xf32, #tpu.memory_space<vmem>>)
      %gt3A_194 = arith.constant 0 : i32
      %gt3A_195 = arith.cmpi sgt, %add3A_184, %gt3A_194 : i32
      %convert_element_type3A_196 = arith.extui %gt3A_195 : i1 to i32
      %cond3A_197 = arith.constant 0 : i32
      %cond3A_198 = arith.cmpi ne, %convert_element_type3A_196, %cond3A_197 : i32
      scf.if %cond3A_198 {
        %dma_wait3A_289 = arith.constant 0 : i32
        %dma_wait3A_290 = arith.constant 0 : i32
        %dma_wait3A_291 = arith.constant 0 : i32
        %dma_wait3A_292 = tpu.memref_slice %arg4[%dma_wait3A_289, %dma_wait3A_290, %dma_wait3A_291] : memref<2048x8x4096xf32, #tpu.memory_space<hbm>> -> memref<1x8x1024xf32, #tpu.memory_space<hbm>>
        %dma_wait3A_293 = tpu.memref_squeeze %dma_wait3A_292 : memref<1x8x1024xf32, #tpu.memory_space<hbm>> -> memref<8x1024xf32, #tpu.memory_space<hbm>>
        %dma_wait3A_294 = arith.constant 0 : i32
        %dma_wait3A_295 = arith.constant 0 : i32
        %dma_wait3A_296 = tpu.memref_slice %arg4[%dma_wait3A_289, %dma_wait3A_294, %dma_wait3A_295] : memref<2048x8x4096xf32, #tpu.memory_space<hbm>> -> memref<1x8x1024xf32, #tpu.memory_space<hbm>>
        %dma_wait3A_297 = tpu.memref_squeeze %dma_wait3A_296 : memref<1x8x1024xf32, #tpu.memory_space<hbm>> -> memref<8x1024xf32, #tpu.memory_space<hbm>>
        tpu.wait_dma2 semaphore(%arg14 : memref<!tpu.dma_semaphore, #tpu.memory_space<semaphore_mem>>) src(%arg8 : memref<8x1024xf32, #tpu.memory_space<vmem>>) dst(%dma_wait3A_297 : memref<8x1024xf32, #tpu.memory_space<hbm>>)
      } else {
      }
      %get3A_199 = arith.constant 0 : index
      %get3A_200 = tpu.vector_load %arg5[%get3A_199] {strides = array<i32>} : memref<4112xi32, #tpu.memory_space<vmem>>, vector<16xi32>,
      %scan3A_201 = arith.constant 0 : i32
      %scan3A_202 = arith.constant 64 : i32
      %scan3A_203 = arith.addi %scan3A_201, %scan3A_202 : i32
      %scan3A_204 = arith.constant 2 : i32
      %scan3A_205 = scf.for %scan3A_289 = %scan3A_201 to %scan3A_203 step %scan3A_204 iter_args(%scan3A_290 = %get3A_200) -> (vector<16xi32>)  : i32 {
        %mul3A_291 = arith.constant 16 : i32
        %mul3A_292 = arith.muli %scan3A_289, %mul3A_291 : i32
        %add3A_293 = arith.constant 0 : i32
        %add3A_294 = arith.addi %add3A_293, %mul3A_292 : i32
        %add3A_295 = arith.constant 16 : i32
        %add3A_296 = arith.addi %add3A_294, %add3A_295 : i32
        %get3A_297 = arith.index_cast %add3A_296 : i32 to index
        %get3A_298 = tpu.vector_load %arg5[%get3A_297] {strides = array<i32>} : memref<4112xi32, #tpu.memory_space<vmem>>, vector<16xi32>,
        %gather3A = tpu.vector_load_idx %arg7[%broadcast_in_dim3A_22, %scan3A_290] : memref<8x4096xf32, #tpu.memory_space<vmem>>[vector<16xi32>, vector<16xi32>], vector<16xf32>,
        %gather3A_299 = tpu.vector_load_idx %arg7[%broadcast_in_dim3A_24, %scan3A_290] : memref<8x4096xf32, #tpu.memory_space<vmem>>[vector<16xi32>, vector<16xi32>], vector<16xf32>,
        %gather3A_300 = tpu.vector_load_idx %arg7[%broadcast_in_dim3A_26, %scan3A_290] : memref<8x4096xf32, #tpu.memory_space<vmem>>[vector<16xi32>, vector<16xi32>], vector<16xf32>,
        %gather3A_301 = tpu.vector_load_idx %arg7[%broadcast_in_dim3A_28, %scan3A_290] : memref<8x4096xf32, #tpu.memory_space<vmem>>[vector<16xi32>, vector<16xi32>], vector<16xf32>,
        %gather3A_302 = tpu.vector_load_idx %arg7[%broadcast_in_dim3A_30, %scan3A_290] : memref<8x4096xf32, #tpu.memory_space<vmem>>[vector<16xi32>, vector<16xi32>], vector<16xf32>,
        %gather3A_303 = tpu.vector_load_idx %arg7[%broadcast_in_dim3A_32, %scan3A_290] : memref<8x4096xf32, #tpu.memory_space<vmem>>[vector<16xi32>, vector<16xi32>], vector<16xf32>,
        %gather3A_304 = tpu.vector_load_idx %arg7[%broadcast_in_dim3A_34, %scan3A_290] : memref<8x4096xf32, #tpu.memory_space<vmem>>[vector<16xi32>, vector<16xi32>], vector<16xf32>,
        %gather3A_305 = tpu.vector_load_idx %arg7[%broadcast_in_dim3A_36, %scan3A_290] : memref<8x4096xf32, #tpu.memory_space<vmem>>[vector<16xi32>, vector<16xi32>], vector<16xf32>,
        %swap3A = arith.constant 0 : i32
        %swap3A_306 = arith.index_cast %swap3A : i32 to index
        %swap3A_307 = arith.index_cast %mul3A_292 : i32 to index
        %swap3A_308 = tpu.vector_load %arg8[%swap3A_306, %swap3A_307] {strides = array<i32>} : memref<8x1024xf32, #tpu.memory_space<vmem>>, vector<16xf32>,
        tpu.vector_store %arg8[%swap3A_306, %swap3A_307], %gather3A {strides = array<i32>} : memref<8x1024xf32, #tpu.memory_space<vmem>>, vector<16xf32>,
        %swap3A_309 = arith.constant 1 : i32
        %swap3A_310 = arith.index_cast %swap3A_309 : i32 to index
        %swap3A_311 = arith.index_cast %mul3A_292 : i32 to index
        %swap3A_312 = tpu.vector_load %arg8[%swap3A_310, %swap3A_311] {strides = array<i32>} : memref<8x1024xf32, #tpu.memory_space<vmem>>, vector<16xf32>,
        tpu.vector_store %arg8[%swap3A_310, %swap3A_311], %gather3A_299 {strides = array<i32>} : memref<8x1024xf32, #tpu.memory_space<vmem>>, vector<16xf32>,
        %swap3A_313 = arith.constant 2 : i32
        %swap3A_314 = arith.index_cast %swap3A_313 : i32 to index
        %swap3A_315 = arith.index_cast %mul3A_292 : i32 to index
        %swap3A_316 = tpu.vector_load %arg8[%swap3A_314, %swap3A_315] {strides = array<i32>} : memref<8x1024xf32, #tpu.memory_space<vmem>>, vector<16xf32>,
        tpu.vector_store %arg8[%swap3A_314, %swap3A_315], %gather3A_300 {strides = array<i32>} : memref<8x1024xf32, #tpu.memory_space<vmem>>, vector<16xf32>,
        %swap3A_317 = arith.constant 3 : i32
        %swap3A_318 = arith.index_cast %swap3A_317 : i32 to index
        %swap3A_319 = arith.index_cast %mul3A_292 : i32 to index
        %swap3A_320 = tpu.vector_load %arg8[%swap3A_318, %swap3A_319] {strides = array<i32>} : memref<8x1024xf32, #tpu.memory_space<vmem>>, vector<16xf32>,
        tpu.vector_store %arg8[%swap3A_318, %swap3A_319], %gather3A_301 {strides = array<i32>} : memref<8x1024xf32, #tpu.memory_space<vmem>>, vector<16xf32>,
        %swap3A_321 = arith.constant 4 : i32
        %swap3A_322 = arith.index_cast %swap3A_321 : i32 to index
        %swap3A_323 = arith.index_cast %mul3A_292 : i32 to index
        %swap3A_324 = tpu.vector_load %arg8[%swap3A_322, %swap3A_323] {strides = array<i32>} : memref<8x1024xf32, #tpu.memory_space<vmem>>, vector<16xf32>,
        tpu.vector_store %arg8[%swap3A_322, %swap3A_323], %gather3A_302 {strides = array<i32>} : memref<8x1024xf32, #tpu.memory_space<vmem>>, vector<16xf32>,
        %swap3A_325 = arith.constant 5 : i32
        %swap3A_326 = arith.index_cast %swap3A_325 : i32 to index
        %swap3A_327 = arith.index_cast %mul3A_292 : i32 to index
        %swap3A_328 = tpu.vector_load %arg8[%swap3A_326, %swap3A_327] {strides = array<i32>} : memref<8x1024xf32, #tpu.memory_space<vmem>>, vector<16xf32>,
        tpu.vector_store %arg8[%swap3A_326, %swap3A_327], %gather3A_303 {strides = array<i32>} : memref<8x1024xf32, #tpu.memory_space<vmem>>, vector<16xf32>,
        %swap3A_329 = arith.constant 6 : i32
        %swap3A_330 = arith.index_cast %swap3A_329 : i32 to index
        %swap3A_331 = arith.index_cast %mul3A_292 : i32 to index
        %swap3A_332 = tpu.vector_load %arg8[%swap3A_330, %swap3A_331] {strides = array<i32>} : memref<8x1024xf32, #tpu.memory_space<vmem>>, vector<16xf32>,
        tpu.vector_store %arg8[%swap3A_330, %swap3A_331], %gather3A_304 {strides = array<i32>} : memref<8x1024xf32, #tpu.memory_space<vmem>>, vector<16xf32>,
        %swap3A_333 = arith.constant 7 : i32
        %swap3A_334 = arith.index_cast %swap3A_333 : i32 to index
        %swap3A_335 = arith.index_cast %mul3A_292 : i32 to index
        %swap3A_336 = tpu.vector_load %arg8[%swap3A_334, %swap3A_335] {strides = array<i32>} : memref<8x1024xf32, #tpu.memory_space<vmem>>, vector<16xf32>,
        tpu.vector_store %arg8[%swap3A_334, %swap3A_335], %gather3A_305 {strides = array<i32>} : memref<8x1024xf32, #tpu.memory_space<vmem>>, vector<16xf32>,
        %scan3A_337 = arith.constant 1 : i32
        %scan3A_338 = arith.addi %scan3A_289, %scan3A_337 : i32
        %mul3A_339 = arith.constant 16 : i32
        %mul3A_340 = arith.muli %scan3A_338, %mul3A_339 : i32
        %add3A_341 = arith.constant 0 : i32
        %add3A_342 = arith.addi %add3A_341, %mul3A_340 : i32
        %add3A_343 = arith.constant 16 : i32
        %add3A_344 = arith.addi %add3A_342, %add3A_343 : i32
        %get3A_345 = arith.index_cast %add3A_344 : i32 to index
        %get3A_346 = tpu.vector_load %arg5[%get3A_345] {strides = array<i32>} : memref<4112xi32, #tpu.memory_space<vmem>>, vector<16xi32>,
        %gather3A_347 = tpu.vector_load_idx %arg7[%broadcast_in_dim3A_22, %get3A_298] : memref<8x4096xf32, #tpu.memory_space<vmem>>[vector<16xi32>, vector<16xi32>], vector<16xf32>,
        %gather3A_348 = tpu.vector_load_idx %arg7[%broadcast_in_dim3A_24, %get3A_298] : memref<8x4096xf32, #tpu.memory_space<vmem>>[vector<16xi32>, vector<16xi32>], vector<16xf32>,
        %gather3A_349 = tpu.vector_load_idx %arg7[%broadcast_in_dim3A_26, %get3A_298] : memref<8x4096xf32, #tpu.memory_space<vmem>>[vector<16xi32>, vector<16xi32>], vector<16xf32>,
        %gather3A_350 = tpu.vector_load_idx %arg7[%broadcast_in_dim3A_28, %get3A_298] : memref<8x4096xf32, #tpu.memory_space<vmem>>[vector<16xi32>, vector<16xi32>], vector<16xf32>,
        %gather3A_351 = tpu.vector_load_idx %arg7[%broadcast_in_dim3A_30, %get3A_298] : memref<8x4096xf32, #tpu.memory_space<vmem>>[vector<16xi32>, vector<16xi32>], vector<16xf32>,
        %gather3A_352 = tpu.vector_load_idx %arg7[%broadcast_in_dim3A_32, %get3A_298] : memref<8x4096xf32, #tpu.memory_space<vmem>>[vector<16xi32>, vector<16xi32>], vector<16xf32>,
        %gather3A_353 = tpu.vector_load_idx %arg7[%broadcast_in_dim3A_34, %get3A_298] : memref<8x4096xf32, #tpu.memory_space<vmem>>[vector<16xi32>, vector<16xi32>], vector<16xf32>,
        %gather3A_354 = tpu.vector_load_idx %arg7[%broadcast_in_dim3A_36, %get3A_298] : memref<8x4096xf32, #tpu.memory_space<vmem>>[vector<16xi32>, vector<16xi32>], vector<16xf32>,
        %swap3A_355 = arith.constant 0 : i32
        %swap3A_356 = arith.index_cast %swap3A_355 : i32 to index
        %swap3A_357 = arith.index_cast %mul3A_340 : i32 to index
        %swap3A_358 = tpu.vector_load %arg8[%swap3A_356, %swap3A_357] {strides = array<i32>} : memref<8x1024xf32, #tpu.memory_space<vmem>>, vector<16xf32>,
        tpu.vector_store %arg8[%swap3A_356, %swap3A_357], %gather3A_347 {strides = array<i32>} : memref<8x1024xf32, #tpu.memory_space<vmem>>, vector<16xf32>,
        %swap3A_359 = arith.constant 1 : i32
        %swap3A_360 = arith.index_cast %swap3A_359 : i32 to index
        %swap3A_361 = arith.index_cast %mul3A_340 : i32 to index
        %swap3A_362 = tpu.vector_load %arg8[%swap3A_360, %swap3A_361] {strides = array<i32>} : memref<8x1024xf32, #tpu.memory_space<vmem>>, vector<16xf32>,
        tpu.vector_store %arg8[%swap3A_360, %swap3A_361], %gather3A_348 {strides = array<i32>} : memref<8x1024xf32, #tpu.memory_space<vmem>>, vector<16xf32>,
        %swap3A_363 = arith.constant 2 : i32
        %swap3A_364 = arith.index_cast %swap3A_363 : i32 to index
        %swap3A_365 = arith.index_cast %mul3A_340 : i32 to index
        %swap3A_366 = tpu.vector_load %arg8[%swap3A_364, %swap3A_365] {strides = array<i32>} : memref<8x1024xf32, #tpu.memory_space<vmem>>, vector<16xf32>,
        tpu.vector_store %arg8[%swap3A_364, %swap3A_365], %gather3A_349 {strides = array<i32>} : memref<8x1024xf32, #tpu.memory_space<vmem>>, vector<16xf32>,
        %swap3A_367 = arith.constant 3 : i32
        %swap3A_368 = arith.index_cast %swap3A_367 : i32 to index
        %swap3A_369 = arith.index_cast %mul3A_340 : i32 to index
        %swap3A_370 = tpu.vector_load %arg8[%swap3A_368, %swap3A_369] {strides = array<i32>} : memref<8x1024xf32, #tpu.memory_space<vmem>>, vector<16xf32>,
        tpu.vector_store %arg8[%swap3A_368, %swap3A_369], %gather3A_350 {strides = array<i32>} : memref<8x1024xf32, #tpu.memory_space<vmem>>, vector<16xf32>,
        %swap3A_371 = arith.constant 4 : i32
        %swap3A_372 = arith.index_cast %swap3A_371 : i32 to index
        %swap3A_373 = arith.index_cast %mul3A_340 : i32 to index
        %swap3A_374 = tpu.vector_load %arg8[%swap3A_372, %swap3A_373] {strides = array<i32>} : memref<8x1024xf32, #tpu.memory_space<vmem>>, vector<16xf32>,
        tpu.vector_store %arg8[%swap3A_372, %swap3A_373], %gather3A_351 {strides = array<i32>} : memref<8x1024xf32, #tpu.memory_space<vmem>>, vector<16xf32>,
        %swap3A_375 = arith.constant 5 : i32
        %swap3A_376 = arith.index_cast %swap3A_375 : i32 to index
        %swap3A_377 = arith.index_cast %mul3A_340 : i32 to index
        %swap3A_378 = tpu.vector_load %arg8[%swap3A_376, %swap3A_377] {strides = array<i32>} : memref<8x1024xf32, #tpu.memory_space<vmem>>, vector<16xf32>,
        tpu.vector_store %arg8[%swap3A_376, %swap3A_377], %gather3A_352 {strides = array<i32>} : memref<8x1024xf32, #tpu.memory_space<vmem>>, vector<16xf32>,
        %swap3A_379 = arith.constant 6 : i32
        %swap3A_380 = arith.index_cast %swap3A_379 : i32 to index
        %swap3A_381 = arith.index_cast %mul3A_340 : i32 to index
        %swap3A_382 = tpu.vector_load %arg8[%swap3A_380, %swap3A_381] {strides = array<i32>} : memref<8x1024xf32, #tpu.memory_space<vmem>>, vector<16xf32>,
        tpu.vector_store %arg8[%swap3A_380, %swap3A_381], %gather3A_353 {strides = array<i32>} : memref<8x1024xf32, #tpu.memory_space<vmem>>, vector<16xf32>,
        %swap3A_383 = arith.constant 7 : i32
        %swap3A_384 = arith.index_cast %swap3A_383 : i32 to index
        %swap3A_385 = arith.index_cast %mul3A_340 : i32 to index
        %swap3A_386 = tpu.vector_load %arg8[%swap3A_384, %swap3A_385] {strides = array<i32>} : memref<8x1024xf32, #tpu.memory_space<vmem>>, vector<16xf32>,
        tpu.vector_store %arg8[%swap3A_384, %swap3A_385], %gather3A_354 {strides = array<i32>} : memref<8x1024xf32, #tpu.memory_space<vmem>>, vector<16xf32>,
        scf.yield %get3A_346 : vector<16xi32>
      }
      %scan3A_206 = arith.constant 64 : i32
      %add3A_207 = arith.addi %mul3A_2, %add3A_184 : i32
      %dma_start3A_208 = arith.constant 0 : i32
      %dma_start3A_209 = arith.constant 0 : i32
      %dma_start3A_210 = tpu.memref_slice %arg4[%add3A_207, %dma_start3A_208, %dma_start3A_209] : memref<2048x8x4096xf32, #tpu.memory_space<hbm>> -> memref<1x8x1024xf32, #tpu.memory_space<hbm>>
      %dma_start3A_211 = tpu.memref_squeeze %dma_start3A_210 : memref<1x8x1024xf32, #tpu.memory_space<hbm>> -> memref<8x1024xf32, #tpu.memory_space<hbm>>
      %dma_start3A_212 = arith.constant 0 : i32
      %dma_start3A_213 = arith.constant 0 : i32
      %dma_start3A_214 = tpu.memref_slice %arg4[%add3A_207, %dma_start3A_212, %dma_start3A_213] : memref<2048x8x4096xf32, #tpu.memory_space<hbm>> -> memref<1x8x1024xf32, #tpu.memory_space<hbm>>
      %dma_start3A_215 = tpu.memref_squeeze %dma_start3A_214 : memref<1x8x1024xf32, #tpu.memory_space<hbm>> -> memref<8x1024xf32, #tpu.memory_space<hbm>>
      tpu.enqueue_dma source(%arg8 : memref<8x1024xf32, #tpu.memory_space<vmem>>) target(%dma_start3A_215 : memref<8x1024xf32, #tpu.memory_space<hbm>>) target_semaphore(%arg14 : memref<!tpu.dma_semaphore, #tpu.memory_space<semaphore_mem>>)
      %gt3A_216 = arith.constant 0 : i32
      %gt3A_217 = arith.cmpi sgt, %add3A_184, %gt3A_216 : i32
      %convert_element_type3A_218 = arith.extui %gt3A_217 : i1 to i32
      %cond3A_219 = arith.constant 0 : i32
      %cond3A_220 = arith.cmpi ne, %convert_element_type3A_218, %cond3A_219 : i32
      scf.if %cond3A_220 {
        %dma_wait3A_289 = arith.constant 0 : i32
        %dma_wait3A_290 = arith.constant 0 : i32
        %dma_wait3A_291 = arith.constant 0 : i32
        %dma_wait3A_292 = tpu.memref_slice %arg4[%dma_wait3A_289, %dma_wait3A_290, %dma_wait3A_291] : memref<2048x8x4096xf32, #tpu.memory_space<hbm>> -> memref<1x8x1024xf32, #tpu.memory_space<hbm>>
        %dma_wait3A_293 = tpu.memref_squeeze %dma_wait3A_292 : memref<1x8x1024xf32, #tpu.memory_space<hbm>> -> memref<8x1024xf32, #tpu.memory_space<hbm>>
        %dma_wait3A_294 = arith.constant 0 : i32
        %dma_wait3A_295 = arith.constant 0 : i32
        %dma_wait3A_296 = tpu.memref_slice %arg4[%dma_wait3A_289, %dma_wait3A_294, %dma_wait3A_295] : memref<2048x8x4096xf32, #tpu.memory_space<hbm>> -> memref<1x8x1024xf32, #tpu.memory_space<hbm>>
        %dma_wait3A_297 = tpu.memref_squeeze %dma_wait3A_296 : memref<1x8x1024xf32, #tpu.memory_space<hbm>> -> memref<8x1024xf32, #tpu.memory_space<hbm>>
        tpu.wait_dma2 semaphore(%arg15 : memref<!tpu.dma_semaphore, #tpu.memory_space<semaphore_mem>>) src(%arg9 : memref<8x1024xf32, #tpu.memory_space<vmem>>) dst(%dma_wait3A_297 : memref<8x1024xf32, #tpu.memory_space<hbm>>)
      } else {
      }
      %get3A_221 = arith.constant 1024 : index
      %get3A_222 = tpu.vector_load %arg5[%get3A_221] {strides = array<i32>} : memref<4112xi32, #tpu.memory_space<vmem>>, vector<16xi32>,
      %scan3A_223 = arith.constant 0 : i32
      %scan3A_224 = arith.constant 64 : i32
      %scan3A_225 = arith.addi %scan3A_223, %scan3A_224 : i32
      %scan3A_226 = arith.constant 2 : i32
      %scan3A_227 = scf.for %scan3A_289 = %scan3A_223 to %scan3A_225 step %scan3A_226 iter_args(%scan3A_290 = %get3A_222) -> (vector<16xi32>)  : i32 {
        %mul3A_291 = arith.constant 16 : i32
        %mul3A_292 = arith.muli %scan3A_289, %mul3A_291 : i32
        %add3A_293 = arith.constant 1024 : i32
        %add3A_294 = arith.addi %add3A_293, %mul3A_292 : i32
        %add3A_295 = arith.constant 16 : i32
        %add3A_296 = arith.addi %add3A_294, %add3A_295 : i32
        %get3A_297 = arith.index_cast %add3A_296 : i32 to index
        %get3A_298 = tpu.vector_load %arg5[%get3A_297] {strides = array<i32>} : memref<4112xi32, #tpu.memory_space<vmem>>, vector<16xi32>,
        %gather3A = tpu.vector_load_idx %arg7[%broadcast_in_dim3A_22, %scan3A_290] : memref<8x4096xf32, #tpu.memory_space<vmem>>[vector<16xi32>, vector<16xi32>], vector<16xf32>,
        %gather3A_299 = tpu.vector_load_idx %arg7[%broadcast_in_dim3A_24, %scan3A_290] : memref<8x4096xf32, #tpu.memory_space<vmem>>[vector<16xi32>, vector<16xi32>], vector<16xf32>,
        %gather3A_300 = tpu.vector_load_idx %arg7[%broadcast_in_dim3A_26, %scan3A_290] : memref<8x4096xf32, #tpu.memory_space<vmem>>[vector<16xi32>, vector<16xi32>], vector<16xf32>,
        %gather3A_301 = tpu.vector_load_idx %arg7[%broadcast_in_dim3A_28, %scan3A_290] : memref<8x4096xf32, #tpu.memory_space<vmem>>[vector<16xi32>, vector<16xi32>], vector<16xf32>,
        %gather3A_302 = tpu.vector_load_idx %arg7[%broadcast_in_dim3A_30, %scan3A_290] : memref<8x4096xf32, #tpu.memory_space<vmem>>[vector<16xi32>, vector<16xi32>], vector<16xf32>,
        %gather3A_303 = tpu.vector_load_idx %arg7[%broadcast_in_dim3A_32, %scan3A_290] : memref<8x4096xf32, #tpu.memory_space<vmem>>[vector<16xi32>, vector<16xi32>], vector<16xf32>,
        %gather3A_304 = tpu.vector_load_idx %arg7[%broadcast_in_dim3A_34, %scan3A_290] : memref<8x4096xf32, #tpu.memory_space<vmem>>[vector<16xi32>, vector<16xi32>], vector<16xf32>,
        %gather3A_305 = tpu.vector_load_idx %arg7[%broadcast_in_dim3A_36, %scan3A_290] : memref<8x4096xf32, #tpu.memory_space<vmem>>[vector<16xi32>, vector<16xi32>], vector<16xf32>,
        %swap3A = arith.constant 0 : i32
        %swap3A_306 = arith.index_cast %swap3A : i32 to index
        %swap3A_307 = arith.index_cast %mul3A_292 : i32 to index
        %swap3A_308 = tpu.vector_load %arg9[%swap3A_306, %swap3A_307] {strides = array<i32>} : memref<8x1024xf32, #tpu.memory_space<vmem>>, vector<16xf32>,
        tpu.vector_store %arg9[%swap3A_306, %swap3A_307], %gather3A {strides = array<i32>} : memref<8x1024xf32, #tpu.memory_space<vmem>>, vector<16xf32>,
        %swap3A_309 = arith.constant 1 : i32
        %swap3A_310 = arith.index_cast %swap3A_309 : i32 to index
        %swap3A_311 = arith.index_cast %mul3A_292 : i32 to index
        %swap3A_312 = tpu.vector_load %arg9[%swap3A_310, %swap3A_311] {strides = array<i32>} : memref<8x1024xf32, #tpu.memory_space<vmem>>, vector<16xf32>,
        tpu.vector_store %arg9[%swap3A_310, %swap3A_311], %gather3A_299 {strides = array<i32>} : memref<8x1024xf32, #tpu.memory_space<vmem>>, vector<16xf32>,
        %swap3A_313 = arith.constant 2 : i32
        %swap3A_314 = arith.index_cast %swap3A_313 : i32 to index
        %swap3A_315 = arith.index_cast %mul3A_292 : i32 to index
        %swap3A_316 = tpu.vector_load %arg9[%swap3A_314, %swap3A_315] {strides = array<i32>} : memref<8x1024xf32, #tpu.memory_space<vmem>>, vector<16xf32>,
        tpu.vector_store %arg9[%swap3A_314, %swap3A_315], %gather3A_300 {strides = array<i32>} : memref<8x1024xf32, #tpu.memory_space<vmem>>, vector<16xf32>,
        %swap3A_317 = arith.constant 3 : i32
        %swap3A_318 = arith.index_cast %swap3A_317 : i32 to index
        %swap3A_319 = arith.index_cast %mul3A_292 : i32 to index
        %swap3A_320 = tpu.vector_load %arg9[%swap3A_318, %swap3A_319] {strides = array<i32>} : memref<8x1024xf32, #tpu.memory_space<vmem>>, vector<16xf32>,
        tpu.vector_store %arg9[%swap3A_318, %swap3A_319], %gather3A_301 {strides = array<i32>} : memref<8x1024xf32, #tpu.memory_space<vmem>>, vector<16xf32>,
        %swap3A_321 = arith.constant 4 : i32
        %swap3A_322 = arith.index_cast %swap3A_321 : i32 to index
        %swap3A_323 = arith.index_cast %mul3A_292 : i32 to index
        %swap3A_324 = tpu.vector_load %arg9[%swap3A_322, %swap3A_323] {strides = array<i32>} : memref<8x1024xf32, #tpu.memory_space<vmem>>, vector<16xf32>,
        tpu.vector_store %arg9[%swap3A_322, %swap3A_323], %gather3A_302 {strides = array<i32>} : memref<8x1024xf32, #tpu.memory_space<vmem>>, vector<16xf32>,
        %swap3A_325 = arith.constant 5 : i32
        %swap3A_326 = arith.index_cast %swap3A_325 : i32 to index
        %swap3A_327 = arith.index_cast %mul3A_292 : i32 to index
        %swap3A_328 = tpu.vector_load %arg9[%swap3A_326, %swap3A_327] {strides = array<i32>} : memref<8x1024xf32, #tpu.memory_space<vmem>>, vector<16xf32>,
        tpu.vector_store %arg9[%swap3A_326, %swap3A_327], %gather3A_303 {strides = array<i32>} : memref<8x1024xf32, #tpu.memory_space<vmem>>, vector<16xf32>,
        %swap3A_329 = arith.constant 6 : i32
        %swap3A_330 = arith.index_cast %swap3A_329 : i32 to index
        %swap3A_331 = arith.index_cast %mul3A_292 : i32 to index
        %swap3A_332 = tpu.vector_load %arg9[%swap3A_330, %swap3A_331] {strides = array<i32>} : memref<8x1024xf32, #tpu.memory_space<vmem>>, vector<16xf32>,
        tpu.vector_store %arg9[%swap3A_330, %swap3A_331], %gather3A_304 {strides = array<i32>} : memref<8x1024xf32, #tpu.memory_space<vmem>>, vector<16xf32>,
        %swap3A_333 = arith.constant 7 : i32
        %swap3A_334 = arith.index_cast %swap3A_333 : i32 to index
        %swap3A_335 = arith.index_cast %mul3A_292 : i32 to index
        %swap3A_336 = tpu.vector_load %arg9[%swap3A_334, %swap3A_335] {strides = array<i32>} : memref<8x1024xf32, #tpu.memory_space<vmem>>, vector<16xf32>,
        tpu.vector_store %arg9[%swap3A_334, %swap3A_335], %gather3A_305 {strides = array<i32>} : memref<8x1024xf32, #tpu.memory_space<vmem>>, vector<16xf32>,
        %scan3A_337 = arith.constant 1 : i32
        %scan3A_338 = arith.addi %scan3A_289, %scan3A_337 : i32
        %mul3A_339 = arith.constant 16 : i32
        %mul3A_340 = arith.muli %scan3A_338, %mul3A_339 : i32
        %add3A_341 = arith.constant 1024 : i32
        %add3A_342 = arith.addi %add3A_341, %mul3A_340 : i32
        %add3A_343 = arith.constant 16 : i32
        %add3A_344 = arith.addi %add3A_342, %add3A_343 : i32
        %get3A_345 = arith.index_cast %add3A_344 : i32 to index
        %get3A_346 = tpu.vector_load %arg5[%get3A_345] {strides = array<i32>} : memref<4112xi32, #tpu.memory_space<vmem>>, vector<16xi32>,
        %gather3A_347 = tpu.vector_load_idx %arg7[%broadcast_in_dim3A_22, %get3A_298] : memref<8x4096xf32, #tpu.memory_space<vmem>>[vector<16xi32>, vector<16xi32>], vector<16xf32>,
        %gather3A_348 = tpu.vector_load_idx %arg7[%broadcast_in_dim3A_24, %get3A_298] : memref<8x4096xf32, #tpu.memory_space<vmem>>[vector<16xi32>, vector<16xi32>], vector<16xf32>,
        %gather3A_349 = tpu.vector_load_idx %arg7[%broadcast_in_dim3A_26, %get3A_298] : memref<8x4096xf32, #tpu.memory_space<vmem>>[vector<16xi32>, vector<16xi32>], vector<16xf32>,
        %gather3A_350 = tpu.vector_load_idx %arg7[%broadcast_in_dim3A_28, %get3A_298] : memref<8x4096xf32, #tpu.memory_space<vmem>>[vector<16xi32>, vector<16xi32>], vector<16xf32>,
        %gather3A_351 = tpu.vector_load_idx %arg7[%broadcast_in_dim3A_30, %get3A_298] : memref<8x4096xf32, #tpu.memory_space<vmem>>[vector<16xi32>, vector<16xi32>], vector<16xf32>,
        %gather3A_352 = tpu.vector_load_idx %arg7[%broadcast_in_dim3A_32, %get3A_298] : memref<8x4096xf32, #tpu.memory_space<vmem>>[vector<16xi32>, vector<16xi32>], vector<16xf32>,
        %gather3A_353 = tpu.vector_load_idx %arg7[%broadcast_in_dim3A_34, %get3A_298] : memref<8x4096xf32, #tpu.memory_space<vmem>>[vector<16xi32>, vector<16xi32>], vector<16xf32>,
        %gather3A_354 = tpu.vector_load_idx %arg7[%broadcast_in_dim3A_36, %get3A_298] : memref<8x4096xf32, #tpu.memory_space<vmem>>[vector<16xi32>, vector<16xi32>], vector<16xf32>,
        %swap3A_355 = arith.constant 0 : i32
        %swap3A_356 = arith.index_cast %swap3A_355 : i32 to index
        %swap3A_357 = arith.index_cast %mul3A_340 : i32 to index
        %swap3A_358 = tpu.vector_load %arg9[%swap3A_356, %swap3A_357] {strides = array<i32>} : memref<8x1024xf32, #tpu.memory_space<vmem>>, vector<16xf32>,
        tpu.vector_store %arg9[%swap3A_356, %swap3A_357], %gather3A_347 {strides = array<i32>} : memref<8x1024xf32, #tpu.memory_space<vmem>>, vector<16xf32>,
        %swap3A_359 = arith.constant 1 : i32
        %swap3A_360 = arith.index_cast %swap3A_359 : i32 to index
        %swap3A_361 = arith.index_cast %mul3A_340 : i32 to index
        %swap3A_362 = tpu.vector_load %arg9[%swap3A_360, %swap3A_361] {strides = array<i32>} : memref<8x1024xf32, #tpu.memory_space<vmem>>, vector<16xf32>,
        tpu.vector_store %arg9[%swap3A_360, %swap3A_361], %gather3A_348 {strides = array<i32>} : memref<8x1024xf32, #tpu.memory_space<vmem>>, vector<16xf32>,
        %swap3A_363 = arith.constant 2 : i32
        %swap3A_364 = arith.index_cast %swap3A_363 : i32 to index
        %swap3A_365 = arith.index_cast %mul3A_340 : i32 to index
        %swap3A_366 = tpu.vector_load %arg9[%swap3A_364, %swap3A_365] {strides = array<i32>} : memref<8x1024xf32, #tpu.memory_space<vmem>>, vector<16xf32>,
        tpu.vector_store %arg9[%swap3A_364, %swap3A_365], %gather3A_349 {strides = array<i32>} : memref<8x1024xf32, #tpu.memory_space<vmem>>, vector<16xf32>,
        %swap3A_367 = arith.constant 3 : i32
        %swap3A_368 = arith.index_cast %swap3A_367 : i32 to index
        %swap3A_369 = arith.index_cast %mul3A_340 : i32 to index
        %swap3A_370 = tpu.vector_load %arg9[%swap3A_368, %swap3A_369] {strides = array<i32>} : memref<8x1024xf32, #tpu.memory_space<vmem>>, vector<16xf32>,
        tpu.vector_store %arg9[%swap3A_368, %swap3A_369], %gather3A_350 {strides = array<i32>} : memref<8x1024xf32, #tpu.memory_space<vmem>>, vector<16xf32>,
        %swap3A_371 = arith.constant 4 : i32
        %swap3A_372 = arith.index_cast %swap3A_371 : i32 to index
        %swap3A_373 = arith.index_cast %mul3A_340 : i32 to index
        %swap3A_374 = tpu.vector_load %arg9[%swap3A_372, %swap3A_373] {strides = array<i32>} : memref<8x1024xf32, #tpu.memory_space<vmem>>, vector<16xf32>,
        tpu.vector_store %arg9[%swap3A_372, %swap3A_373], %gather3A_351 {strides = array<i32>} : memref<8x1024xf32, #tpu.memory_space<vmem>>, vector<16xf32>,
        %swap3A_375 = arith.constant 5 : i32
        %swap3A_376 = arith.index_cast %swap3A_375 : i32 to index
        %swap3A_377 = arith.index_cast %mul3A_340 : i32 to index
        %swap3A_378 = tpu.vector_load %arg9[%swap3A_376, %swap3A_377] {strides = array<i32>} : memref<8x1024xf32, #tpu.memory_space<vmem>>, vector<16xf32>,
        tpu.vector_store %arg9[%swap3A_376, %swap3A_377], %gather3A_352 {strides = array<i32>} : memref<8x1024xf32, #tpu.memory_space<vmem>>, vector<16xf32>,
        %swap3A_379 = arith.constant 6 : i32
        %swap3A_380 = arith.index_cast %swap3A_379 : i32 to index
        %swap3A_381 = arith.index_cast %mul3A_340 : i32 to index
        %swap3A_382 = tpu.vector_load %arg9[%swap3A_380, %swap3A_381] {strides = array<i32>} : memref<8x1024xf32, #tpu.memory_space<vmem>>, vector<16xf32>,
        tpu.vector_store %arg9[%swap3A_380, %swap3A_381], %gather3A_353 {strides = array<i32>} : memref<8x1024xf32, #tpu.memory_space<vmem>>, vector<16xf32>,
        %swap3A_383 = arith.constant 7 : i32
        %swap3A_384 = arith.index_cast %swap3A_383 : i32 to index
        %swap3A_385 = arith.index_cast %mul3A_340 : i32 to index
        %swap3A_386 = tpu.vector_load %arg9[%swap3A_384, %swap3A_385] {strides = array<i32>} : memref<8x1024xf32, #tpu.memory_space<vmem>>, vector<16xf32>,
        tpu.vector_store %arg9[%swap3A_384, %swap3A_385], %gather3A_354 {strides = array<i32>} : memref<8x1024xf32, #tpu.memory_space<vmem>>, vector<16xf32>,
        scf.yield %get3A_346 : vector<16xi32>
      }
      %scan3A_228 = arith.constant 64 : i32
      %add3A_229 = arith.addi %mul3A_2, %add3A_184 : i32
      %dma_start3A_230 = arith.constant 0 : i32
      %dma_start3A_231 = arith.constant 1024 : i32
      %dma_start3A_232 = tpu.memref_slice %arg4[%add3A_229, %dma_start3A_230, %dma_start3A_231] : memref<2048x8x4096xf32, #tpu.memory_space<hbm>> -> memref<1x8x1024xf32, #tpu.memory_space<hbm>>
      %dma_start3A_233 = tpu.memref_squeeze %dma_start3A_232 : memref<1x8x1024xf32, #tpu.memory_space<hbm>> -> memref<8x1024xf32, #tpu.memory_space<hbm>>
      %dma_start3A_234 = arith.constant 0 : i32
      %dma_start3A_235 = arith.constant 1024 : i32
      %dma_start3A_236 = tpu.memref_slice %arg4[%add3A_229, %dma_start3A_234, %dma_start3A_235] : memref<2048x8x4096xf32, #tpu.memory_space<hbm>> -> memref<1x8x1024xf32, #tpu.memory_space<hbm>>
      %dma_start3A_237 = tpu.memref_squeeze %dma_start3A_236 : memref<1x8x1024xf32, #tpu.memory_space<hbm>> -> memref<8x1024xf32, #tpu.memory_space<hbm>>
      tpu.enqueue_dma source(%arg9 : memref<8x1024xf32, #tpu.memory_space<vmem>>) target(%dma_start3A_237 : memref<8x1024xf32, #tpu.memory_space<hbm>>) target_semaphore(%arg15 : memref<!tpu.dma_semaphore, #tpu.memory_space<semaphore_mem>>)
      %gt3A_238 = arith.constant 0 : i32
      %gt3A_239 = arith.cmpi sgt, %add3A_184, %gt3A_238 : i32
      %convert_element_type3A_240 = arith.extui %gt3A_239 : i1 to i32
      %cond3A_241 = arith.constant 0 : i32
      %cond3A_242 = arith.cmpi ne, %convert_element_type3A_240, %cond3A_241 : i32
      scf.if %cond3A_242 {
        %dma_wait3A_289 = arith.constant 0 : i32
        %dma_wait3A_290 = arith.constant 0 : i32
        %dma_wait3A_291 = arith.constant 0 : i32
        %dma_wait3A_292 = tpu.memref_slice %arg4[%dma_wait3A_289, %dma_wait3A_290, %dma_wait3A_291] : memref<2048x8x4096xf32, #tpu.memory_space<hbm>> -> memref<1x8x1024xf32, #tpu.memory_space<hbm>>
        %dma_wait3A_293 = tpu.memref_squeeze %dma_wait3A_292 : memref<1x8x1024xf32, #tpu.memory_space<hbm>> -> memref<8x1024xf32, #tpu.memory_space<hbm>>
        %dma_wait3A_294 = arith.constant 0 : i32
        %dma_wait3A_295 = arith.constant 0 : i32
        %dma_wait3A_296 = tpu.memref_slice %arg4[%dma_wait3A_289, %dma_wait3A_294, %dma_wait3A_295] : memref<2048x8x4096xf32, #tpu.memory_space<hbm>> -> memref<1x8x1024xf32, #tpu.memory_space<hbm>>
        %dma_wait3A_297 = tpu.memref_squeeze %dma_wait3A_296 : memref<1x8x1024xf32, #tpu.memory_space<hbm>> -> memref<8x1024xf32, #tpu.memory_space<hbm>>
        tpu.wait_dma2 semaphore(%arg16 : memref<!tpu.dma_semaphore, #tpu.memory_space<semaphore_mem>>) src(%arg10 : memref<8x1024xf32, #tpu.memory_space<vmem>>) dst(%dma_wait3A_297 : memref<8x1024xf32, #tpu.memory_space<hbm>>)
      } else {
      }
      %get3A_243 = arith.constant 2048 : index
      %get3A_244 = tpu.vector_load %arg5[%get3A_243] {strides = array<i32>} : memref<4112xi32, #tpu.memory_space<vmem>>, vector<16xi32>,
      %scan3A_245 = arith.constant 0 : i32
      %scan3A_246 = arith.constant 64 : i32
      %scan3A_247 = arith.addi %scan3A_245, %scan3A_246 : i32
      %scan3A_248 = arith.constant 2 : i32
      %scan3A_249 = scf.for %scan3A_289 = %scan3A_245 to %scan3A_247 step %scan3A_248 iter_args(%scan3A_290 = %get3A_244) -> (vector<16xi32>)  : i32 {
        %mul3A_291 = arith.constant 16 : i32
        %mul3A_292 = arith.muli %scan3A_289, %mul3A_291 : i32
        %add3A_293 = arith.constant 2048 : i32
        %add3A_294 = arith.addi %add3A_293, %mul3A_292 : i32
        %add3A_295 = arith.constant 16 : i32
        %add3A_296 = arith.addi %add3A_294, %add3A_295 : i32
        %get3A_297 = arith.index_cast %add3A_296 : i32 to index
        %get3A_298 = tpu.vector_load %arg5[%get3A_297] {strides = array<i32>} : memref<4112xi32, #tpu.memory_space<vmem>>, vector<16xi32>,
        %gather3A = tpu.vector_load_idx %arg7[%broadcast_in_dim3A_22, %scan3A_290] : memref<8x4096xf32, #tpu.memory_space<vmem>>[vector<16xi32>, vector<16xi32>], vector<16xf32>,
        %gather3A_299 = tpu.vector_load_idx %arg7[%broadcast_in_dim3A_24, %scan3A_290] : memref<8x4096xf32, #tpu.memory_space<vmem>>[vector<16xi32>, vector<16xi32>], vector<16xf32>,
        %gather3A_300 = tpu.vector_load_idx %arg7[%broadcast_in_dim3A_26, %scan3A_290] : memref<8x4096xf32, #tpu.memory_space<vmem>>[vector<16xi32>, vector<16xi32>], vector<16xf32>,
        %gather3A_301 = tpu.vector_load_idx %arg7[%broadcast_in_dim3A_28, %scan3A_290] : memref<8x4096xf32, #tpu.memory_space<vmem>>[vector<16xi32>, vector<16xi32>], vector<16xf32>,
        %gather3A_302 = tpu.vector_load_idx %arg7[%broadcast_in_dim3A_30, %scan3A_290] : memref<8x4096xf32, #tpu.memory_space<vmem>>[vector<16xi32>, vector<16xi32>], vector<16xf32>,
        %gather3A_303 = tpu.vector_load_idx %arg7[%broadcast_in_dim3A_32, %scan3A_290] : memref<8x4096xf32, #tpu.memory_space<vmem>>[vector<16xi32>, vector<16xi32>], vector<16xf32>,
        %gather3A_304 = tpu.vector_load_idx %arg7[%broadcast_in_dim3A_34, %scan3A_290] : memref<8x4096xf32, #tpu.memory_space<vmem>>[vector<16xi32>, vector<16xi32>], vector<16xf32>,
        %gather3A_305 = tpu.vector_load_idx %arg7[%broadcast_in_dim3A_36, %scan3A_290] : memref<8x4096xf32, #tpu.memory_space<vmem>>[vector<16xi32>, vector<16xi32>], vector<16xf32>,
        %swap3A = arith.constant 0 : i32
        %swap3A_306 = arith.index_cast %swap3A : i32 to index
        %swap3A_307 = arith.index_cast %mul3A_292 : i32 to index
        %swap3A_308 = tpu.vector_load %arg10[%swap3A_306, %swap3A_307] {strides = array<i32>} : memref<8x1024xf32, #tpu.memory_space<vmem>>, vector<16xf32>,
        tpu.vector_store %arg10[%swap3A_306, %swap3A_307], %gather3A {strides = array<i32>} : memref<8x1024xf32, #tpu.memory_space<vmem>>, vector<16xf32>,
        %swap3A_309 = arith.constant 1 : i32
        %swap3A_310 = arith.index_cast %swap3A_309 : i32 to index
        %swap3A_311 = arith.index_cast %mul3A_292 : i32 to index
        %swap3A_312 = tpu.vector_load %arg10[%swap3A_310, %swap3A_311] {strides = array<i32>} : memref<8x1024xf32, #tpu.memory_space<vmem>>, vector<16xf32>,
        tpu.vector_store %arg10[%swap3A_310, %swap3A_311], %gather3A_299 {strides = array<i32>} : memref<8x1024xf32, #tpu.memory_space<vmem>>, vector<16xf32>,
        %swap3A_313 = arith.constant 2 : i32
        %swap3A_314 = arith.index_cast %swap3A_313 : i32 to index
        %swap3A_315 = arith.index_cast %mul3A_292 : i32 to index
        %swap3A_316 = tpu.vector_load %arg10[%swap3A_314, %swap3A_315] {strides = array<i32>} : memref<8x1024xf32, #tpu.memory_space<vmem>>, vector<16xf32>,
        tpu.vector_store %arg10[%swap3A_314, %swap3A_315], %gather3A_300 {strides = array<i32>} : memref<8x1024xf32, #tpu.memory_space<vmem>>, vector<16xf32>,
        %swap3A_317 = arith.constant 3 : i32
        %swap3A_318 = arith.index_cast %swap3A_317 : i32 to index
        %swap3A_319 = arith.index_cast %mul3A_292 : i32 to index
        %swap3A_320 = tpu.vector_load %arg10[%swap3A_318, %swap3A_319] {strides = array<i32>} : memref<8x1024xf32, #tpu.memory_space<vmem>>, vector<16xf32>,
        tpu.vector_store %arg10[%swap3A_318, %swap3A_319], %gather3A_301 {strides = array<i32>} : memref<8x1024xf32, #tpu.memory_space<vmem>>, vector<16xf32>,
        %swap3A_321 = arith.constant 4 : i32
        %swap3A_322 = arith.index_cast %swap3A_321 : i32 to index
        %swap3A_323 = arith.index_cast %mul3A_292 : i32 to index
        %swap3A_324 = tpu.vector_load %arg10[%swap3A_322, %swap3A_323] {strides = array<i32>} : memref<8x1024xf32, #tpu.memory_space<vmem>>, vector<16xf32>,
        tpu.vector_store %arg10[%swap3A_322, %swap3A_323], %gather3A_302 {strides = array<i32>} : memref<8x1024xf32, #tpu.memory_space<vmem>>, vector<16xf32>,
        %swap3A_325 = arith.constant 5 : i32
        %swap3A_326 = arith.index_cast %swap3A_325 : i32 to index
        %swap3A_327 = arith.index_cast %mul3A_292 : i32 to index
        %swap3A_328 = tpu.vector_load %arg10[%swap3A_326, %swap3A_327] {strides = array<i32>} : memref<8x1024xf32, #tpu.memory_space<vmem>>, vector<16xf32>,
        tpu.vector_store %arg10[%swap3A_326, %swap3A_327], %gather3A_303 {strides = array<i32>} : memref<8x1024xf32, #tpu.memory_space<vmem>>, vector<16xf32>,
        %swap3A_329 = arith.constant 6 : i32
        %swap3A_330 = arith.index_cast %swap3A_329 : i32 to index
        %swap3A_331 = arith.index_cast %mul3A_292 : i32 to index
        %swap3A_332 = tpu.vector_load %arg10[%swap3A_330, %swap3A_331] {strides = array<i32>} : memref<8x1024xf32, #tpu.memory_space<vmem>>, vector<16xf32>,
        tpu.vector_store %arg10[%swap3A_330, %swap3A_331], %gather3A_304 {strides = array<i32>} : memref<8x1024xf32, #tpu.memory_space<vmem>>, vector<16xf32>,
        %swap3A_333 = arith.constant 7 : i32
        %swap3A_334 = arith.index_cast %swap3A_333 : i32 to index
        %swap3A_335 = arith.index_cast %mul3A_292 : i32 to index
        %swap3A_336 = tpu.vector_load %arg10[%swap3A_334, %swap3A_335] {strides = array<i32>} : memref<8x1024xf32, #tpu.memory_space<vmem>>, vector<16xf32>,
        tpu.vector_store %arg10[%swap3A_334, %swap3A_335], %gather3A_305 {strides = array<i32>} : memref<8x1024xf32, #tpu.memory_space<vmem>>, vector<16xf32>,
        %scan3A_337 = arith.constant 1 : i32
        %scan3A_338 = arith.addi %scan3A_289, %scan3A_337 : i32
        %mul3A_339 = arith.constant 16 : i32
        %mul3A_340 = arith.muli %scan3A_338, %mul3A_339 : i32
        %add3A_341 = arith.constant 2048 : i32
        %add3A_342 = arith.addi %add3A_341, %mul3A_340 : i32
        %add3A_343 = arith.constant 16 : i32
        %add3A_344 = arith.addi %add3A_342, %add3A_343 : i32
        %get3A_345 = arith.index_cast %add3A_344 : i32 to index
        %get3A_346 = tpu.vector_load %arg5[%get3A_345] {strides = array<i32>} : memref<4112xi32, #tpu.memory_space<vmem>>, vector<16xi32>,
        %gather3A_347 = tpu.vector_load_idx %arg7[%broadcast_in_dim3A_22, %get3A_298] : memref<8x4096xf32, #tpu.memory_space<vmem>>[vector<16xi32>, vector<16xi32>], vector<16xf32>,
        %gather3A_348 = tpu.vector_load_idx %arg7[%broadcast_in_dim3A_24, %get3A_298] : memref<8x4096xf32, #tpu.memory_space<vmem>>[vector<16xi32>, vector<16xi32>], vector<16xf32>,
        %gather3A_349 = tpu.vector_load_idx %arg7[%broadcast_in_dim3A_26, %get3A_298] : memref<8x4096xf32, #tpu.memory_space<vmem>>[vector<16xi32>, vector<16xi32>], vector<16xf32>,
        %gather3A_350 = tpu.vector_load_idx %arg7[%broadcast_in_dim3A_28, %get3A_298] : memref<8x4096xf32, #tpu.memory_space<vmem>>[vector<16xi32>, vector<16xi32>], vector<16xf32>,
        %gather3A_351 = tpu.vector_load_idx %arg7[%broadcast_in_dim3A_30, %get3A_298] : memref<8x4096xf32, #tpu.memory_space<vmem>>[vector<16xi32>, vector<16xi32>], vector<16xf32>,
        %gather3A_352 = tpu.vector_load_idx %arg7[%broadcast_in_dim3A_32, %get3A_298] : memref<8x4096xf32, #tpu.memory_space<vmem>>[vector<16xi32>, vector<16xi32>], vector<16xf32>,
        %gather3A_353 = tpu.vector_load_idx %arg7[%broadcast_in_dim3A_34, %get3A_298] : memref<8x4096xf32, #tpu.memory_space<vmem>>[vector<16xi32>, vector<16xi32>], vector<16xf32>,
        %gather3A_354 = tpu.vector_load_idx %arg7[%broadcast_in_dim3A_36, %get3A_298] : memref<8x4096xf32, #tpu.memory_space<vmem>>[vector<16xi32>, vector<16xi32>], vector<16xf32>,
        %swap3A_355 = arith.constant 0 : i32
        %swap3A_356 = arith.index_cast %swap3A_355 : i32 to index
        %swap3A_357 = arith.index_cast %mul3A_340 : i32 to index
        %swap3A_358 = tpu.vector_load %arg10[%swap3A_356, %swap3A_357] {strides = array<i32>} : memref<8x1024xf32, #tpu.memory_space<vmem>>, vector<16xf32>,
        tpu.vector_store %arg10[%swap3A_356, %swap3A_357], %gather3A_347 {strides = array<i32>} : memref<8x1024xf32, #tpu.memory_space<vmem>>, vector<16xf32>,
        %swap3A_359 = arith.constant 1 : i32
        %swap3A_360 = arith.index_cast %swap3A_359 : i32 to index
        %swap3A_361 = arith.index_cast %mul3A_340 : i32 to index
        %swap3A_362 = tpu.vector_load %arg10[%swap3A_360, %swap3A_361] {strides = array<i32>} : memref<8x1024xf32, #tpu.memory_space<vmem>>, vector<16xf32>,
        tpu.vector_store %arg10[%swap3A_360, %swap3A_361], %gather3A_348 {strides = array<i32>} : memref<8x1024xf32, #tpu.memory_space<vmem>>, vector<16xf32>,
        %swap3A_363 = arith.constant 2 : i32
        %swap3A_364 = arith.index_cast %swap3A_363 : i32 to index
        %swap3A_365 = arith.index_cast %mul3A_340 : i32 to index
        %swap3A_366 = tpu.vector_load %arg10[%swap3A_364, %swap3A_365] {strides = array<i32>} : memref<8x1024xf32, #tpu.memory_space<vmem>>, vector<16xf32>,
        tpu.vector_store %arg10[%swap3A_364, %swap3A_365], %gather3A_349 {strides = array<i32>} : memref<8x1024xf32, #tpu.memory_space<vmem>>, vector<16xf32>,
        %swap3A_367 = arith.constant 3 : i32
        %swap3A_368 = arith.index_cast %swap3A_367 : i32 to index
        %swap3A_369 = arith.index_cast %mul3A_340 : i32 to index
        %swap3A_370 = tpu.vector_load %arg10[%swap3A_368, %swap3A_369] {strides = array<i32>} : memref<8x1024xf32, #tpu.memory_space<vmem>>, vector<16xf32>,
        tpu.vector_store %arg10[%swap3A_368, %swap3A_369], %gather3A_350 {strides = array<i32>} : memref<8x1024xf32, #tpu.memory_space<vmem>>, vector<16xf32>,
        %swap3A_371 = arith.constant 4 : i32
        %swap3A_372 = arith.index_cast %swap3A_371 : i32 to index
        %swap3A_373 = arith.index_cast %mul3A_340 : i32 to index
        %swap3A_374 = tpu.vector_load %arg10[%swap3A_372, %swap3A_373] {strides = array<i32>} : memref<8x1024xf32, #tpu.memory_space<vmem>>, vector<16xf32>,
        tpu.vector_store %arg10[%swap3A_372, %swap3A_373], %gather3A_351 {strides = array<i32>} : memref<8x1024xf32, #tpu.memory_space<vmem>>, vector<16xf32>,
        %swap3A_375 = arith.constant 5 : i32
        %swap3A_376 = arith.index_cast %swap3A_375 : i32 to index
        %swap3A_377 = arith.index_cast %mul3A_340 : i32 to index
        %swap3A_378 = tpu.vector_load %arg10[%swap3A_376, %swap3A_377] {strides = array<i32>} : memref<8x1024xf32, #tpu.memory_space<vmem>>, vector<16xf32>,
        tpu.vector_store %arg10[%swap3A_376, %swap3A_377], %gather3A_352 {strides = array<i32>} : memref<8x1024xf32, #tpu.memory_space<vmem>>, vector<16xf32>,
        %swap3A_379 = arith.constant 6 : i32
        %swap3A_380 = arith.index_cast %swap3A_379 : i32 to index
        %swap3A_381 = arith.index_cast %mul3A_340 : i32 to index
        %swap3A_382 = tpu.vector_load %arg10[%swap3A_380, %swap3A_381] {strides = array<i32>} : memref<8x1024xf32, #tpu.memory_space<vmem>>, vector<16xf32>,
        tpu.vector_store %arg10[%swap3A_380, %swap3A_381], %gather3A_353 {strides = array<i32>} : memref<8x1024xf32, #tpu.memory_space<vmem>>, vector<16xf32>,
        %swap3A_383 = arith.constant 7 : i32
        %swap3A_384 = arith.index_cast %swap3A_383 : i32 to index
        %swap3A_385 = arith.index_cast %mul3A_340 : i32 to index
        %swap3A_386 = tpu.vector_load %arg10[%swap3A_384, %swap3A_385] {strides = array<i32>} : memref<8x1024xf32, #tpu.memory_space<vmem>>, vector<16xf32>,
        tpu.vector_store %arg10[%swap3A_384, %swap3A_385], %gather3A_354 {strides = array<i32>} : memref<8x1024xf32, #tpu.memory_space<vmem>>, vector<16xf32>,
        scf.yield %get3A_346 : vector<16xi32>
      }
      %scan3A_250 = arith.constant 64 : i32
      %add3A_251 = arith.addi %mul3A_2, %add3A_184 : i32
      %dma_start3A_252 = arith.constant 0 : i32
      %dma_start3A_253 = arith.constant 2048 : i32
      %dma_start3A_254 = tpu.memref_slice %arg4[%add3A_251, %dma_start3A_252, %dma_start3A_253] : memref<2048x8x4096xf32, #tpu.memory_space<hbm>> -> memref<1x8x1024xf32, #tpu.memory_space<hbm>>
      %dma_start3A_255 = tpu.memref_squeeze %dma_start3A_254 : memref<1x8x1024xf32, #tpu.memory_space<hbm>> -> memref<8x1024xf32, #tpu.memory_space<hbm>>
      %dma_start3A_256 = arith.constant 0 : i32
      %dma_start3A_257 = arith.constant 2048 : i32
      %dma_start3A_258 = tpu.memref_slice %arg4[%add3A_251, %dma_start3A_256, %dma_start3A_257] : memref<2048x8x4096xf32, #tpu.memory_space<hbm>> -> memref<1x8x1024xf32, #tpu.memory_space<hbm>>
      %dma_start3A_259 = tpu.memref_squeeze %dma_start3A_258 : memref<1x8x1024xf32, #tpu.memory_space<hbm>> -> memref<8x1024xf32, #tpu.memory_space<hbm>>
      tpu.enqueue_dma source(%arg10 : memref<8x1024xf32, #tpu.memory_space<vmem>>) target(%dma_start3A_259 : memref<8x1024xf32, #tpu.memory_space<hbm>>) target_semaphore(%arg16 : memref<!tpu.dma_semaphore, #tpu.memory_space<semaphore_mem>>)
      %gt3A_260 = arith.constant 0 : i32
      %gt3A_261 = arith.cmpi sgt, %add3A_184, %gt3A_260 : i32
      %convert_element_type3A_262 = arith.extui %gt3A_261 : i1 to i32
      %cond3A_263 = arith.constant 0 : i32
      %cond3A_264 = arith.cmpi ne, %convert_element_type3A_262, %cond3A_263 : i32
      scf.if %cond3A_264 {
        %dma_wait3A_289 = arith.constant 0 : i32
        %dma_wait3A_290 = arith.constant 0 : i32
        %dma_wait3A_291 = arith.constant 0 : i32
        %dma_wait3A_292 = tpu.memref_slice %arg4[%dma_wait3A_289, %dma_wait3A_290, %dma_wait3A_291] : memref<2048x8x4096xf32, #tpu.memory_space<hbm>> -> memref<1x8x1024xf32, #tpu.memory_space<hbm>>
        %dma_wait3A_293 = tpu.memref_squeeze %dma_wait3A_292 : memref<1x8x1024xf32, #tpu.memory_space<hbm>> -> memref<8x1024xf32, #tpu.memory_space<hbm>>
        %dma_wait3A_294 = arith.constant 0 : i32
        %dma_wait3A_295 = arith.constant 0 : i32
        %dma_wait3A_296 = tpu.memref_slice %arg4[%dma_wait3A_289, %dma_wait3A_294, %dma_wait3A_295] : memref<2048x8x4096xf32, #tpu.memory_space<hbm>> -> memref<1x8x1024xf32, #tpu.memory_space<hbm>>
        %dma_wait3A_297 = tpu.memref_squeeze %dma_wait3A_296 : memref<1x8x1024xf32, #tpu.memory_space<hbm>> -> memref<8x1024xf32, #tpu.memory_space<hbm>>
        tpu.wait_dma2 semaphore(%arg17 : memref<!tpu.dma_semaphore, #tpu.memory_space<semaphore_mem>>) src(%arg11 : memref<8x1024xf32, #tpu.memory_space<vmem>>) dst(%dma_wait3A_297 : memref<8x1024xf32, #tpu.memory_space<hbm>>)
      } else {
      }
      %get3A_265 = arith.constant 3072 : index
      %get3A_266 = tpu.vector_load %arg5[%get3A_265] {strides = array<i32>} : memref<4112xi32, #tpu.memory_space<vmem>>, vector<16xi32>,
      %scan3A_267 = arith.constant 0 : i32
      %scan3A_268 = arith.constant 64 : i32
      %scan3A_269 = arith.addi %scan3A_267, %scan3A_268 : i32
      %scan3A_270 = arith.constant 2 : i32
      %scan3A_271 = scf.for %scan3A_289 = %scan3A_267 to %scan3A_269 step %scan3A_270 iter_args(%scan3A_290 = %get3A_266) -> (vector<16xi32>)  : i32 {
        %mul3A_291 = arith.constant 16 : i32
        %mul3A_292 = arith.muli %scan3A_289, %mul3A_291 : i32
        %add3A_293 = arith.constant 3072 : i32
        %add3A_294 = arith.addi %add3A_293, %mul3A_292 : i32
        %add3A_295 = arith.constant 16 : i32
        %add3A_296 = arith.addi %add3A_294, %add3A_295 : i32
        %get3A_297 = arith.index_cast %add3A_296 : i32 to index
        %get3A_298 = tpu.vector_load %arg5[%get3A_297] {strides = array<i32>} : memref<4112xi32, #tpu.memory_space<vmem>>, vector<16xi32>,
        %gather3A = tpu.vector_load_idx %arg7[%broadcast_in_dim3A_22, %scan3A_290] : memref<8x4096xf32, #tpu.memory_space<vmem>>[vector<16xi32>, vector<16xi32>], vector<16xf32>,
        %gather3A_299 = tpu.vector_load_idx %arg7[%broadcast_in_dim3A_24, %scan3A_290] : memref<8x4096xf32, #tpu.memory_space<vmem>>[vector<16xi32>, vector<16xi32>], vector<16xf32>,
        %gather3A_300 = tpu.vector_load_idx %arg7[%broadcast_in_dim3A_26, %scan3A_290] : memref<8x4096xf32, #tpu.memory_space<vmem>>[vector<16xi32>, vector<16xi32>], vector<16xf32>,
        %gather3A_301 = tpu.vector_load_idx %arg7[%broadcast_in_dim3A_28, %scan3A_290] : memref<8x4096xf32, #tpu.memory_space<vmem>>[vector<16xi32>, vector<16xi32>], vector<16xf32>,
        %gather3A_302 = tpu.vector_load_idx %arg7[%broadcast_in_dim3A_30, %scan3A_290] : memref<8x4096xf32, #tpu.memory_space<vmem>>[vector<16xi32>, vector<16xi32>], vector<16xf32>,
        %gather3A_303 = tpu.vector_load_idx %arg7[%broadcast_in_dim3A_32, %scan3A_290] : memref<8x4096xf32, #tpu.memory_space<vmem>>[vector<16xi32>, vector<16xi32>], vector<16xf32>,
        %gather3A_304 = tpu.vector_load_idx %arg7[%broadcast_in_dim3A_34, %scan3A_290] : memref<8x4096xf32, #tpu.memory_space<vmem>>[vector<16xi32>, vector<16xi32>], vector<16xf32>,
        %gather3A_305 = tpu.vector_load_idx %arg7[%broadcast_in_dim3A_36, %scan3A_290] : memref<8x4096xf32, #tpu.memory_space<vmem>>[vector<16xi32>, vector<16xi32>], vector<16xf32>,
        %swap3A = arith.constant 0 : i32
        %swap3A_306 = arith.index_cast %swap3A : i32 to index
        %swap3A_307 = arith.index_cast %mul3A_292 : i32 to index
        %swap3A_308 = tpu.vector_load %arg11[%swap3A_306, %swap3A_307] {strides = array<i32>} : memref<8x1024xf32, #tpu.memory_space<vmem>>, vector<16xf32>,
        tpu.vector_store %arg11[%swap3A_306, %swap3A_307], %gather3A {strides = array<i32>} : memref<8x1024xf32, #tpu.memory_space<vmem>>, vector<16xf32>,
        %swap3A_309 = arith.constant 1 : i32
        %swap3A_310 = arith.index_cast %swap3A_309 : i32 to index
        %swap3A_311 = arith.index_cast %mul3A_292 : i32 to index
        %swap3A_312 = tpu.vector_load %arg11[%swap3A_310, %swap3A_311] {strides = array<i32>} : memref<8x1024xf32, #tpu.memory_space<vmem>>, vector<16xf32>,
        tpu.vector_store %arg11[%swap3A_310, %swap3A_311], %gather3A_299 {strides = array<i32>} : memref<8x1024xf32, #tpu.memory_space<vmem>>, vector<16xf32>,
        %swap3A_313 = arith.constant 2 : i32
        %swap3A_314 = arith.index_cast %swap3A_313 : i32 to index
        %swap3A_315 = arith.index_cast %mul3A_292 : i32 to index
        %swap3A_316 = tpu.vector_load %arg11[%swap3A_314, %swap3A_315] {strides = array<i32>} : memref<8x1024xf32, #tpu.memory_space<vmem>>, vector<16xf32>,
        tpu.vector_store %arg11[%swap3A_314, %swap3A_315], %gather3A_300 {strides = array<i32>} : memref<8x1024xf32, #tpu.memory_space<vmem>>, vector<16xf32>,
        %swap3A_317 = arith.constant 3 : i32
        %swap3A_318 = arith.index_cast %swap3A_317 : i32 to index
        %swap3A_319 = arith.index_cast %mul3A_292 : i32 to index
        %swap3A_320 = tpu.vector_load %arg11[%swap3A_318, %swap3A_319] {strides = array<i32>} : memref<8x1024xf32, #tpu.memory_space<vmem>>, vector<16xf32>,
        tpu.vector_store %arg11[%swap3A_318, %swap3A_319], %gather3A_301 {strides = array<i32>} : memref<8x1024xf32, #tpu.memory_space<vmem>>, vector<16xf32>,
        %swap3A_321 = arith.constant 4 : i32
        %swap3A_322 = arith.index_cast %swap3A_321 : i32 to index
        %swap3A_323 = arith.index_cast %mul3A_292 : i32 to index
        %swap3A_324 = tpu.vector_load %arg11[%swap3A_322, %swap3A_323] {strides = array<i32>} : memref<8x1024xf32, #tpu.memory_space<vmem>>, vector<16xf32>,
        tpu.vector_store %arg11[%swap3A_322, %swap3A_323], %gather3A_302 {strides = array<i32>} : memref<8x1024xf32, #tpu.memory_space<vmem>>, vector<16xf32>,
        %swap3A_325 = arith.constant 5 : i32
        %swap3A_326 = arith.index_cast %swap3A_325 : i32 to index
        %swap3A_327 = arith.index_cast %mul3A_292 : i32 to index
        %swap3A_328 = tpu.vector_load %arg11[%swap3A_326, %swap3A_327] {strides = array<i32>} : memref<8x1024xf32, #tpu.memory_space<vmem>>, vector<16xf32>,
        tpu.vector_store %arg11[%swap3A_326, %swap3A_327], %gather3A_303 {strides = array<i32>} : memref<8x1024xf32, #tpu.memory_space<vmem>>, vector<16xf32>,
        %swap3A_329 = arith.constant 6 : i32
        %swap3A_330 = arith.index_cast %swap3A_329 : i32 to index
        %swap3A_331 = arith.index_cast %mul3A_292 : i32 to index
        %swap3A_332 = tpu.vector_load %arg11[%swap3A_330, %swap3A_331] {strides = array<i32>} : memref<8x1024xf32, #tpu.memory_space<vmem>>, vector<16xf32>,
        tpu.vector_store %arg11[%swap3A_330, %swap3A_331], %gather3A_304 {strides = array<i32>} : memref<8x1024xf32, #tpu.memory_space<vmem>>, vector<16xf32>,
        %swap3A_333 = arith.constant 7 : i32
        %swap3A_334 = arith.index_cast %swap3A_333 : i32 to index
        %swap3A_335 = arith.index_cast %mul3A_292 : i32 to index
        %swap3A_336 = tpu.vector_load %arg11[%swap3A_334, %swap3A_335] {strides = array<i32>} : memref<8x1024xf32, #tpu.memory_space<vmem>>, vector<16xf32>,
        tpu.vector_store %arg11[%swap3A_334, %swap3A_335], %gather3A_305 {strides = array<i32>} : memref<8x1024xf32, #tpu.memory_space<vmem>>, vector<16xf32>,
        %scan3A_337 = arith.constant 1 : i32
        %scan3A_338 = arith.addi %scan3A_289, %scan3A_337 : i32
        %mul3A_339 = arith.constant 16 : i32
        %mul3A_340 = arith.muli %scan3A_338, %mul3A_339 : i32
        %add3A_341 = arith.constant 3072 : i32
        %add3A_342 = arith.addi %add3A_341, %mul3A_340 : i32
        %add3A_343 = arith.constant 16 : i32
        %add3A_344 = arith.addi %add3A_342, %add3A_343 : i32
        %get3A_345 = arith.index_cast %add3A_344 : i32 to index
        %get3A_346 = tpu.vector_load %arg5[%get3A_345] {strides = array<i32>} : memref<4112xi32, #tpu.memory_space<vmem>>, vector<16xi32>,
        %gather3A_347 = tpu.vector_load_idx %arg7[%broadcast_in_dim3A_22, %get3A_298] : memref<8x4096xf32, #tpu.memory_space<vmem>>[vector<16xi32>, vector<16xi32>], vector<16xf32>,
        %gather3A_348 = tpu.vector_load_idx %arg7[%broadcast_in_dim3A_24, %get3A_298] : memref<8x4096xf32, #tpu.memory_space<vmem>>[vector<16xi32>, vector<16xi32>], vector<16xf32>,
        %gather3A_349 = tpu.vector_load_idx %arg7[%broadcast_in_dim3A_26, %get3A_298] : memref<8x4096xf32, #tpu.memory_space<vmem>>[vector<16xi32>, vector<16xi32>], vector<16xf32>,
        %gather3A_350 = tpu.vector_load_idx %arg7[%broadcast_in_dim3A_28, %get3A_298] : memref<8x4096xf32, #tpu.memory_space<vmem>>[vector<16xi32>, vector<16xi32>], vector<16xf32>,
        %gather3A_351 = tpu.vector_load_idx %arg7[%broadcast_in_dim3A_30, %get3A_298] : memref<8x4096xf32, #tpu.memory_space<vmem>>[vector<16xi32>, vector<16xi32>], vector<16xf32>,
        %gather3A_352 = tpu.vector_load_idx %arg7[%broadcast_in_dim3A_32, %get3A_298] : memref<8x4096xf32, #tpu.memory_space<vmem>>[vector<16xi32>, vector<16xi32>], vector<16xf32>,
        %gather3A_353 = tpu.vector_load_idx %arg7[%broadcast_in_dim3A_34, %get3A_298] : memref<8x4096xf32, #tpu.memory_space<vmem>>[vector<16xi32>, vector<16xi32>], vector<16xf32>,
        %gather3A_354 = tpu.vector_load_idx %arg7[%broadcast_in_dim3A_36, %get3A_298] : memref<8x4096xf32, #tpu.memory_space<vmem>>[vector<16xi32>, vector<16xi32>], vector<16xf32>,
        %swap3A_355 = arith.constant 0 : i32
        %swap3A_356 = arith.index_cast %swap3A_355 : i32 to index
        %swap3A_357 = arith.index_cast %mul3A_340 : i32 to index
        %swap3A_358 = tpu.vector_load %arg11[%swap3A_356, %swap3A_357] {strides = array<i32>} : memref<8x1024xf32, #tpu.memory_space<vmem>>, vector<16xf32>,
        tpu.vector_store %arg11[%swap3A_356, %swap3A_357], %gather3A_347 {strides = array<i32>} : memref<8x1024xf32, #tpu.memory_space<vmem>>, vector<16xf32>,
        %swap3A_359 = arith.constant 1 : i32
        %swap3A_360 = arith.index_cast %swap3A_359 : i32 to index
        %swap3A_361 = arith.index_cast %mul3A_340 : i32 to index
        %swap3A_362 = tpu.vector_load %arg11[%swap3A_360, %swap3A_361] {strides = array<i32>} : memref<8x1024xf32, #tpu.memory_space<vmem>>, vector<16xf32>,
        tpu.vector_store %arg11[%swap3A_360, %swap3A_361], %gather3A_348 {strides = array<i32>} : memref<8x1024xf32, #tpu.memory_space<vmem>>, vector<16xf32>,
        %swap3A_363 = arith.constant 2 : i32
        %swap3A_364 = arith.index_cast %swap3A_363 : i32 to index
        %swap3A_365 = arith.index_cast %mul3A_340 : i32 to index
        %swap3A_366 = tpu.vector_load %arg11[%swap3A_364, %swap3A_365] {strides = array<i32>} : memref<8x1024xf32, #tpu.memory_space<vmem>>, vector<16xf32>,
        tpu.vector_store %arg11[%swap3A_364, %swap3A_365], %gather3A_349 {strides = array<i32>} : memref<8x1024xf32, #tpu.memory_space<vmem>>, vector<16xf32>,
        %swap3A_367 = arith.constant 3 : i32
        %swap3A_368 = arith.index_cast %swap3A_367 : i32 to index
        %swap3A_369 = arith.index_cast %mul3A_340 : i32 to index
        %swap3A_370 = tpu.vector_load %arg11[%swap3A_368, %swap3A_369] {strides = array<i32>} : memref<8x1024xf32, #tpu.memory_space<vmem>>, vector<16xf32>,
        tpu.vector_store %arg11[%swap3A_368, %swap3A_369], %gather3A_350 {strides = array<i32>} : memref<8x1024xf32, #tpu.memory_space<vmem>>, vector<16xf32>,
        %swap3A_371 = arith.constant 4 : i32
        %swap3A_372 = arith.index_cast %swap3A_371 : i32 to index
        %swap3A_373 = arith.index_cast %mul3A_340 : i32 to index
        %swap3A_374 = tpu.vector_load %arg11[%swap3A_372, %swap3A_373] {strides = array<i32>} : memref<8x1024xf32, #tpu.memory_space<vmem>>, vector<16xf32>,
        tpu.vector_store %arg11[%swap3A_372, %swap3A_373], %gather3A_351 {strides = array<i32>} : memref<8x1024xf32, #tpu.memory_space<vmem>>, vector<16xf32>,
        %swap3A_375 = arith.constant 5 : i32
        %swap3A_376 = arith.index_cast %swap3A_375 : i32 to index
        %swap3A_377 = arith.index_cast %mul3A_340 : i32 to index
        %swap3A_378 = tpu.vector_load %arg11[%swap3A_376, %swap3A_377] {strides = array<i32>} : memref<8x1024xf32, #tpu.memory_space<vmem>>, vector<16xf32>,
        tpu.vector_store %arg11[%swap3A_376, %swap3A_377], %gather3A_352 {strides = array<i32>} : memref<8x1024xf32, #tpu.memory_space<vmem>>, vector<16xf32>,
        %swap3A_379 = arith.constant 6 : i32
        %swap3A_380 = arith.index_cast %swap3A_379 : i32 to index
        %swap3A_381 = arith.index_cast %mul3A_340 : i32 to index
        %swap3A_382 = tpu.vector_load %arg11[%swap3A_380, %swap3A_381] {strides = array<i32>} : memref<8x1024xf32, #tpu.memory_space<vmem>>, vector<16xf32>,
        tpu.vector_store %arg11[%swap3A_380, %swap3A_381], %gather3A_353 {strides = array<i32>} : memref<8x1024xf32, #tpu.memory_space<vmem>>, vector<16xf32>,
        %swap3A_383 = arith.constant 7 : i32
        %swap3A_384 = arith.index_cast %swap3A_383 : i32 to index
        %swap3A_385 = arith.index_cast %mul3A_340 : i32 to index
        %swap3A_386 = tpu.vector_load %arg11[%swap3A_384, %swap3A_385] {strides = array<i32>} : memref<8x1024xf32, #tpu.memory_space<vmem>>, vector<16xf32>,
        tpu.vector_store %arg11[%swap3A_384, %swap3A_385], %gather3A_354 {strides = array<i32>} : memref<8x1024xf32, #tpu.memory_space<vmem>>, vector<16xf32>,
        scf.yield %get3A_346 : vector<16xi32>
      }
      %scan3A_272 = arith.constant 64 : i32
      %add3A_273 = arith.addi %mul3A_2, %add3A_184 : i32
      %dma_start3A_274 = arith.constant 0 : i32
      %dma_start3A_275 = arith.constant 3072 : i32
      %dma_start3A_276 = tpu.memref_slice %arg4[%add3A_273, %dma_start3A_274, %dma_start3A_275] : memref<2048x8x4096xf32, #tpu.memory_space<hbm>> -> memref<1x8x1024xf32, #tpu.memory_space<hbm>>
      %dma_start3A_277 = tpu.memref_squeeze %dma_start3A_276 : memref<1x8x1024xf32, #tpu.memory_space<hbm>> -> memref<8x1024xf32, #tpu.memory_space<hbm>>
      %dma_start3A_278 = arith.constant 0 : i32
      %dma_start3A_279 = arith.constant 3072 : i32
      %dma_start3A_280 = tpu.memref_slice %arg4[%add3A_273, %dma_start3A_278, %dma_start3A_279] : memref<2048x8x4096xf32, #tpu.memory_space<hbm>> -> memref<1x8x1024xf32, #tpu.memory_space<hbm>>
      %dma_start3A_281 = tpu.memref_squeeze %dma_start3A_280 : memref<1x8x1024xf32, #tpu.memory_space<hbm>> -> memref<8x1024xf32, #tpu.memory_space<hbm>>
      tpu.enqueue_dma source(%arg11 : memref<8x1024xf32, #tpu.memory_space<vmem>>) target(%dma_start3A_281 : memref<8x1024xf32, #tpu.memory_space<hbm>>) target_semaphore(%arg17 : memref<!tpu.dma_semaphore, #tpu.memory_space<semaphore_mem>>)
      %add3A_282 = arith.constant 2 : i32
      %add3A_283 = arith.addi %add3A_184, %add3A_282 : i32
      %lt3A_284 = arith.constant 64 : i32
      %lt3A_285 = arith.cmpi slt, %add3A_283, %lt3A_284 : i32
      %convert_element_type3A_286 = arith.extui %lt3A_285 : i1 to i32
      %cond3A_287 = arith.constant 0 : i32
      %cond3A_288 = arith.cmpi ne, %convert_element_type3A_286, %cond3A_287 : i32
      scf.if %cond3A_288 {
        %add3A_289 = arith.constant 2 : i32
        %add3A_290 = arith.addi %add3A_184, %add3A_289 : i32
        %add3A_291 = arith.addi %mul3A_2, %add3A_290 : i32
        %dma_start3A_292 = arith.constant 0 : i32
        %dma_start3A_293 = arith.constant 0 : i32
        %dma_start3A_294 = tpu.memref_slice %arg2[%add3A_291, %dma_start3A_292, %dma_start3A_293] : memref<2048x8x4096xf32, #tpu.memory_space<hbm>> -> memref<1x8x4096xf32, #tpu.memory_space<hbm>>
        %dma_start3A_295 = tpu.memref_squeeze %dma_start3A_294 : memref<1x8x4096xf32, #tpu.memory_space<hbm>> -> memref<8x4096xf32, #tpu.memory_space<hbm>>
        %dma_start3A_296 = arith.constant 0 : i32
        %dma_start3A_297 = arith.constant 0 : i32
        %dma_start3A_298 = tpu.memref_slice %arg2[%add3A_291, %dma_start3A_296, %dma_start3A_297] : memref<2048x8x4096xf32, #tpu.memory_space<hbm>> -> memref<1x8x4096xf32, #tpu.memory_space<hbm>>
        %dma_start3A_299 = tpu.memref_squeeze %dma_start3A_298 : memref<1x8x4096xf32, #tpu.memory_space<hbm>> -> memref<8x4096xf32, #tpu.memory_space<hbm>>
        tpu.enqueue_dma source(%dma_start3A_299 : memref<8x4096xf32, #tpu.memory_space<hbm>>) target(%arg7 : memref<8x4096xf32, #tpu.memory_space<vmem>>) target_semaphore(%arg13 : memref<!tpu.dma_semaphore, #tpu.memory_space<semaphore_mem>>)
      } else {
      }
    }
    %scan3A_41 = arith.constant 32 : i32
    %dma_wait3A = arith.constant 0 : i32
    %dma_wait3A_42 = arith.constant 0 : i32
    %dma_wait3A_43 = arith.constant 0 : i32
    %dma_wait3A_44 = tpu.memref_slice %arg4[%dma_wait3A, %dma_wait3A_42, %dma_wait3A_43] : memref<2048x8x4096xf32, #tpu.memory_space<hbm>> -> memref<1x8x1024xf32, #tpu.memory_space<hbm>>
    %dma_wait3A_45 = tpu.memref_squeeze %dma_wait3A_44 : memref<1x8x1024xf32, #tpu.memory_space<hbm>> -> memref<8x1024xf32, #tpu.memory_space<hbm>>
    %dma_wait3A_46 = arith.constant 0 : i32
    %dma_wait3A_47 = arith.constant 0 : i32
    %dma_wait3A_48 = tpu.memref_slice %arg4[%dma_wait3A, %dma_wait3A_46, %dma_wait3A_47] : memref<2048x8x4096xf32, #tpu.memory_space<hbm>> -> memref<1x8x1024xf32, #tpu.memory_space<hbm>>
    %dma_wait3A_49 = tpu.memref_squeeze %dma_wait3A_48 : memref<1x8x1024xf32, #tpu.memory_space<hbm>> -> memref<8x1024xf32, #tpu.memory_space<hbm>>
    tpu.wait_dma2 semaphore(%arg14 : memref<!tpu.dma_semaphore, #tpu.memory_space<semaphore_mem>>) src(%arg8 : memref<8x1024xf32, #tpu.memory_space<vmem>>) dst(%dma_wait3A_49 : memref<8x1024xf32, #tpu.memory_space<hbm>>)
    %dma_wait3A_50 = arith.constant 0 : i32
    %dma_wait3A_51 = arith.constant 0 : i32
    %dma_wait3A_52 = arith.constant 0 : i32
    %dma_wait3A_53 = tpu.memref_slice %arg4[%dma_wait3A_50, %dma_wait3A_51, %dma_wait3A_52] : memref<2048x8x4096xf32, #tpu.memory_space<hbm>> -> memref<1x8x1024xf32, #tpu.memory_space<hbm>>
    %dma_wait3A_54 = tpu.memref_squeeze %dma_wait3A_53 : memref<1x8x1024xf32, #tpu.memory_space<hbm>> -> memref<8x1024xf32, #tpu.memory_space<hbm>>
    %dma_wait3A_55 = arith.constant 0 : i32
    %dma_wait3A_56 = arith.constant 0 : i32
    %dma_wait3A_57 = tpu.memref_slice %arg4[%dma_wait3A_50, %dma_wait3A_55, %dma_wait3A_56] : memref<2048x8x4096xf32, #tpu.memory_space<hbm>> -> memref<1x8x1024xf32, #tpu.memory_space<hbm>>
    %dma_wait3A_58 = tpu.memref_squeeze %dma_wait3A_57 : memref<1x8x1024xf32, #tpu.memory_space<hbm>> -> memref<8x1024xf32, #tpu.memory_space<hbm>>
    tpu.wait_dma2 semaphore(%arg15 : memref<!tpu.dma_semaphore, #tpu.memory_space<semaphore_mem>>) src(%arg9 : memref<8x1024xf32, #tpu.memory_space<vmem>>) dst(%dma_wait3A_58 : memref<8x1024xf32, #tpu.memory_space<hbm>>)
    %dma_wait3A_59 = arith.constant 0 : i32
    %dma_wait3A_60 = arith.constant 0 : i32
    %dma_wait3A_61 = arith.constant 0 : i32
    %dma_wait3A_62 = tpu.memref_slice %arg4[%dma_wait3A_59, %dma_wait3A_60, %dma_wait3A_61] : memref<2048x8x4096xf32, #tpu.memory_space<hbm>> -> memref<1x8x1024xf32, #tpu.memory_space<hbm>>
    %dma_wait3A_63 = tpu.memref_squeeze %dma_wait3A_62 : memref<1x8x1024xf32, #tpu.memory_space<hbm>> -> memref<8x1024xf32, #tpu.memory_space<hbm>>
    %dma_wait3A_64 = arith.constant 0 : i32
    %dma_wait3A_65 = arith.constant 0 : i32
    %dma_wait3A_66 = tpu.memref_slice %arg4[%dma_wait3A_59, %dma_wait3A_64, %dma_wait3A_65] : memref<2048x8x4096xf32, #tpu.memory_space<hbm>> -> memref<1x8x1024xf32, #tpu.memory_space<hbm>>
    %dma_wait3A_67 = tpu.memref_squeeze %dma_wait3A_66 : memref<1x8x1024xf32, #tpu.memory_space<hbm>> -> memref<8x1024xf32, #tpu.memory_space<hbm>>
    tpu.wait_dma2 semaphore(%arg16 : memref<!tpu.dma_semaphore, #tpu.memory_space<semaphore_mem>>) src(%arg10 : memref<8x1024xf32, #tpu.memory_space<vmem>>) dst(%dma_wait3A_67 : memref<8x1024xf32, #tpu.memory_space<hbm>>)
    %dma_wait3A_68 = arith.constant 0 : i32
    %dma_wait3A_69 = arith.constant 0 : i32
    %dma_wait3A_70 = arith.constant 0 : i32
    %dma_wait3A_71 = tpu.memref_slice %arg4[%dma_wait3A_68, %dma_wait3A_69, %dma_wait3A_70] : memref<2048x8x4096xf32, #tpu.memory_space<hbm>> -> memref<1x8x1024xf32, #tpu.memory_space<hbm>>
    %dma_wait3A_72 = tpu.memref_squeeze %dma_wait3A_71 : memref<1x8x1024xf32, #tpu.memory_space<hbm>> -> memref<8x1024xf32, #tpu.memory_space<hbm>>
    %dma_wait3A_73 = arith.constant 0 : i32
    %dma_wait3A_74 = arith.constant 0 : i32
    %dma_wait3A_75 = tpu.memref_slice %arg4[%dma_wait3A_68, %dma_wait3A_73, %dma_wait3A_74] : memref<2048x8x4096xf32, #tpu.memory_space<hbm>> -> memref<1x8x1024xf32, #tpu.memory_space<hbm>>
    %dma_wait3A_76 = tpu.memref_squeeze %dma_wait3A_75 : memref<1x8x1024xf32, #tpu.memory_space<hbm>> -> memref<8x1024xf32, #tpu.memory_space<hbm>>
    tpu.wait_dma2 semaphore(%arg17 : memref<!tpu.dma_semaphore, #tpu.memory_space<semaphore_mem>>) src(%arg11 : memref<8x1024xf32, #tpu.memory_space<vmem>>) dst(%dma_wait3A_76 : memref<8x1024xf32, #tpu.memory_space<hbm>>)
    return
  }
}

</mosaic_0001>

<sc_bundles>
// kernel: kernel.3.cloned.1.call-start
scs
__scs_entry_jumppad:
0x0: {  	(pc) =	sbr.rel $0x88, $3  }
0x1: {  	(tag) =	ssettag $0x0;
	lr =	simm.s32 $0x1  }
0x2: {  	[smem:$0x3F9F] =	sst lr;
	_ =	strace $0xD0000000  }
0x3: {  	_ = 	snop  }
0x4: {  	_ = 	snop  }
0x5: {  	_ = 	snop  }
0x6: {  	_ = 	snop  }
0x7: {  	_ = 	snop  }
__scs_overlays_trampoline_lowered:
0x8: {  	[smem:$0x3FAE] =	sst s0  }
0x9: {  	[smem:$0x3FAF] =	sst s1  }
0xa: {  	[smem:$0x3FB0] =	sst s2  }
0xb: {  	[smem:$0x3FB1] =	sst s3  }
0xc: {  	[smem:$0x3FB2] =	sst s4  }
0xd: {  	[smem:$0x3FB3] =	sst s5  }
0xe: {  	[smem:$0x3FB4] =	sst s6  }
0xf: {  	[smem:$0x3FB5] =	sst s7  }
0x10: {  	[smem:$0x3FB6] =	sst s8  }
0x11: {  	[smem:$0x3FB7] =	sst s9;
	s0 =	simm.s32 @!p0 $0x0  }
0x12: {  	s1 =	sld [smem:$0x3F9D];
	s0 =	simm.s32 @p0 $0x1  }
0x13: {  	[smem:$0x3FB8] =	sst s0;
	s0 =	simm.s32 @!p1 $0x0  }
0x14: {  	s2 =	sld [smem:$0x3F9C];
	s0 =	simm.s32 @p1 $0x1  }
0x15: {  	[smem:$0x3FB9] =	sst s0;
	s0 =	simm.s32 @!p2 $0x0  }
0x16: {  	s3 =	sld [smem:$0x3FDB];
	s0 =	simm.s32 @p2 $0x1  }
0x17: {  	s4 =	simm.s32 $0x1BF5;
	[smem:$0x3FBB] =	sst s0  }
0x18: {  	s0 =	sld [smem:$0x3F9E];
	_ =	swait.ge [sflag:s4], $0x0  }
0x19: {  	s7 =	sld [smem:$0x3F9F]  }
0x1a: {  	s8 =	sadd.s32 $0xFFFFE003, lr  }
0x1b: {  	s9 =	sadd.s32 $0xFFFFFEF7, lr;
	s5 =	simm.s32 $0xFFFFFFFF;
	p2 =	slt.u32 s8, $0xFFFFF086  }
0x1c: {  	p1 =	slt.u32 s9, $0xF7A;
	s5 =	simm.s32 @!p2 $0x0  }
0x1d: {  	s5 =	simm.s32 @p1 $0x1;
	p0 =	seq.s32 s7, s2  }
0x1e: {  	s7 =	smul.u32 @!p0 $0xF7A, s2;
	p2 =	seq.s32 @!p0 s5, $0x0  }
0x1f: {  	s9 =	smul.u32 $0xF7A, s1;
	s8 =	simm.s32 @!p0 $0x1BF5;
	p2 =	por !p2, p0  }
0x20: {  	[sflag:s8] =	ssyncset.s32 @!p0 $0xFFFFF086;
	s6 =	sadd.s32 @!p0 s3, s7;
	s7 =	simm.s32 @!p0 $0x108  }
0x21: {  	s3 =	sadd.s32 s3, s9;
	s6 =	sadd.s32 @!p0 $0x88, s6;
	s7 =	simm.s32 @p2 $0x1082  }
0x22: {  	[simem:s7], [sflag:s8] =	dma.local @!p0 [hbm:s6], $0xF7A  }
0x23: {  	s9 =	sor.u32 $0xD0000000, s2;
	s6 =	simm.s32 $0x108;
	_ =	swait.ge @!p0 [sflag:s8], $0x0  }
0x24: {  	s3 =	sadd.s32 $0x88, s3;
	s6 =	simm.s32 @!p1 $0x1082;
	[sflag:s4] =	ssyncset.s32 $0xFFFFF086  }
0x25: {  	[simem:s6], [sflag:s4] =	dma.local [hbm:s3], $0xF7A  }
0x26: {  	[smem:$0x3F9F] =	sst s1;
	(tag) =	ssettag s2;
	_ =	strace s9  }
0x27: {  	s1 =	sld [smem:$0x3FAF]  }
0x28: {  	s2 =	sld [smem:$0x3FB0]  }
0x29: {  	s4 =	sld [smem:$0x3FB2]  }
0x2a: {  	p0 =	seq.s32 s5, $0x0;
	s5 =	sld [smem:$0x3FB3]  }
0x2b: {  	s6 =	sld [smem:$0x3FB4]  }
0x2c: {  	s7 =	sld [smem:$0x3FB5]  }
0x2d: {  	s3 =	simm.s32 $0x108;
	s8 =	sld [smem:$0x3FB6]  }
0x2e: {  	s3 =	simm.s32 @!p0 $0x1082;
	s9 =	sld [smem:$0x3FB7]  }
0x2f: {  	lr =	sadd.s32 s0, s3;
	s0 =	sld [smem:$0x3FAE]  }
0x30: {  	s3 =	sld [smem:$0x3FB1]  }
0x31: {  	[smem:$0x3FBA] =	sst s10  }
0x32: {  	s10 =	sld [smem:$0x3FB8];
	_ =	sdelay $0x3  }
0x33: {  	p0 =	seq.s32 s10, $0x1;
	s10 =	sld [smem:$0x3FBA];
	_ =	sdelay $0x3  }
0x34: {  	[smem:$0x3FBA] =	sst s10  }
0x35: {  	s10 =	sld [smem:$0x3FB9];
	_ =	sdelay $0x3  }
0x36: {  	p1 =	seq.s32 s10, $0x1;
	s10 =	sld [smem:$0x3FBA];
	_ =	sdelay $0x3  }
0x37: {  	[smem:$0x3FBA] =	sst s10  }
0x38: {  	s10 =	sld [smem:$0x3FBB]  }
0x39: {  	_ = 	snop;
	(pc) =	sbr.ind lr, $3  }
0x3a: {  	_ = 	snop  }
0x3b: {  	_ = 	snop  }
0x3c: {  	p2 =	seq.s32 s10, $0x1;
	s10 =	sld [smem:$0x3FBA]  }
0x3d: {  	_ =	shalt  }
0x3e: {  	_ =	shalt  }
0x3f: {  	_ =	shalt  }
0x40: {  	_ =	shalt  }
0x41: {  	_ =	shalt  }
0x42: {  	_ =	shalt  }
0x43: {  	_ =	shalt  }
0x44: {  	_ =	shalt  }
0x45: {  	_ =	shalt  }
0x46: {  	_ =	shalt  }
0x47: {  	_ =	shalt  }
0x48: {  	_ =	shalt  }
0x49: {  	_ =	shalt  }
0x4a: {  	_ =	shalt  }
0x4b: {  	_ =	shalt  }
0x4c: {  	_ =	shalt  }
0x4d: {  	_ =	shalt  }
0x4e: {  	_ =	shalt  }
0x4f: {  	_ =	shalt  }
0x50: {  	_ =	shalt  }
0x51: {  	_ =	shalt  }
0x52: {  	_ =	shalt  }
0x53: {  	_ =	shalt  }
0x54: {  	_ =	shalt  }
0x55: {  	_ =	shalt  }
0x56: {  	_ =	shalt  }
0x57: {  	_ =	shalt  }
0x58: {  	_ =	shalt  }
0x59: {  	_ =	shalt  }
0x5a: {  	_ =	shalt  }
0x5b: {  	_ =	shalt  }
0x5c: {  	_ =	shalt  }
0x5d: {  	_ =	shalt  }
0x5e: {  	_ =	shalt  }
0x5f: {  	_ =	shalt  }
0x60: {  	_ =	shalt  }
0x61: {  	_ =	shalt  }
0x62: {  	_ =	shalt  }
0x63: {  	_ =	shalt  }
0x64: {  	_ =	shalt  }
0x65: {  	_ =	shalt  }
0x66: {  	_ =	shalt  }
0x67: {  	_ =	shalt  }
0x68: {  	_ =	shalt  }
0x69: {  	_ =	shalt  }
0x6a: {  	_ =	shalt  }
0x6b: {  	_ =	shalt  }
0x6c: {  	_ =	shalt  }
0x6d: {  	_ =	shalt  }
0x6e: {  	_ =	shalt  }
0x6f: {  	_ =	shalt  }
0x70: {  	_ =	shalt  }
0x71: {  	_ =	shalt  }
0x72: {  	_ =	shalt  }
0x73: {  	_ =	shalt  }
0x74: {  	_ =	shalt  }
0x75: {  	_ =	shalt  }
0x76: {  	_ =	shalt  }
0x77: {  	_ =	shalt  }
0x78: {  	_ =	shalt  }
0x79: {  	_ =	shalt  }
0x7a: {  	_ =	shalt  }
0x7b: {  	_ =	shalt  }
0x7c: {  	_ =	shalt  }
0x7d: {  	_ =	shalt  }
0x7e: {  	_ =	shalt  }
0x7f: {  	_ =	shalt  }
0x80: {  	_ =	shalt  }
0x81: {  	_ =	shalt  }
0x82: {  	_ =	shalt  }
0x83: {  	_ =	shalt  }
0x84: {  	_ =	shalt  }
0x85: {  	_ =	shalt  }
0x86: {  	_ =	shalt  }
0x87: {  	_ =	shalt  }
.Lfunc_end0:
.L_simem_size_0:
called_computation_lowered:
.L_overlay_start_0:
0x88: {  	s2 =	sld [smem:$0x3FD9]  }
0x89: {  	s3 =	sld [smem:$0x3FFE];
	_ =	sdelay $0x1  }
0x8a: {  	s1 =	srdreg.scid  }
0x8b: {  	s0 =	sand.u32 $0x1, s1  }
0x8c: {  	s18 =	sshll.u32 s0, $0xA;
	s2 =	sadd.s32 s3, s2  }
0x8d: {  	s2 =	sadd.s32 s2, s18  }
0x8e: {  	[smem:$0x3FC6] =	sst s2  }
0x8f: {  	_ = 	snop  }
0x90: {  	s2 =	sld [smem:$0x3FC9]  }
0x91: {  	s19 =	sld [smem:$0x3FC8]  }
0x92: {  	s4 =	sld [smem:$0x3FD0];
	(tm) =	ssettm $0x1  }
0x93: {  	s5 =	sld [smem:$0x3FFB];
	_ =	sdelay $0x3  }
0x94: {  	_ =	strace s5  }
0x95: {  	s5 =	sld [smem:$0x3FFC];
	_ =	sdelay $0x3  }
0x96: {  	_ =	strace s5  }
0x97: {  	s5 =	sld [smem:$0x3FFD];
	_ =	sdelay $0x3  }
0x98: {  	_ =	strace s5  }
0x99: {  	_ =	strace $0x8FFFFFFF  }
0x9a: {  	s20 =	sld [smem:$0x3FDB];
	_ =	sdelay $0x1  }
0x9b: {  	s6 =	simm.s32 $_scs_section_size  }
0x9c: {  	s7 =	simm.s32 $_size__tile_overlayer_lowered;
	s8 =	simm.s32 $_tile_overlayer_lowered  }
0x9d: {  	s23 =	simm.s32 $0x1BFF;
	s22 =	sshll.u32 s8, $0x1;
	s5 =	sadd.s32 s6, s20  }
0x9e: {  	s9 =	simm.s32 $0x0;
	s21 =	sshll.u32 s7, $0x1;
	s7 =	sadd.s32 s22, s5  }
0x9f: {  	[timem:s9], [sflag:s23] =	dma.local [hbm:s7], s21  }
0xa0: {  	_ =	swait.ge [sflag:s23], s21  }
0xa1: {  	s6 =	ssub.s32 $0x0, s21;
	[sflag:s23] =	ssyncset.done $0x0  }
0xa2: {  	[sflag:s23] =	ssyncadd.s32 s6;
	_ =	sdelay $0x1  }
0xa3: {  	s24 =	simm.s32 $0x1B8B  }
0xa4: {  	_ =	swait.ge [sflag:s24], $0x1  }
0xa5: {  	[sflag:s24] =	ssyncset.done $0x0  }
0xa6: {  	s25 =	simm.s32 $0x1B8E;
	[sflag:s24] =	ssyncadd.s32 $0xFFFFFFFF  }
0xa7: {  	s26 =	simm.s32 $execute0_lowered;
	[smem:$0x3FD2] =	sst s25  }
0xa8: {  	s6 =	sshll.u32 s26, $0x1;
	_ =	strace $0x80000046;
	[dreg:$0x1] =	wrdreg $0xFFFFFFFF  }
0xa9: {  	s28 =	simm.s32 $_size_execute0_lowered;
	s5 =	sadd.s32 s5, s6;
	[dreg:$0x0] =	wrdreg $0x0  }
0xaa: {  	s6 =	sshll.u32 s28, $0x1;
	[dreg:$0x2] =	wrdreg s5  }
0xab: {  	[dreg:$0x3] =	wrdreg s6  }
0xac: {  	[dreg:$0x4] =	wrdreg $0xC0  }
0xad: {  	_ =	task [dreg:s9], $0x5FFFF  }
0xae: {  	[dreg:$0x1] =	wrdreg $0xFFFFFFFF  }
0xaf: {  	[dreg:$0x0] =	wrdreg $0x60  }
0xb0: {  	[dreg:$0x2] =	wrdreg s2  }
0xb1: {  	[dreg:$0x3] =	wrdreg s19  }
0xb2: {  	[dreg:$0x4] =	wrdreg s4  }
0xb3: {  	[dreg:$0x5] =	wrdreg $0x9  }
0xb4: {  	_ =	task.clear_ibuf [dreg:s9], $0x6FFFF;
	_ =	strace $0x90000046  }
0xb5: {  	s29 =	simm.s32 $0x9;
	_ =	strace $0x80000048  }
0xb6: {  	_ =	swait.ge [sflag:s29], $0x1  }
0xb7: {  	[sflag:s29] =	ssyncadd.s32 $0xFFFFFFFF  }
0xb8: {  	_ =	strace $0x90000048  }
0xb9: {  	_ =	sfence  }
0xba: {  	s30 =	sld [smem:$0x0];
	_ =	sdelay $0x2  }
0xbb: {  	s31 =	sshll.u32 s1, $0xD;
	s1 =	sshrl.u32 s1, $0x2  }
0xbc: {  	s3 =	sand.u32 $0x4000, s31;
	s1 =	sadd.s32 s1, s30  }
0xbd: {  	s0 =	sor.u32 s3, s0;
	s1 =	sshll.u32 s1, $0x11  }
0xbe: {  	s0 =	sor.u32 s1, s0  }
0xbf: {  	s0 =	sadd.s32 $0x8F2B, s0  }
0xc0: {  	[sflag:s0] =	ssyncadd.remote.s32 $0x1  }
0xc1: {  	_ =	sfence.sel $0xFFFF  }
0xc2: {  	[dreg:$0x0] =	wrdreg $0xFFFFFFFF;
	(pc) =	sbr.abs _section_cstart, $3  }
0xc3: {  	[dreg:$0x1] =	wrdreg $0xFFFFFFFF  }
0xc4: {  	_ =	task.clear_ibuf [dreg:s9], $0x2FFFF;
	_ =	strace $0x9FFFFFFF  }
0xc5: {  	(tm) =	ssettm $0x7FFFFFFF  }
tec
execute0_lowered:
.L_overlay_start_1:
0x0: {  	(tag) =	ssettag $0x1  }
0x1: {  	s2 =	rddreg [dreg:$0x0];
	s0 =	srdreg.scid  }
0x2: {  	s4 =	rddreg [dreg:$0x2];
	s1 =	stileid.u32  }
0x3: {  	s5 =	simm.s32 $0x0;
	s16 =	simm.s32 $0x1080;
	s17 =	simm.s32 $0x9080  }
0x4: {  	s18 =	simm.s32 $0x1;
	s20 =	simm.s32 $0x13080;
	s21 =	simm.s32 $0x15080  }
0x5: {  	s22 =	simm.s32 $0x17080;
	s23 =	simm.s32 $0x2;
	s24 =	simm.s32 $0x3  }
0x6: {  	s25 =	simm.s32 $0x4;
	s28 =	simm.s32 $0x6;
	s0 =	sand.u32 $0x1, s0  }
0x7: {  	s1 =	sshll.u32 s1, $0x7;
	[smem:$0x7FF] =	sst s5;
	s9 =	sadd.s32 $0x400, s4  }
0x8: {  	s10 =	sadd.s32 $0x800, s4;
	s12 =	smov.u32 s4;
	s3 =	sshll.u32 s0, $0x6  }
0x9: {  	s0 =	ssub.s32 $0x2, s0;
	_ =	strace $0x80000047;
	s6 =	sor.u32 s3, s1  }
0xa: {  	s26 =	sshrl.u32 s0, $0x1;
	s3 =	sshll.u32 s6, $0xC;
	s30 =	sor.u32 $0x2, s6  }
.Ltmp0:
0xb: {  	s31 =	sor.u32 $0x3, s6;
	[dreg:$0x6] =	wrdreg s30;
	(pc) =	sbr.rel .LBB2_1-.Ltmp0, $4  }
0xc: {  	s0 =	ssub.s32 s0, s26;
	s29 =	sadd.s32 s2, s3;
	[dreg:$0x7] =	wrdreg s31  }
0xd: {  	s11 =	sadd.s32 $0xC00, s4;
	s0 =	smax.u32 s0, $0x1;
	[dreg:$0x4] =	wrdreg s29  }
0xe: {  	s19 =	smov.u32 s6;
	s1 =	sadd.s32 $0x1000, s29;
	[dreg:$0x8] =	wrdreg s0  }
0xf: {  	s26 =	simm.s32 $0x5;
	[dreg:$0x5] =	wrdreg s1;
	s1 =	simm.s32 $0x0  }
.LBB2_20:
0x10: {  	_ =	swait.ge [sflag:s24], $0x2000  }
0x11: {  	[sflag:s24] =	ssyncset.done $0x0  }
0x12: {  	[sflag:s24] =	ssyncadd.s32 $0xFFFFE000  }
0x13: {  	_ =	swait.ge [sflag:s25], $0x2000  }
0x14: {  	[sflag:s25] =	ssyncset.done $0x0  }
0x15: {  	[sflag:s25] =	ssyncadd.s32 $0xFFFFE000  }
0x16: {  	_ =	swait.ge [sflag:s26], $0x2000  }
0x17: {  	[sflag:s26] =	ssyncset.done $0x0  }
0x18: {  	[sflag:s26] =	ssyncadd.s32 $0xFFFFE000  }
0x19: {  	_ =	swait.ge [sflag:s28], $0x2000  }
0x1a: {  	s1 =	rddreg [dreg:$0x9]  }
0x1b: {  	s0 =	rddreg [dreg:$0x8];
	s1 =	sadd.s32 $0x1, s1  }
0x1c: {  	p0 =	sne.s32 s1, s0  }
.Ltmp1:
0x1d: {  	_ = 	snop;
	(pc) =	sbr.rel @!p0 .LBB2_21-.Ltmp1, $3  }
0x1e: {  	_ =	sdelay $0x1  }
0x1f: {  	[sflag:s28] =	ssyncset.done $0x0  }
0x20: {  	[sflag:s28] =	ssyncadd.s32 $0xFFFFE000  }
.LBB2_1:
0x21: {  	[dreg:$0x9] =	wrdreg s1  }
0x22: {  	s0 =	rddreg [dreg:$0x1];
	s15 =	simm.s32 $0x7  }
0x23: {  	[tilespmem:s5], [sflag:$0x7] =	stream.linear.gather [hbm4b:s0+s5], $0x1000, $0x38;
	[tilespmem:$0x19080] =	vst v63  }
0x24: {  	_ =	swait.ge [sflag:s15], $0x1000  }
0x25: {  	[sflag:s15] =	ssyncset.done $0x0  }
0x26: {  	s29 =	rddreg [dreg:$0x4];
	[sflag:s15] =	ssyncadd.s32 $0xFFFFF000  }
0x27: {  	[tilespmem:s16], [sflag:$0x1] =	stream.linear.gather [hbm4b:s29+s5], $0x8000, $0x38;
	[tilespmem:$0x19080] =	vst v63  }
0x28: {  	s30 =	simm.s32 $0x0;
	s31 =	rddreg [dreg:$0x5]  }
0x29: {  	[tilespmem:s17], [sflag:$0x2] =	stream.linear.gather [hbm4b:s31+s5], $0x8000, $0x38;
	[tilespmem:$0x19080] =	vst v63  }
.LBB2_2:
0x2a: {  	_ =	swait.ge [sflag:s18], $0x8000  }
0x2b: {  	p0 =	seq.s32 s30, $0x0;
	[sflag:s18] =	ssyncset.done $0x0  }
0x2c: {  	s0 =	simm.s32 @!p0 $0x3;
	[sflag:s18] =	ssyncadd.s32 $0xFFFF8000  }
0x2d: {  	_ =	swait.ge @!p0 [sflag:s0], $0x2000  }
0x2e: {  	[sflag:s0] =	ssyncset.done @!p0 $0x0  }
0x2f: {  	[sflag:s0] =	ssyncadd.s32 @!p0 $0xFFFFE000  }
0x30: {  	v0 =	vld [tilespmem:$0x0];
	_ =	sdelay $0x4  }
0x31: {  	v1 =	vshll.u32 v0, $0x3  }
0x32: {  	v0 =	vand.u32 $0x7F, v0;
	v1 =	vand.u32 $0xFFFFFC00, v1  }
0x33: {  	v0 =	vor.u32 v0, v1  }
0x34: {  	v1 =	vor.u32 $0x280, v0  }
0x35: {  	v2 =	vor.u32 $0x300, v0  }
0x36: {  	s0 =	simm.s32 $0x20;
	v3 =	vor.u32 $0x80, v0  }
0x37: {  	v5 =	vld [tilespmem:s0+$0xFFFFFFF0];
	v4 =	vor.u32 $0x100, v0  }
0x38: {  	v6 =	vor.u32 $0x180, v0;
	v7 =	vld.idx.msk [tilespmem:v0+s16+$0x0], $0xffff  }
0x39: {  	v8 =	vor.u32 $0x200, v0;
	v1 =	vld.idx.msk [tilespmem:v1+s16+$0x0], $0xffff  }
0x3a: {  	v0 =	vor.u32 $0x380, v0;
	v9 =	vld.idx.msk [tilespmem:v2+s16+$0x0], $0xffff  }
0x3b: {  	s1 =	simm.s32 $0x0;
	v2 =	vld.idx.msk [tilespmem:v3+s16+$0x0], $0xffff  }
0x3c: {  	s3 =	sand.u32 $0x60, s1;
	s7 =	sand.u32 $0x1C00, s1;
	v3 =	vld.idx.msk [tilespmem:v4+s16+$0x0], $0xffff  }
0x3d: {  	s7 =	sor.u32 s3, s7;
	v4 =	vld.idx.msk [tilespmem:v6+s16+$0x0], $0xffff  }
0x3e: {  	s3 =	sadd.s32 $0x11080, s7;
	v6 =	vld.idx.msk [tilespmem:v8+s16+$0x0], $0xffff  }
0x3f: {  	v8 =	vshll.u32 v5, $0x3;
	v0 =	vld.idx.msk [tilespmem:v0+s16+$0x0], $0xffff;
	[tilespmem:s3+$0x280] =	vst v1  }
0x40: {  	v1 =	vand.u32 $0xFFFFFC00, v8;
	[tilespmem:s3+$0x80] =	vst v2;
	v2 =	vand.u32 $0x7F, v5  }
0x41: {  	s8 =	sand.u32 $0x3, s1;
	[tilespmem:s7+$0x11080] =	vst v7;
	v2 =	vor.u32 v2, v1  }
0x42: {  	s8 =	sshll.u32 s8, $0x5;
	[tilespmem:s3+$0x100] =	vst v3;
	v1 =	vor.u32 $0x380, v2  }
0x43: {  	s13 =	sadd.s32 $0x0, s8;
	[tilespmem:s3+$0x180] =	vst v4;
	v8 =	vor.u32 $0x300, v2  }
0x44: {  	s6 =	sor.u32 s1, s1;
	s14 =	sor.u32 $0x300, s13;
	[tilespmem:s3+$0x200] =	vst v6  }
0x45: {  	s15 =	sor.u32 $0x380, s6;
	[tilespmem:s14+$0x11080] =	vst v9  }
0x46: {  	v6 =	vor.u32 $0x200, v2;
	[tilespmem:s15+$0x11080] =	vst v0  }
0x47: {  	s31 =	sshll.u32 s30, $0x1;
	s8 =	simm.s32 $0x0;
	s29 =	sadd.s32 $0x10, s13;
	v7 =	vor.u32 $0x280, v2;
	v0 =	vld.idx.msk [tilespmem:v1+s16+$0x0], $0xffff  }
0x48: {  	s7 =	simm.s32 $0x40;
	s14 =	simm.s32 $0x20;
	v3 =	vor.u32 $0x100, v2;
	v4 =	vor.u32 $0x180, v2;
	v5 =	vor.u32 $0x80, v2;
	s15 =	simm.s32 $0x0;
	v1 =	vld.idx.msk [tilespmem:v8+s16+$0x0], $0xffff  }
.LBB2_3:
0x49: {  	s8 =	sadd.s32 $0x2, s8;
	v8 =	vld [tilespmem:s0+$0x0];
	s1 =	sadd.s32 $0x100, s1;
	s15 =	sadd.s32 $0x1, s15  }
0x4a: {  	s0 =	smov.u32 s7;
	p1 =	slt.u32 s8, $0x3E;
	v2 =	vld.idx.msk [tilespmem:v2+s16+$0x0], $0xffff  }
0x4b: {  	v6 =	vld.idx.msk [tilespmem:v6+s16+$0x0], $0xffff  }
0x4c: {  	v7 =	vld.idx.msk [tilespmem:v7+s16+$0x0], $0xffff  }
0x4d: {  	v4 =	vld.idx.msk [tilespmem:v4+s16+$0x0], $0xffff  }
0x4e: {  	v3 =	vld.idx.msk [tilespmem:v3+s16+$0x0], $0xffff  }
0x4f: {  	v5 =	vld.idx.msk [tilespmem:v5+s16+$0x0], $0xffff  }
0x50: {  	[tilespmem:s3+$0x10] =	vst v2  }
0x51: {  	[tilespmem:s3+$0x210] =	vst v6  }
0x52: {  	v2 =	vshll.u32 v8, $0x3;
	[tilespmem:s3+$0x290] =	vst v7  }
0x53: {  	v6 =	vand.u32 $0x7F, v8;
	v2 =	vand.u32 $0xFFFFFC00, v2;
	[tilespmem:s3+$0x190] =	vst v4  }
0x54: {  	s13 =	sor.u32 $0x300, s29;
	v2 =	vor.u32 v6, v2;
	[tilespmem:s3+$0x110] =	vst v3  }
0x55: {  	v4 =	vor.u32 $0x100, v2;
	v6 =	vor.u32 $0x280, v2;
	v3 =	vor.u32 $0x80, v2;
	[tilespmem:s3+$0x90] =	vst v5;
	s3 =	sor.u32 $0x380, s29  }
0x56: {  	v7 =	vor.u32 $0x200, v2;
	v8 =	vor.u32 $0x300, v2;
	v5 =	vor.u32 $0x180, v2;
	[tilespmem:s13+$0x11080] =	vst v1  }
0x57: {  	v1 =	vor.u32 $0x380, v2;
	[tilespmem:s3+$0x11080] =	vst v0  }
0x58: {  	v0 =	vld [tilespmem:s7+$0xFFFFFFF0]  }
0x59: {  	v9 =	vld.idx.msk [tilespmem:v2+s16+$0x0], $0xffff  }
0x5a: {  	v2 =	vld.idx.msk [tilespmem:v6+s16+$0x0], $0xffff  }
0x5b: {  	v6 =	vld.idx.msk [tilespmem:v8+s16+$0x0], $0xffff  }
0x5c: {  	v3 =	vld.idx.msk [tilespmem:v3+s16+$0x0], $0xffff  }
0x5d: {  	v4 =	vld.idx.msk [tilespmem:v4+s16+$0x0], $0xffff  }
0x5e: {  	s13 =	sand.u32 $0x1C00, s1;
	s3 =	sand.u32 $0x60, s14;
	v8 =	vshll.u32 v0, $0x3;
	v5 =	vld.idx.msk [tilespmem:v5+s16+$0x0], $0xffff  }
0x5f: {  	s13 =	sor.u32 s3, s13;
	v8 =	vand.u32 $0xFFFFFC00, v8;
	v7 =	vld.idx.msk [tilespmem:v7+s16+$0x0], $0xffff  }
0x60: {  	s3 =	sadd.s32 $0x11080, s13;
	v1 =	vld.idx.msk [tilespmem:v1+s16+$0x0], $0xffff  }
0x61: {  	[tilespmem:s3+$0x280] =	vst v2  }
0x62: {  	v0 =	vand.u32 $0x7F, v0;
	[tilespmem:s3+$0x80] =	vst v3  }
0x63: {  	s29 =	sand.u32 $0x3, s15;
	v2 =	vor.u32 v0, v8;
	[tilespmem:s3+$0x100] =	vst v4  }
0x64: {  	s29 =	sshll.u32 s29, $0x5;
	v3 =	vor.u32 $0x100, v2;
	v8 =	vor.u32 $0x300, v2;
	v0 =	vor.u32 $0x380, v2;
	[tilespmem:s3+$0x180] =	vst v5  }
0x65: {  	s2 =	sor.u32 s1, s14;
	s29 =	sadd.s32 s29, s1;
	[tilespmem:s3+$0x200] =	vst v7  }
.Ltmp2:
0x66: {  	[tilespmem:s13+$0x11080] =	vst v9;
	s13 =	sor.u32 $0x300, s29;
	s29 =	sadd.s32 $0x10, s29;
	(pc) =	sbr.rel @p1 .LBB2_3-.Ltmp2, $4  }
0x67: {  	s2 =	sor.u32 $0x380, s2;
	v4 =	vor.u32 $0x180, v2;
	[tilespmem:s13+$0x11080] =	vst v6  }
0x68: {  	v6 =	vor.u32 $0x200, v2;
	[tilespmem:s2+$0x11080] =	vst v1  }
0x69: {  	v5 =	vor.u32 $0x80, v2;
	v7 =	vor.u32 $0x280, v2;
	v0 =	vld.idx.msk [tilespmem:v0+s16+$0x0], $0xffff  }
0x6a: {  	s14 =	sadd.s32 $0x20, s14;
	s7 =	sadd.s32 $0x20, s7;
	v1 =	vld.idx.msk [tilespmem:v8+s16+$0x0], $0xffff  }
0x6b: {  	_ =	sdelay $0x3  }
0x6c: {  	v2 =	vld.idx.msk [tilespmem:v2+s16+$0x0], $0xffff  }
0x6d: {  	v6 =	vld.idx.msk [tilespmem:v6+s16+$0x0], $0xffff  }
0x6e: {  	v7 =	vld.idx.msk [tilespmem:v7+s16+$0x0], $0xffff  }
0x6f: {  	v4 =	vld.idx.msk [tilespmem:v4+s16+$0x0], $0xffff  }
0x70: {  	v3 =	vld.idx.msk [tilespmem:v3+s16+$0x0], $0xffff  }
0x71: {  	v5 =	vld.idx.msk [tilespmem:v5+s16+$0x0], $0xffff;
	[tilespmem:s3+$0x10] =	vst v2  }
0x72: {  	[tilespmem:s3+$0x210] =	vst v6  }
0x73: {  	[tilespmem:s3+$0x290] =	vst v7  }
0x74: {  	[tilespmem:s3+$0x190] =	vst v4  }
0x75: {  	[tilespmem:s3+$0x110] =	vst v3  }
0x76: {  	s0 =	sor.u32 $0x300, s29;
	s1 =	sor.u32 s19, s31;
	[tilespmem:s3+$0x90] =	vst v5  }
0x77: {  	s2 =	sor.u32 $0x380, s29;
	[tilespmem:s0+$0x11080] =	vst v1;
	s0 =	sshll.u32 s1, $0xC  }
0x78: {  	s7 =	simm.s32 $0x11080;
	[tilespmem:s2+$0x11080] =	vst v0;
	s1 =	sadd.s32 s12, s0  }
0x79: {  	[hbm4b:s1+s5] =	stream.linear.scatter [tilespmem:s7], [sflag:$0x3], $0x2000, $0x38;
	[tilespmem:$0x19080] =	vst v63  }
0x7a: {  	s1 =	simm.s32 @!p0 $0x4  }
0x7b: {  	_ =	swait.ge @!p0 [sflag:s1], $0x2000  }
0x7c: {  	[sflag:s1] =	ssyncset.done @!p0 $0x0  }
0x7d: {  	[sflag:s1] =	ssyncadd.s32 @!p0 $0xFFFFE000  }
0x7e: {  	v0 =	vld [tilespmem:$0x400];
	_ =	sdelay $0x4  }
0x7f: {  	v1 =	vshll.u32 v0, $0x3  }
0x80: {  	v0 =	vand.u32 $0x7F, v0;
	v1 =	vand.u32 $0xFFFFFC00, v1  }
0x81: {  	v0 =	vor.u32 v0, v1  }
0x82: {  	v1 =	vor.u32 $0x280, v0  }
0x83: {  	v2 =	vor.u32 $0x300, v0  }
0x84: {  	s1 =	simm.s32 $0x420;
	v3 =	vor.u32 $0x80, v0  }
0x85: {  	v5 =	vld [tilespmem:s1+$0xFFFFFFF0];
	v4 =	vor.u32 $0x100, v0  }
0x86: {  	v6 =	vor.u32 $0x180, v0;
	v7 =	vld.idx.msk [tilespmem:v0+s16+$0x0], $0xffff  }
0x87: {  	v8 =	vor.u32 $0x200, v0;
	v1 =	vld.idx.msk [tilespmem:v1+s16+$0x0], $0xffff  }
0x88: {  	v0 =	vor.u32 $0x380, v0;
	v9 =	vld.idx.msk [tilespmem:v2+s16+$0x0], $0xffff  }
0x89: {  	s3 =	simm.s32 $0x0;
	v2 =	vld.idx.msk [tilespmem:v3+s16+$0x0], $0xffff  }
0x8a: {  	s8 =	sand.u32 $0x60, s3;
	s7 =	sand.u32 $0x1C00, s3;
	v3 =	vld.idx.msk [tilespmem:v4+s16+$0x0], $0xffff  }
0x8b: {  	s2 =	sor.u32 s8, s7;
	v4 =	vld.idx.msk [tilespmem:v6+s16+$0x0], $0xffff  }
0x8c: {  	s8 =	sadd.s32 $0x13080, s2;
	v6 =	vld.idx.msk [tilespmem:v8+s16+$0x0], $0xffff  }
0x8d: {  	v8 =	vshll.u32 v5, $0x3;
	v0 =	vld.idx.msk [tilespmem:v0+s16+$0x0], $0xffff;
	[tilespmem:s8+$0x280] =	vst v1  }
0x8e: {  	v1 =	vand.u32 $0xFFFFFC00, v8;
	[tilespmem:s8+$0x80] =	vst v2;
	v2 =	vand.u32 $0x7F, v5  }
0x8f: {  	s13 =	sand.u32 $0x3, s3;
	[tilespmem:s2+$0x13080] =	vst v7;
	v2 =	vor.u32 v2, v1  }
0x90: {  	s7 =	sshll.u32 s13, $0x5;
	[tilespmem:s8+$0x100] =	vst v3;
	v1 =	vor.u32 $0x380, v2  }
0x91: {  	s7 =	sadd.s32 $0x0, s7;
	[tilespmem:s8+$0x180] =	vst v4;
	v8 =	vor.u32 $0x300, v2  }
0x92: {  	s13 =	sor.u32 s3, s3;
	s14 =	sor.u32 $0x300, s7;
	[tilespmem:s8+$0x200] =	vst v6  }
0x93: {  	s15 =	sor.u32 $0x380, s13;
	[tilespmem:s14+$0x13080] =	vst v9  }
0x94: {  	v6 =	vor.u32 $0x200, v2;
	[tilespmem:s15+$0x13080] =	vst v0  }
0x95: {  	s29 =	simm.s32 $0x0;
	s13 =	sadd.s32 $0x10, s7;
	v7 =	vor.u32 $0x280, v2;
	v0 =	vld.idx.msk [tilespmem:v1+s16+$0x0], $0xffff  }
0x96: {  	s7 =	simm.s32 $0x20;
	s14 =	simm.s32 $0x0;
	v3 =	vor.u32 $0x100, v2;
	v4 =	vor.u32 $0x180, v2;
	v5 =	vor.u32 $0x80, v2;
	s15 =	simm.s32 $0x440;
	v1 =	vld.idx.msk [tilespmem:v8+s16+$0x0], $0xffff  }
.LBB2_5:
0x97: {  	s14 =	sadd.s32 $0x2, s14;
	v8 =	vld [tilespmem:s1+$0x0];
	s3 =	sadd.s32 $0x100, s3;
	s29 =	sadd.s32 $0x1, s29  }
0x98: {  	s1 =	smov.u32 s15;
	p1 =	slt.u32 s14, $0x3E;
	v2 =	vld.idx.msk [tilespmem:v2+s16+$0x0], $0xffff  }
0x99: {  	v6 =	vld.idx.msk [tilespmem:v6+s16+$0x0], $0xffff  }
0x9a: {  	v7 =	vld.idx.msk [tilespmem:v7+s16+$0x0], $0xffff  }
0x9b: {  	v4 =	vld.idx.msk [tilespmem:v4+s16+$0x0], $0xffff  }
0x9c: {  	v3 =	vld.idx.msk [tilespmem:v3+s16+$0x0], $0xffff  }
0x9d: {  	v5 =	vld.idx.msk [tilespmem:v5+s16+$0x0], $0xffff  }
0x9e: {  	[tilespmem:s8+$0x10] =	vst v2  }
0x9f: {  	[tilespmem:s8+$0x210] =	vst v6  }
0xa0: {  	v2 =	vshll.u32 v8, $0x3;
	[tilespmem:s8+$0x290] =	vst v7  }
0xa1: {  	v6 =	vand.u32 $0x7F, v8;
	v2 =	vand.u32 $0xFFFFFC00, v2;
	[tilespmem:s8+$0x190] =	vst v4  }
0xa2: {  	s2 =	sor.u32 $0x300, s13;
	v2 =	vor.u32 v6, v2;
	[tilespmem:s8+$0x110] =	vst v3  }
0xa3: {  	v4 =	vor.u32 $0x100, v2;
	v6 =	vor.u32 $0x280, v2;
	v3 =	vor.u32 $0x80, v2;
	[tilespmem:s8+$0x90] =	vst v5;
	s8 =	sor.u32 $0x380, s13  }
0xa4: {  	v7 =	vor.u32 $0x200, v2;
	v8 =	vor.u32 $0x300, v2;
	v5 =	vor.u32 $0x180, v2;
	[tilespmem:s2+$0x13080] =	vst v1  }
0xa5: {  	v1 =	vor.u32 $0x380, v2;
	[tilespmem:s8+$0x13080] =	vst v0  }
0xa6: {  	v0 =	vld [tilespmem:s15+$0xFFFFFFF0]  }
0xa7: {  	v9 =	vld.idx.msk [tilespmem:v2+s16+$0x0], $0xffff  }
0xa8: {  	v2 =	vld.idx.msk [tilespmem:v6+s16+$0x0], $0xffff  }
0xa9: {  	v6 =	vld.idx.msk [tilespmem:v8+s16+$0x0], $0xffff  }
0xaa: {  	v3 =	vld.idx.msk [tilespmem:v3+s16+$0x0], $0xffff  }
0xab: {  	v4 =	vld.idx.msk [tilespmem:v4+s16+$0x0], $0xffff  }
0xac: {  	s2 =	sand.u32 $0x60, s7;
	s8 =	sand.u32 $0x1C00, s3;
	v8 =	vshll.u32 v0, $0x3;
	v5 =	vld.idx.msk [tilespmem:v5+s16+$0x0], $0xffff  }
0xad: {  	s2 =	sor.u32 s2, s8;
	v8 =	vand.u32 $0xFFFFFC00, v8;
	v7 =	vld.idx.msk [tilespmem:v7+s16+$0x0], $0xffff  }
0xae: {  	s8 =	sadd.s32 $0x13080, s2;
	v1 =	vld.idx.msk [tilespmem:v1+s16+$0x0], $0xffff  }
0xaf: {  	[tilespmem:s8+$0x280] =	vst v2  }
0xb0: {  	v0 =	vand.u32 $0x7F, v0;
	[tilespmem:s8+$0x80] =	vst v3  }
0xb1: {  	s13 =	sand.u32 $0x3, s29;
	v2 =	vor.u32 v0, v8;
	[tilespmem:s8+$0x100] =	vst v4  }
0xb2: {  	s13 =	sshll.u32 s13, $0x5;
	v3 =	vor.u32 $0x100, v2;
	v8 =	vor.u32 $0x300, v2;
	v0 =	vor.u32 $0x380, v2;
	[tilespmem:s8+$0x180] =	vst v5  }
0xb3: {  	s4 =	sor.u32 s3, s7;
	s13 =	sadd.s32 s13, s3;
	[tilespmem:s8+$0x200] =	vst v7  }
.Ltmp3:
0xb4: {  	[tilespmem:s2+$0x13080] =	vst v9;
	s2 =	sor.u32 $0x300, s13;
	s13 =	sadd.s32 $0x10, s13;
	(pc) =	sbr.rel @p1 .LBB2_5-.Ltmp3, $4  }
0xb5: {  	v4 =	vor.u32 $0x180, v2;
	[tilespmem:s2+$0x13080] =	vst v6;
	s2 =	sor.u32 $0x380, s4  }
0xb6: {  	v6 =	vor.u32 $0x200, v2;
	[tilespmem:s2+$0x13080] =	vst v1  }
0xb7: {  	v5 =	vor.u32 $0x80, v2;
	v7 =	vor.u32 $0x280, v2;
	v0 =	vld.idx.msk [tilespmem:v0+s16+$0x0], $0xffff  }
0xb8: {  	s7 =	sadd.s32 $0x20, s7;
	s15 =	sadd.s32 $0x20, s15;
	v1 =	vld.idx.msk [tilespmem:v8+s16+$0x0], $0xffff  }
0xb9: {  	_ =	sdelay $0x3  }
0xba: {  	v2 =	vld.idx.msk [tilespmem:v2+s16+$0x0], $0xffff  }
0xbb: {  	v6 =	vld.idx.msk [tilespmem:v6+s16+$0x0], $0xffff  }
0xbc: {  	v7 =	vld.idx.msk [tilespmem:v7+s16+$0x0], $0xffff  }
0xbd: {  	v4 =	vld.idx.msk [tilespmem:v4+s16+$0x0], $0xffff  }
0xbe: {  	v3 =	vld.idx.msk [tilespmem:v3+s16+$0x0], $0xffff  }
0xbf: {  	v5 =	vld.idx.msk [tilespmem:v5+s16+$0x0], $0xffff;
	[tilespmem:s8+$0x10] =	vst v2  }
0xc0: {  	[tilespmem:s8+$0x210] =	vst v6  }
0xc1: {  	[tilespmem:s8+$0x290] =	vst v7  }
0xc2: {  	[tilespmem:s8+$0x190] =	vst v4  }
0xc3: {  	[tilespmem:s8+$0x110] =	vst v3  }
0xc4: {  	s1 =	sor.u32 $0x300, s13;
	[tilespmem:s8+$0x90] =	vst v5  }
0xc5: {  	s2 =	sor.u32 $0x380, s13;
	[tilespmem:s1+$0x13080] =	vst v1  }
0xc6: {  	s7 =	sadd.s32 s0, s9;
	s1 =	simm.s32 @!p0 $0x5;
	[tilespmem:s2+$0x13080] =	vst v0  }
0xc7: {  	[hbm4b:s7+s5] =	stream.linear.scatter [tilespmem:s20], [sflag:$0x4], $0x2000, $0x38;
	[tilespmem:$0x19080] =	vst v63  }
0xc8: {  	_ =	swait.ge @!p0 [sflag:s1], $0x2000  }
0xc9: {  	[sflag:s1] =	ssyncset.done @!p0 $0x0  }
0xca: {  	[sflag:s1] =	ssyncadd.s32 @!p0 $0xFFFFE000  }
0xcb: {  	v0 =	vld [tilespmem:$0x800];
	_ =	sdelay $0x4  }
0xcc: {  	v1 =	vshll.u32 v0, $0x3  }
0xcd: {  	v0 =	vand.u32 $0x7F, v0;
	v1 =	vand.u32 $0xFFFFFC00, v1  }
0xce: {  	v0 =	vor.u32 v0, v1  }
0xcf: {  	v1 =	vor.u32 $0x280, v0  }
0xd0: {  	v2 =	vor.u32 $0x300, v0  }
0xd1: {  	s1 =	simm.s32 $0x820;
	v3 =	vor.u32 $0x80, v0  }
0xd2: {  	v5 =	vld [tilespmem:s1+$0xFFFFFFF0];
	v4 =	vor.u32 $0x100, v0  }
0xd3: {  	v6 =	vor.u32 $0x180, v0;
	v7 =	vld.idx.msk [tilespmem:v0+s16+$0x0], $0xffff  }
0xd4: {  	v8 =	vor.u32 $0x200, v0;
	v1 =	vld.idx.msk [tilespmem:v1+s16+$0x0], $0xffff  }
0xd5: {  	v0 =	vor.u32 $0x380, v0;
	v9 =	vld.idx.msk [tilespmem:v2+s16+$0x0], $0xffff  }
0xd6: {  	s3 =	simm.s32 $0x0;
	v2 =	vld.idx.msk [tilespmem:v3+s16+$0x0], $0xffff  }
0xd7: {  	s4 =	sand.u32 $0x1C00, s3;
	s8 =	sand.u32 $0x60, s3;
	v3 =	vld.idx.msk [tilespmem:v4+s16+$0x0], $0xffff  }
0xd8: {  	s2 =	sor.u32 s8, s4;
	v4 =	vld.idx.msk [tilespmem:v6+s16+$0x0], $0xffff  }
0xd9: {  	s8 =	sadd.s32 $0x15080, s2;
	v6 =	vld.idx.msk [tilespmem:v8+s16+$0x0], $0xffff  }
0xda: {  	v8 =	vshll.u32 v5, $0x3;
	v0 =	vld.idx.msk [tilespmem:v0+s16+$0x0], $0xffff;
	[tilespmem:s8+$0x280] =	vst v1  }
0xdb: {  	v1 =	vand.u32 $0xFFFFFC00, v8;
	[tilespmem:s8+$0x80] =	vst v2;
	v2 =	vand.u32 $0x7F, v5  }
0xdc: {  	s13 =	sand.u32 $0x3, s3;
	[tilespmem:s2+$0x15080] =	vst v7;
	v2 =	vor.u32 v2, v1  }
0xdd: {  	s4 =	sshll.u32 s13, $0x5;
	[tilespmem:s8+$0x100] =	vst v3;
	v1 =	vor.u32 $0x380, v2  }
0xde: {  	s4 =	sadd.s32 $0x0, s4;
	[tilespmem:s8+$0x180] =	vst v4;
	v8 =	vor.u32 $0x300, v2  }
0xdf: {  	s7 =	sor.u32 s3, s3;
	s14 =	sor.u32 $0x300, s4;
	[tilespmem:s8+$0x200] =	vst v6  }
0xe0: {  	s15 =	sor.u32 $0x380, s7;
	[tilespmem:s14+$0x15080] =	vst v9  }
0xe1: {  	v6 =	vor.u32 $0x200, v2;
	[tilespmem:s15+$0x15080] =	vst v0  }
0xe2: {  	s29 =	simm.s32 $0x0;
	s13 =	sadd.s32 $0x10, s4;
	v7 =	vor.u32 $0x280, v2;
	v0 =	vld.idx.msk [tilespmem:v1+s16+$0x0], $0xffff  }
0xe3: {  	s7 =	simm.s32 $0x20;
	s14 =	simm.s32 $0x0;
	v3 =	vor.u32 $0x100, v2;
	v4 =	vor.u32 $0x180, v2;
	v5 =	vor.u32 $0x80, v2;
	s15 =	simm.s32 $0x840;
	v1 =	vld.idx.msk [tilespmem:v8+s16+$0x0], $0xffff  }
.LBB2_7:
0xe4: {  	s14 =	sadd.s32 $0x2, s14;
	v8 =	vld [tilespmem:s1+$0x0];
	s3 =	sadd.s32 $0x100, s3;
	s29 =	sadd.s32 $0x1, s29  }
0xe5: {  	s1 =	smov.u32 s15;
	p1 =	slt.u32 s14, $0x3E;
	v2 =	vld.idx.msk [tilespmem:v2+s16+$0x0], $0xffff  }
0xe6: {  	v6 =	vld.idx.msk [tilespmem:v6+s16+$0x0], $0xffff  }
0xe7: {  	v7 =	vld.idx.msk [tilespmem:v7+s16+$0x0], $0xffff  }
0xe8: {  	v4 =	vld.idx.msk [tilespmem:v4+s16+$0x0], $0xffff  }
0xe9: {  	v3 =	vld.idx.msk [tilespmem:v3+s16+$0x0], $0xffff  }
0xea: {  	v5 =	vld.idx.msk [tilespmem:v5+s16+$0x0], $0xffff  }
0xeb: {  	[tilespmem:s8+$0x10] =	vst v2  }
0xec: {  	[tilespmem:s8+$0x210] =	vst v6  }
0xed: {  	v2 =	vshll.u32 v8, $0x3;
	[tilespmem:s8+$0x290] =	vst v7  }
0xee: {  	v6 =	vand.u32 $0x7F, v8;
	v2 =	vand.u32 $0xFFFFFC00, v2;
	[tilespmem:s8+$0x190] =	vst v4  }
0xef: {  	s2 =	sor.u32 $0x300, s13;
	v2 =	vor.u32 v6, v2;
	[tilespmem:s8+$0x110] =	vst v3  }
0xf0: {  	s4 =	sor.u32 $0x380, s13;
	v4 =	vor.u32 $0x100, v2;
	v6 =	vor.u32 $0x280, v2;
	v3 =	vor.u32 $0x80, v2;
	[tilespmem:s8+$0x90] =	vst v5  }
0xf1: {  	v7 =	vor.u32 $0x200, v2;
	v8 =	vor.u32 $0x300, v2;
	v5 =	vor.u32 $0x180, v2;
	[tilespmem:s2+$0x15080] =	vst v1  }
0xf2: {  	v1 =	vor.u32 $0x380, v2;
	[tilespmem:s4+$0x15080] =	vst v0  }
0xf3: {  	v0 =	vld [tilespmem:s15+$0xFFFFFFF0]  }
0xf4: {  	v9 =	vld.idx.msk [tilespmem:v2+s16+$0x0], $0xffff  }
0xf5: {  	v2 =	vld.idx.msk [tilespmem:v6+s16+$0x0], $0xffff  }
0xf6: {  	v6 =	vld.idx.msk [tilespmem:v8+s16+$0x0], $0xffff  }
0xf7: {  	v3 =	vld.idx.msk [tilespmem:v3+s16+$0x0], $0xffff  }
0xf8: {  	v4 =	vld.idx.msk [tilespmem:v4+s16+$0x0], $0xffff  }
0xf9: {  	s2 =	sand.u32 $0x60, s7;
	s4 =	sand.u32 $0x1C00, s3;
	v8 =	vshll.u32 v0, $0x3;
	v5 =	vld.idx.msk [tilespmem:v5+s16+$0x0], $0xffff  }
0xfa: {  	s2 =	sor.u32 s2, s4;
	v8 =	vand.u32 $0xFFFFFC00, v8;
	v7 =	vld.idx.msk [tilespmem:v7+s16+$0x0], $0xffff  }
0xfb: {  	s8 =	sadd.s32 $0x15080, s2;
	v1 =	vld.idx.msk [tilespmem:v1+s16+$0x0], $0xffff  }
0xfc: {  	[tilespmem:s8+$0x280] =	vst v2  }
0xfd: {  	v0 =	vand.u32 $0x7F, v0;
	[tilespmem:s8+$0x80] =	vst v3  }
0xfe: {  	s4 =	sand.u32 $0x3, s29;
	v2 =	vor.u32 v0, v8;
	[tilespmem:s8+$0x100] =	vst v4  }
0xff: {  	s4 =	sshll.u32 s4, $0x5;
	v3 =	vor.u32 $0x100, v2;
	v8 =	vor.u32 $0x300, v2;
	v0 =	vor.u32 $0x380, v2;
	[tilespmem:s8+$0x180] =	vst v5  }
0x100: {  	s6 =	sor.u32 s3, s7;
	s4 =	sadd.s32 s4, s3;
	[tilespmem:s8+$0x200] =	vst v7  }
.Ltmp4:
0x101: {  	s13 =	sadd.s32 $0x10, s4;
	[tilespmem:s2+$0x15080] =	vst v9;
	s2 =	sor.u32 $0x300, s4;
	(pc) =	sbr.rel @p1 .LBB2_7-.Ltmp4, $4  }
0x102: {  	v4 =	vor.u32 $0x180, v2;
	[tilespmem:s2+$0x15080] =	vst v6;
	s2 =	sor.u32 $0x380, s6  }
0x103: {  	v6 =	vor.u32 $0x200, v2;
	[tilespmem:s2+$0x15080] =	vst v1  }
0x104: {  	v5 =	vor.u32 $0x80, v2;
	v7 =	vor.u32 $0x280, v2;
	v0 =	vld.idx.msk [tilespmem:v0+s16+$0x0], $0xffff  }
0x105: {  	s7 =	sadd.s32 $0x20, s7;
	s15 =	sadd.s32 $0x20, s15;
	v1 =	vld.idx.msk [tilespmem:v8+s16+$0x0], $0xffff  }
0x106: {  	_ =	sdelay $0x3  }
0x107: {  	v2 =	vld.idx.msk [tilespmem:v2+s16+$0x0], $0xffff  }
0x108: {  	v6 =	vld.idx.msk [tilespmem:v6+s16+$0x0], $0xffff  }
0x109: {  	v7 =	vld.idx.msk [tilespmem:v7+s16+$0x0], $0xffff  }
0x10a: {  	v4 =	vld.idx.msk [tilespmem:v4+s16+$0x0], $0xffff  }
0x10b: {  	v3 =	vld.idx.msk [tilespmem:v3+s16+$0x0], $0xffff  }
0x10c: {  	v5 =	vld.idx.msk [tilespmem:v5+s16+$0x0], $0xffff;
	[tilespmem:s8+$0x10] =	vst v2  }
0x10d: {  	[tilespmem:s8+$0x210] =	vst v6  }
0x10e: {  	[tilespmem:s8+$0x290] =	vst v7  }
0x10f: {  	[tilespmem:s8+$0x190] =	vst v4  }
0x110: {  	[tilespmem:s8+$0x110] =	vst v3  }
0x111: {  	s1 =	sor.u32 $0x300, s13;
	[tilespmem:s8+$0x90] =	vst v5  }
0x112: {  	s2 =	sor.u32 $0x380, s13;
	[tilespmem:s1+$0x15080] =	vst v1  }
0x113: {  	s7 =	sadd.s32 s0, s10;
	s1 =	simm.s32 @!p0 $0x6;
	[tilespmem:s2+$0x15080] =	vst v0  }
0x114: {  	[hbm4b:s7+s5] =	stream.linear.scatter [tilespmem:s21], [sflag:$0x5], $0x2000, $0x38;
	[tilespmem:$0x19080] =	vst v63  }
0x115: {  	_ =	swait.ge @!p0 [sflag:s1], $0x2000  }
0x116: {  	[sflag:s1] =	ssyncset.done @!p0 $0x0  }
0x117: {  	[sflag:s1] =	ssyncadd.s32 @!p0 $0xFFFFE000  }
0x118: {  	v0 =	vld [tilespmem:$0xC00];
	_ =	sdelay $0x4  }
0x119: {  	v1 =	vshll.u32 v0, $0x3  }
0x11a: {  	v0 =	vand.u32 $0x7F, v0;
	v1 =	vand.u32 $0xFFFFFC00, v1  }
0x11b: {  	v0 =	vor.u32 v0, v1  }
0x11c: {  	v1 =	vor.u32 $0x280, v0  }
0x11d: {  	v2 =	vor.u32 $0x300, v0  }
0x11e: {  	s1 =	simm.s32 $0xC20;
	v3 =	vor.u32 $0x80, v0  }
0x11f: {  	v5 =	vld [tilespmem:s1+$0xFFFFFFF0];
	v4 =	vor.u32 $0x100, v0  }
0x120: {  	v6 =	vor.u32 $0x180, v0;
	v7 =	vld.idx.msk [tilespmem:v0+s16+$0x0], $0xffff  }
0x121: {  	v8 =	vor.u32 $0x200, v0;
	v1 =	vld.idx.msk [tilespmem:v1+s16+$0x0], $0xffff  }
0x122: {  	v0 =	vor.u32 $0x380, v0;
	v9 =	vld.idx.msk [tilespmem:v2+s16+$0x0], $0xffff  }
0x123: {  	s3 =	simm.s32 $0x0;
	v2 =	vld.idx.msk [tilespmem:v3+s16+$0x0], $0xffff  }
0x124: {  	s4 =	sand.u32 $0x1C00, s3;
	s8 =	sand.u32 $0x60, s3;
	v3 =	vld.idx.msk [tilespmem:v4+s16+$0x0], $0xffff  }
0x125: {  	s2 =	sor.u32 s8, s4;
	v4 =	vld.idx.msk [tilespmem:v6+s16+$0x0], $0xffff  }
0x126: {  	s8 =	sadd.s32 $0x17080, s2;
	v6 =	vld.idx.msk [tilespmem:v8+s16+$0x0], $0xffff  }
0x127: {  	v8 =	vshll.u32 v5, $0x3;
	v0 =	vld.idx.msk [tilespmem:v0+s16+$0x0], $0xffff;
	[tilespmem:s8+$0x280] =	vst v1  }
0x128: {  	v1 =	vand.u32 $0xFFFFFC00, v8;
	[tilespmem:s8+$0x80] =	vst v2;
	v2 =	vand.u32 $0x7F, v5  }
0x129: {  	s13 =	sand.u32 $0x3, s3;
	[tilespmem:s2+$0x17080] =	vst v7;
	v2 =	vor.u32 v2, v1  }
0x12a: {  	s4 =	sshll.u32 s13, $0x5;
	[tilespmem:s8+$0x100] =	vst v3;
	v1 =	vor.u32 $0x380, v2  }
0x12b: {  	s4 =	sadd.s32 $0x0, s4;
	[tilespmem:s8+$0x180] =	vst v4;
	v8 =	vor.u32 $0x300, v2  }
0x12c: {  	s6 =	sor.u32 s3, s3;
	s14 =	sor.u32 $0x300, s4;
	[tilespmem:s8+$0x200] =	vst v6  }
0x12d: {  	s15 =	sor.u32 $0x380, s6;
	[tilespmem:s14+$0x17080] =	vst v9  }
0x12e: {  	v6 =	vor.u32 $0x200, v2;
	[tilespmem:s15+$0x17080] =	vst v0  }
0x12f: {  	s29 =	simm.s32 $0x0;
	s7 =	simm.s32 $0x20;
	v7 =	vor.u32 $0x280, v2;
	v0 =	vld.idx.msk [tilespmem:v1+s16+$0x0], $0xffff  }
0x130: {  	s13 =	sadd.s32 $0x10, s4;
	s14 =	simm.s32 $0x0;
	v3 =	vor.u32 $0x100, v2;
	v4 =	vor.u32 $0x180, v2;
	v5 =	vor.u32 $0x80, v2;
	s15 =	simm.s32 $0xC40;
	v1 =	vld.idx.msk [tilespmem:v8+s16+$0x0], $0xffff  }
.LBB2_9:
0x131: {  	s14 =	sadd.s32 $0x2, s14;
	v8 =	vld [tilespmem:s1+$0x0];
	s3 =	sadd.s32 $0x100, s3;
	s29 =	sadd.s32 $0x1, s29  }
0x132: {  	s1 =	smov.u32 s15;
	p0 =	slt.u32 s14, $0x3E;
	v2 =	vld.idx.msk [tilespmem:v2+s16+$0x0], $0xffff  }
0x133: {  	v6 =	vld.idx.msk [tilespmem:v6+s16+$0x0], $0xffff  }
0x134: {  	v7 =	vld.idx.msk [tilespmem:v7+s16+$0x0], $0xffff  }
0x135: {  	v4 =	vld.idx.msk [tilespmem:v4+s16+$0x0], $0xffff  }
0x136: {  	v3 =	vld.idx.msk [tilespmem:v3+s16+$0x0], $0xffff  }
0x137: {  	v5 =	vld.idx.msk [tilespmem:v5+s16+$0x0], $0xffff  }
0x138: {  	[tilespmem:s8+$0x10] =	vst v2  }
0x139: {  	[tilespmem:s8+$0x210] =	vst v6  }
0x13a: {  	v2 =	vshll.u32 v8, $0x3;
	[tilespmem:s8+$0x290] =	vst v7  }
0x13b: {  	v6 =	vand.u32 $0x7F, v8;
	v2 =	vand.u32 $0xFFFFFC00, v2;
	[tilespmem:s8+$0x190] =	vst v4  }
0x13c: {  	s2 =	sor.u32 $0x300, s13;
	v2 =	vor.u32 v6, v2;
	[tilespmem:s8+$0x110] =	vst v3  }
0x13d: {  	s4 =	sor.u32 $0x380, s13;
	v4 =	vor.u32 $0x100, v2;
	v6 =	vor.u32 $0x280, v2;
	v3 =	vor.u32 $0x80, v2;
	[tilespmem:s8+$0x90] =	vst v5  }
0x13e: {  	v7 =	vor.u32 $0x200, v2;
	v8 =	vor.u32 $0x300, v2;
	v5 =	vor.u32 $0x180, v2;
	[tilespmem:s2+$0x17080] =	vst v1  }
0x13f: {  	v1 =	vor.u32 $0x380, v2;
	[tilespmem:s4+$0x17080] =	vst v0  }
0x140: {  	v0 =	vld [tilespmem:s15+$0xFFFFFFF0]  }
0x141: {  	v9 =	vld.idx.msk [tilespmem:v2+s16+$0x0], $0xffff  }
0x142: {  	v2 =	vld.idx.msk [tilespmem:v6+s16+$0x0], $0xffff  }
0x143: {  	v6 =	vld.idx.msk [tilespmem:v8+s16+$0x0], $0xffff  }
0x144: {  	v3 =	vld.idx.msk [tilespmem:v3+s16+$0x0], $0xffff  }
0x145: {  	v4 =	vld.idx.msk [tilespmem:v4+s16+$0x0], $0xffff  }
0x146: {  	s2 =	sand.u32 $0x60, s7;
	s4 =	sand.u32 $0x1C00, s3;
	v8 =	vshll.u32 v0, $0x3;
	v5 =	vld.idx.msk [tilespmem:v5+s16+$0x0], $0xffff  }
0x147: {  	s2 =	sor.u32 s2, s4;
	v8 =	vand.u32 $0xFFFFFC00, v8;
	v7 =	vld.idx.msk [tilespmem:v7+s16+$0x0], $0xffff  }
0x148: {  	s8 =	sadd.s32 $0x17080, s2;
	v1 =	vld.idx.msk [tilespmem:v1+s16+$0x0], $0xffff  }
0x149: {  	[tilespmem:s8+$0x280] =	vst v2  }
0x14a: {  	v0 =	vand.u32 $0x7F, v0;
	[tilespmem:s8+$0x80] =	vst v3  }
0x14b: {  	s4 =	sand.u32 $0x3, s29;
	v2 =	vor.u32 v0, v8;
	[tilespmem:s8+$0x100] =	vst v4  }
0x14c: {  	s4 =	sshll.u32 s4, $0x5;
	v3 =	vor.u32 $0x100, v2;
	v8 =	vor.u32 $0x300, v2;
	v0 =	vor.u32 $0x380, v2;
	[tilespmem:s8+$0x180] =	vst v5  }
0x14d: {  	s6 =	sor.u32 s3, s7;
	s4 =	sadd.s32 s4, s3;
	[tilespmem:s8+$0x200] =	vst v7  }
.Ltmp5:
0x14e: {  	s13 =	sadd.s32 $0x10, s4;
	[tilespmem:s2+$0x17080] =	vst v9;
	s2 =	sor.u32 $0x300, s4;
	(pc) =	sbr.rel @p0 .LBB2_9-.Ltmp5, $4  }
0x14f: {  	v4 =	vor.u32 $0x180, v2;
	[tilespmem:s2+$0x17080] =	vst v6;
	s2 =	sor.u32 $0x380, s6  }
0x150: {  	v6 =	vor.u32 $0x200, v2;
	[tilespmem:s2+$0x17080] =	vst v1  }
0x151: {  	v5 =	vor.u32 $0x80, v2;
	v7 =	vor.u32 $0x280, v2;
	v0 =	vld.idx.msk [tilespmem:v0+s16+$0x0], $0xffff  }
0x152: {  	s7 =	sadd.s32 $0x20, s7;
	s15 =	sadd.s32 $0x20, s15;
	v1 =	vld.idx.msk [tilespmem:v8+s16+$0x0], $0xffff  }
0x153: {  	_ =	sdelay $0x3  }
0x154: {  	v2 =	vld.idx.msk [tilespmem:v2+s16+$0x0], $0xffff  }
0x155: {  	v6 =	vld.idx.msk [tilespmem:v6+s16+$0x0], $0xffff  }
0x156: {  	v7 =	vld.idx.msk [tilespmem:v7+s16+$0x0], $0xffff  }
0x157: {  	v4 =	vld.idx.msk [tilespmem:v4+s16+$0x0], $0xffff  }
0x158: {  	v3 =	vld.idx.msk [tilespmem:v3+s16+$0x0], $0xffff  }
0x159: {  	v5 =	vld.idx.msk [tilespmem:v5+s16+$0x0], $0xffff;
	[tilespmem:s8+$0x10] =	vst v2  }
0x15a: {  	[tilespmem:s8+$0x210] =	vst v6  }
0x15b: {  	[tilespmem:s8+$0x290] =	vst v7  }
0x15c: {  	[tilespmem:s8+$0x190] =	vst v4  }
0x15d: {  	[tilespmem:s8+$0x110] =	vst v3  }
0x15e: {  	s1 =	sor.u32 $0x300, s13;
	[tilespmem:s8+$0x90] =	vst v5  }
0x15f: {  	s2 =	sor.u32 $0x380, s13;
	p0 =	seq.s32 s30, $0x1F;
	[tilespmem:s1+$0x17080] =	vst v1;
	s1 =	rddreg [dreg:$0x6]  }
0x160: {  	s7 =	sadd.s32 s0, s11;
	[tilespmem:s2+$0x17080] =	vst v0;
	s1 =	sadd.s32 @!p0 s31, s1  }
0x161: {  	[hbm4b:s7+s5] =	stream.linear.scatter [tilespmem:s22], [sflag:$0x6], $0x2000, $0x38;
	[tilespmem:$0x19080] =	vst v63  }
0x162: {  	s2 =	rddreg [dreg:$0x0];
	s1 =	sshll.u32 @!p0 s1, $0xC  }
0x163: {  	s3 =	simm.s32 @!p0 $0x1080;
	s1 =	sadd.s32 @!p0 s2, s1;
	s2 =	simm.s32 @!p0 $0x0  }
0x164: {  	[tilespmem:s3], [sflag:$0x1] =	stream.linear.gather @!p0 [hbm4b:s1+s2], $0x8000, $0x38;
	[tilespmem:$0x19080] =	vst v63  }
0x165: {  	_ =	swait.ge [sflag:s23], $0x8000  }
0x166: {  	[sflag:s23] =	ssyncset.done $0x0  }
0x167: {  	[sflag:s23] =	ssyncadd.s32 $0xFFFF8000  }
0x168: {  	_ =	swait.ge [sflag:s24], $0x2000  }
0x169: {  	[sflag:s24] =	ssyncset.done $0x0  }
0x16a: {  	[sflag:s24] =	ssyncadd.s32 $0xFFFFE000  }
0x16b: {  	v0 =	vld [tilespmem:$0x0];
	_ =	sdelay $0x4  }
0x16c: {  	v1 =	vshll.u32 v0, $0x3  }
0x16d: {  	v0 =	vand.u32 $0x7F, v0;
	v1 =	vand.u32 $0xFFFFFC00, v1  }
0x16e: {  	v0 =	vor.u32 v0, v1  }
0x16f: {  	v1 =	vor.u32 $0x280, v0  }
0x170: {  	v2 =	vor.u32 $0x300, v0  }
0x171: {  	s1 =	simm.s32 $0x20;
	v3 =	vor.u32 $0x80, v0  }
0x172: {  	v5 =	vld [tilespmem:s1+$0xFFFFFFF0];
	v4 =	vor.u32 $0x100, v0  }
0x173: {  	v6 =	vor.u32 $0x180, v0;
	v7 =	vld.idx.msk [tilespmem:v0+s17+$0x0], $0xffff  }
0x174: {  	v8 =	vor.u32 $0x200, v0;
	v1 =	vld.idx.msk [tilespmem:v1+s17+$0x0], $0xffff  }
0x175: {  	v0 =	vor.u32 $0x380, v0;
	v9 =	vld.idx.msk [tilespmem:v2+s17+$0x0], $0xffff  }
0x176: {  	s3 =	simm.s32 $0x0;
	v2 =	vld.idx.msk [tilespmem:v3+s17+$0x0], $0xffff  }
0x177: {  	s8 =	sand.u32 $0x60, s3;
	s4 =	sand.u32 $0x1C00, s3;
	v3 =	vld.idx.msk [tilespmem:v4+s17+$0x0], $0xffff  }
0x178: {  	s2 =	sor.u32 s8, s4;
	v4 =	vld.idx.msk [tilespmem:v6+s17+$0x0], $0xffff  }
0x179: {  	s8 =	sadd.s32 $0x11080, s2;
	v6 =	vld.idx.msk [tilespmem:v8+s17+$0x0], $0xffff  }
0x17a: {  	v8 =	vshll.u32 v5, $0x3;
	v0 =	vld.idx.msk [tilespmem:v0+s17+$0x0], $0xffff;
	[tilespmem:s8+$0x280] =	vst v1  }
0x17b: {  	v1 =	vand.u32 $0xFFFFFC00, v8;
	[tilespmem:s8+$0x80] =	vst v2;
	v2 =	vand.u32 $0x7F, v5  }
0x17c: {  	s13 =	sand.u32 $0x3, s3;
	[tilespmem:s2+$0x11080] =	vst v7;
	v2 =	vor.u32 v2, v1  }
0x17d: {  	s4 =	sshll.u32 s13, $0x5;
	[tilespmem:s8+$0x100] =	vst v3;
	v1 =	vor.u32 $0x380, v2  }
0x17e: {  	s4 =	sadd.s32 $0x0, s4;
	[tilespmem:s8+$0x180] =	vst v4;
	v8 =	vor.u32 $0x300, v2  }
0x17f: {  	s6 =	sor.u32 s3, s3;
	s14 =	sor.u32 $0x300, s4;
	[tilespmem:s8+$0x200] =	vst v6  }
0x180: {  	s15 =	sor.u32 $0x380, s6;
	[tilespmem:s14+$0x11080] =	vst v9  }
0x181: {  	v6 =	vor.u32 $0x200, v2;
	[tilespmem:s15+$0x11080] =	vst v0  }
0x182: {  	s29 =	simm.s32 $0x0;
	s7 =	simm.s32 $0x20;
	v7 =	vor.u32 $0x280, v2;
	v0 =	vld.idx.msk [tilespmem:v1+s17+$0x0], $0xffff  }
0x183: {  	s13 =	sadd.s32 $0x10, s4;
	s14 =	simm.s32 $0x0;
	v3 =	vor.u32 $0x100, v2;
	v4 =	vor.u32 $0x180, v2;
	v5 =	vor.u32 $0x80, v2;
	s15 =	simm.s32 $0x40;
	v1 =	vld.idx.msk [tilespmem:v8+s17+$0x0], $0xffff  }
.LBB2_11:
0x184: {  	s14 =	sadd.s32 $0x2, s14;
	v8 =	vld [tilespmem:s1+$0x0];
	s3 =	sadd.s32 $0x100, s3;
	s29 =	sadd.s32 $0x1, s29  }
0x185: {  	s1 =	smov.u32 s15;
	p1 =	slt.u32 s14, $0x3E;
	v2 =	vld.idx.msk [tilespmem:v2+s17+$0x0], $0xffff  }
0x186: {  	v6 =	vld.idx.msk [tilespmem:v6+s17+$0x0], $0xffff  }
0x187: {  	v7 =	vld.idx.msk [tilespmem:v7+s17+$0x0], $0xffff  }
0x188: {  	v4 =	vld.idx.msk [tilespmem:v4+s17+$0x0], $0xffff  }
0x189: {  	v3 =	vld.idx.msk [tilespmem:v3+s17+$0x0], $0xffff  }
0x18a: {  	v5 =	vld.idx.msk [tilespmem:v5+s17+$0x0], $0xffff  }
0x18b: {  	[tilespmem:s8+$0x10] =	vst v2  }
0x18c: {  	[tilespmem:s8+$0x210] =	vst v6  }
0x18d: {  	v2 =	vshll.u32 v8, $0x3;
	[tilespmem:s8+$0x290] =	vst v7  }
0x18e: {  	v6 =	vand.u32 $0x7F, v8;
	v2 =	vand.u32 $0xFFFFFC00, v2;
	[tilespmem:s8+$0x190] =	vst v4  }
0x18f: {  	s2 =	sor.u32 $0x300, s13;
	v2 =	vor.u32 v6, v2;
	[tilespmem:s8+$0x110] =	vst v3  }
0x190: {  	s4 =	sor.u32 $0x380, s13;
	v4 =	vor.u32 $0x100, v2;
	v6 =	vor.u32 $0x280, v2;
	v3 =	vor.u32 $0x80, v2;
	[tilespmem:s8+$0x90] =	vst v5  }
0x191: {  	v7 =	vor.u32 $0x200, v2;
	v8 =	vor.u32 $0x300, v2;
	v5 =	vor.u32 $0x180, v2;
	[tilespmem:s2+$0x11080] =	vst v1  }
0x192: {  	v1 =	vor.u32 $0x380, v2;
	[tilespmem:s4+$0x11080] =	vst v0  }
0x193: {  	v0 =	vld [tilespmem:s15+$0xFFFFFFF0]  }
0x194: {  	v9 =	vld.idx.msk [tilespmem:v2+s17+$0x0], $0xffff  }
0x195: {  	v2 =	vld.idx.msk [tilespmem:v6+s17+$0x0], $0xffff  }
0x196: {  	v6 =	vld.idx.msk [tilespmem:v8+s17+$0x0], $0xffff  }
0x197: {  	v3 =	vld.idx.msk [tilespmem:v3+s17+$0x0], $0xffff  }
0x198: {  	v4 =	vld.idx.msk [tilespmem:v4+s17+$0x0], $0xffff  }
0x199: {  	s2 =	sand.u32 $0x60, s7;
	s4 =	sand.u32 $0x1C00, s3;
	v8 =	vshll.u32 v0, $0x3;
	v5 =	vld.idx.msk [tilespmem:v5+s17+$0x0], $0xffff  }
0x19a: {  	s2 =	sor.u32 s2, s4;
	v8 =	vand.u32 $0xFFFFFC00, v8;
	v7 =	vld.idx.msk [tilespmem:v7+s17+$0x0], $0xffff  }
0x19b: {  	s8 =	sadd.s32 $0x11080, s2;
	v1 =	vld.idx.msk [tilespmem:v1+s17+$0x0], $0xffff  }
0x19c: {  	[tilespmem:s8+$0x280] =	vst v2  }
0x19d: {  	v0 =	vand.u32 $0x7F, v0;
	[tilespmem:s8+$0x80] =	vst v3  }
0x19e: {  	s4 =	sand.u32 $0x3, s29;
	v2 =	vor.u32 v0, v8;
	[tilespmem:s8+$0x100] =	vst v4  }
0x19f: {  	s4 =	sshll.u32 s4, $0x5;
	v3 =	vor.u32 $0x100, v2;
	v8 =	vor.u32 $0x300, v2;
	v0 =	vor.u32 $0x380, v2;
	[tilespmem:s8+$0x180] =	vst v5  }
0x1a0: {  	s6 =	sor.u32 s3, s7;
	s4 =	sadd.s32 s4, s3;
	[tilespmem:s8+$0x200] =	vst v7  }
.Ltmp6:
0x1a1: {  	s13 =	sadd.s32 $0x10, s4;
	[tilespmem:s2+$0x11080] =	vst v9;
	s2 =	sor.u32 $0x300, s4;
	(pc) =	sbr.rel @p1 .LBB2_11-.Ltmp6, $4  }
0x1a2: {  	v4 =	vor.u32 $0x180, v2;
	[tilespmem:s2+$0x11080] =	vst v6;
	s2 =	sor.u32 $0x380, s6  }
0x1a3: {  	v6 =	vor.u32 $0x200, v2;
	[tilespmem:s2+$0x11080] =	vst v1  }
0x1a4: {  	v5 =	vor.u32 $0x80, v2;
	v7 =	vor.u32 $0x280, v2;
	v0 =	vld.idx.msk [tilespmem:v0+s17+$0x0], $0xffff  }
0x1a5: {  	s7 =	sadd.s32 $0x20, s7;
	s15 =	sadd.s32 $0x20, s15;
	v1 =	vld.idx.msk [tilespmem:v8+s17+$0x0], $0xffff  }
0x1a6: {  	_ =	sdelay $0x3  }
0x1a7: {  	v2 =	vld.idx.msk [tilespmem:v2+s17+$0x0], $0xffff  }
0x1a8: {  	v6 =	vld.idx.msk [tilespmem:v6+s17+$0x0], $0xffff  }
0x1a9: {  	v7 =	vld.idx.msk [tilespmem:v7+s17+$0x0], $0xffff  }
0x1aa: {  	v4 =	vld.idx.msk [tilespmem:v4+s17+$0x0], $0xffff  }
0x1ab: {  	v3 =	vld.idx.msk [tilespmem:v3+s17+$0x0], $0xffff  }
0x1ac: {  	v5 =	vld.idx.msk [tilespmem:v5+s17+$0x0], $0xffff;
	[tilespmem:s8+$0x10] =	vst v2  }
0x1ad: {  	[tilespmem:s8+$0x210] =	vst v6  }
0x1ae: {  	[tilespmem:s8+$0x290] =	vst v7  }
0x1af: {  	[tilespmem:s8+$0x190] =	vst v4  }
0x1b0: {  	[tilespmem:s8+$0x110] =	vst v3  }
0x1b1: {  	s1 =	sor.u32 $0x300, s13;
	[tilespmem:s8+$0x90] =	vst v5  }
0x1b2: {  	s2 =	sor.u32 $0x380, s13;
	s0 =	sor.u32 $0x1000, s0;
	[tilespmem:s1+$0x11080] =	vst v1  }
0x1b3: {  	s3 =	simm.s32 $0x11080;
	s7 =	sadd.s32 s12, s0;
	s1 =	simm.s32 $0x0;
	[tilespmem:s2+$0x11080] =	vst v0  }
0x1b4: {  	[hbm4b:s7+s1] =	stream.linear.scatter [tilespmem:s3], [sflag:$0x3], $0x2000, $0x38;
	[tilespmem:$0x19080] =	vst v63  }
0x1b5: {  	_ =	swait.ge [sflag:s25], $0x2000  }
0x1b6: {  	[sflag:s25] =	ssyncset.done $0x0  }
0x1b7: {  	[sflag:s25] =	ssyncadd.s32 $0xFFFFE000  }
0x1b8: {  	v0 =	vld [tilespmem:$0x400];
	_ =	sdelay $0x4  }
0x1b9: {  	v1 =	vshll.u32 v0, $0x3  }
0x1ba: {  	v0 =	vand.u32 $0x7F, v0;
	v1 =	vand.u32 $0xFFFFFC00, v1  }
0x1bb: {  	v0 =	vor.u32 v0, v1  }
0x1bc: {  	v1 =	vor.u32 $0x280, v0  }
0x1bd: {  	v2 =	vor.u32 $0x300, v0  }
0x1be: {  	s3 =	simm.s32 $0x420;
	v3 =	vor.u32 $0x80, v0  }
0x1bf: {  	v5 =	vld [tilespmem:s3+$0xFFFFFFF0];
	v4 =	vor.u32 $0x100, v0  }
0x1c0: {  	v6 =	vor.u32 $0x180, v0;
	v7 =	vld.idx.msk [tilespmem:v0+s17+$0x0], $0xffff  }
0x1c1: {  	v8 =	vor.u32 $0x200, v0;
	v1 =	vld.idx.msk [tilespmem:v1+s17+$0x0], $0xffff  }
0x1c2: {  	v0 =	vor.u32 $0x380, v0;
	v9 =	vld.idx.msk [tilespmem:v2+s17+$0x0], $0xffff  }
0x1c3: {  	v2 =	vld.idx.msk [tilespmem:v3+s17+$0x0], $0xffff  }
0x1c4: {  	s8 =	sand.u32 $0x60, s1;
	s4 =	sand.u32 $0x1C00, s1;
	v3 =	vld.idx.msk [tilespmem:v4+s17+$0x0], $0xffff  }
0x1c5: {  	s2 =	sor.u32 s8, s4;
	v4 =	vld.idx.msk [tilespmem:v6+s17+$0x0], $0xffff  }
0x1c6: {  	s8 =	sadd.s32 $0x13080, s2;
	v6 =	vld.idx.msk [tilespmem:v8+s17+$0x0], $0xffff  }
0x1c7: {  	v8 =	vshll.u32 v5, $0x3;
	v0 =	vld.idx.msk [tilespmem:v0+s17+$0x0], $0xffff;
	[tilespmem:s8+$0x280] =	vst v1  }
0x1c8: {  	v1 =	vand.u32 $0xFFFFFC00, v8;
	[tilespmem:s8+$0x80] =	vst v2;
	v2 =	vand.u32 $0x7F, v5  }
0x1c9: {  	s13 =	sand.u32 $0x3, s1;
	[tilespmem:s2+$0x13080] =	vst v7;
	v2 =	vor.u32 v2, v1  }
0x1ca: {  	s4 =	sshll.u32 s13, $0x5;
	[tilespmem:s8+$0x100] =	vst v3;
	v1 =	vor.u32 $0x380, v2  }
0x1cb: {  	s4 =	sadd.s32 $0x0, s4;
	[tilespmem:s8+$0x180] =	vst v4;
	v8 =	vor.u32 $0x300, v2  }
0x1cc: {  	s6 =	sor.u32 s1, s1;
	s14 =	sor.u32 $0x300, s4;
	[tilespmem:s8+$0x200] =	vst v6  }
0x1cd: {  	s15 =	sor.u32 $0x380, s6;
	[tilespmem:s14+$0x13080] =	vst v9  }
0x1ce: {  	v6 =	vor.u32 $0x200, v2;
	[tilespmem:s15+$0x13080] =	vst v0  }
0x1cf: {  	s29 =	simm.s32 $0x0;
	s7 =	simm.s32 $0x20;
	v7 =	vor.u32 $0x280, v2;
	v0 =	vld.idx.msk [tilespmem:v1+s17+$0x0], $0xffff  }
0x1d0: {  	s13 =	sadd.s32 $0x10, s4;
	s14 =	simm.s32 $0x0;
	v3 =	vor.u32 $0x100, v2;
	v4 =	vor.u32 $0x180, v2;
	v5 =	vor.u32 $0x80, v2;
	s15 =	simm.s32 $0x440;
	v1 =	vld.idx.msk [tilespmem:v8+s17+$0x0], $0xffff  }
.LBB2_13:
0x1d1: {  	s14 =	sadd.s32 $0x2, s14;
	v8 =	vld [tilespmem:s3+$0x0];
	s1 =	sadd.s32 $0x100, s1;
	s29 =	sadd.s32 $0x1, s29  }
0x1d2: {  	s3 =	smov.u32 s15;
	p1 =	slt.u32 s14, $0x3E;
	v2 =	vld.idx.msk [tilespmem:v2+s17+$0x0], $0xffff  }
0x1d3: {  	v6 =	vld.idx.msk [tilespmem:v6+s17+$0x0], $0xffff  }
0x1d4: {  	v7 =	vld.idx.msk [tilespmem:v7+s17+$0x0], $0xffff  }
0x1d5: {  	v4 =	vld.idx.msk [tilespmem:v4+s17+$0x0], $0xffff  }
0x1d6: {  	v3 =	vld.idx.msk [tilespmem:v3+s17+$0x0], $0xffff  }
0x1d7: {  	v5 =	vld.idx.msk [tilespmem:v5+s17+$0x0], $0xffff  }
0x1d8: {  	[tilespmem:s8+$0x10] =	vst v2  }
0x1d9: {  	[tilespmem:s8+$0x210] =	vst v6  }
0x1da: {  	v2 =	vshll.u32 v8, $0x3;
	[tilespmem:s8+$0x290] =	vst v7  }
0x1db: {  	v6 =	vand.u32 $0x7F, v8;
	v2 =	vand.u32 $0xFFFFFC00, v2;
	[tilespmem:s8+$0x190] =	vst v4  }
0x1dc: {  	s2 =	sor.u32 $0x300, s13;
	v2 =	vor.u32 v6, v2;
	[tilespmem:s8+$0x110] =	vst v3  }
0x1dd: {  	s4 =	sor.u32 $0x380, s13;
	v4 =	vor.u32 $0x100, v2;
	v6 =	vor.u32 $0x280, v2;
	v3 =	vor.u32 $0x80, v2;
	[tilespmem:s8+$0x90] =	vst v5  }
0x1de: {  	v7 =	vor.u32 $0x200, v2;
	v8 =	vor.u32 $0x300, v2;
	v5 =	vor.u32 $0x180, v2;
	[tilespmem:s2+$0x13080] =	vst v1  }
0x1df: {  	v1 =	vor.u32 $0x380, v2;
	[tilespmem:s4+$0x13080] =	vst v0  }
0x1e0: {  	v0 =	vld [tilespmem:s15+$0xFFFFFFF0]  }
0x1e1: {  	v9 =	vld.idx.msk [tilespmem:v2+s17+$0x0], $0xffff  }
0x1e2: {  	v2 =	vld.idx.msk [tilespmem:v6+s17+$0x0], $0xffff  }
0x1e3: {  	v6 =	vld.idx.msk [tilespmem:v8+s17+$0x0], $0xffff  }
0x1e4: {  	v3 =	vld.idx.msk [tilespmem:v3+s17+$0x0], $0xffff  }
0x1e5: {  	v4 =	vld.idx.msk [tilespmem:v4+s17+$0x0], $0xffff  }
0x1e6: {  	s2 =	sand.u32 $0x60, s7;
	s4 =	sand.u32 $0x1C00, s1;
	v8 =	vshll.u32 v0, $0x3;
	v5 =	vld.idx.msk [tilespmem:v5+s17+$0x0], $0xffff  }
0x1e7: {  	s2 =	sor.u32 s2, s4;
	v8 =	vand.u32 $0xFFFFFC00, v8;
	v7 =	vld.idx.msk [tilespmem:v7+s17+$0x0], $0xffff  }
0x1e8: {  	s8 =	sadd.s32 $0x13080, s2;
	v1 =	vld.idx.msk [tilespmem:v1+s17+$0x0], $0xffff  }
0x1e9: {  	[tilespmem:s8+$0x280] =	vst v2  }
0x1ea: {  	v0 =	vand.u32 $0x7F, v0;
	[tilespmem:s8+$0x80] =	vst v3  }
0x1eb: {  	s4 =	sand.u32 $0x3, s29;
	v2 =	vor.u32 v0, v8;
	[tilespmem:s8+$0x100] =	vst v4  }
0x1ec: {  	s4 =	sshll.u32 s4, $0x5;
	v3 =	vor.u32 $0x100, v2;
	v8 =	vor.u32 $0x300, v2;
	v0 =	vor.u32 $0x380, v2;
	[tilespmem:s8+$0x180] =	vst v5  }
0x1ed: {  	s6 =	sor.u32 s1, s7;
	s4 =	sadd.s32 s4, s1;
	[tilespmem:s8+$0x200] =	vst v7  }
.Ltmp7:
0x1ee: {  	s13 =	sadd.s32 $0x10, s4;
	[tilespmem:s2+$0x13080] =	vst v9;
	s2 =	sor.u32 $0x300, s4;
	(pc) =	sbr.rel @p1 .LBB2_13-.Ltmp7, $4  }
0x1ef: {  	v4 =	vor.u32 $0x180, v2;
	[tilespmem:s2+$0x13080] =	vst v6;
	s2 =	sor.u32 $0x380, s6  }
0x1f0: {  	v6 =	vor.u32 $0x200, v2;
	[tilespmem:s2+$0x13080] =	vst v1  }
0x1f1: {  	v5 =	vor.u32 $0x80, v2;
	v7 =	vor.u32 $0x280, v2;
	v0 =	vld.idx.msk [tilespmem:v0+s17+$0x0], $0xffff  }
0x1f2: {  	s7 =	sadd.s32 $0x20, s7;
	s15 =	sadd.s32 $0x20, s15;
	v1 =	vld.idx.msk [tilespmem:v8+s17+$0x0], $0xffff  }
0x1f3: {  	_ =	sdelay $0x3  }
0x1f4: {  	v2 =	vld.idx.msk [tilespmem:v2+s17+$0x0], $0xffff  }
0x1f5: {  	v6 =	vld.idx.msk [tilespmem:v6+s17+$0x0], $0xffff  }
0x1f6: {  	v7 =	vld.idx.msk [tilespmem:v7+s17+$0x0], $0xffff  }
0x1f7: {  	v4 =	vld.idx.msk [tilespmem:v4+s17+$0x0], $0xffff  }
0x1f8: {  	v3 =	vld.idx.msk [tilespmem:v3+s17+$0x0], $0xffff  }
0x1f9: {  	v5 =	vld.idx.msk [tilespmem:v5+s17+$0x0], $0xffff;
	[tilespmem:s8+$0x10] =	vst v2  }
0x1fa: {  	[tilespmem:s8+$0x210] =	vst v6  }
0x1fb: {  	[tilespmem:s8+$0x290] =	vst v7  }
0x1fc: {  	[tilespmem:s8+$0x190] =	vst v4  }
0x1fd: {  	[tilespmem:s8+$0x110] =	vst v3  }
0x1fe: {  	s1 =	sor.u32 $0x300, s13;
	[tilespmem:s8+$0x90] =	vst v5  }
0x1ff: {  	s2 =	sor.u32 $0x380, s13;
	[tilespmem:s1+$0x13080] =	vst v1  }
0x200: {  	s7 =	sadd.s32 s0, s9;
	s1 =	simm.s32 $0x0;
	[tilespmem:s2+$0x13080] =	vst v0  }
0x201: {  	[hbm4b:s7+s1] =	stream.linear.scatter [tilespmem:s20], [sflag:$0x4], $0x2000, $0x38;
	[tilespmem:$0x19080] =	vst v63  }
0x202: {  	_ =	swait.ge [sflag:s26], $0x2000  }
0x203: {  	[sflag:s26] =	ssyncset.done $0x0  }
0x204: {  	[sflag:s26] =	ssyncadd.s32 $0xFFFFE000  }
0x205: {  	v0 =	vld [tilespmem:$0x800];
	_ =	sdelay $0x4  }
0x206: {  	v1 =	vshll.u32 v0, $0x3  }
0x207: {  	v0 =	vand.u32 $0x7F, v0;
	v1 =	vand.u32 $0xFFFFFC00, v1  }
0x208: {  	v0 =	vor.u32 v0, v1  }
0x209: {  	v1 =	vor.u32 $0x280, v0  }
0x20a: {  	v2 =	vor.u32 $0x300, v0  }
0x20b: {  	s3 =	simm.s32 $0x820;
	v3 =	vor.u32 $0x80, v0  }
0x20c: {  	v5 =	vld [tilespmem:s3+$0xFFFFFFF0];
	v4 =	vor.u32 $0x100, v0  }
0x20d: {  	v6 =	vor.u32 $0x180, v0;
	v7 =	vld.idx.msk [tilespmem:v0+s17+$0x0], $0xffff  }
0x20e: {  	v8 =	vor.u32 $0x200, v0;
	v1 =	vld.idx.msk [tilespmem:v1+s17+$0x0], $0xffff  }
0x20f: {  	v0 =	vor.u32 $0x380, v0;
	v9 =	vld.idx.msk [tilespmem:v2+s17+$0x0], $0xffff  }
0x210: {  	v2 =	vld.idx.msk [tilespmem:v3+s17+$0x0], $0xffff  }
0x211: {  	s8 =	sand.u32 $0x60, s1;
	s4 =	sand.u32 $0x1C00, s1;
	v3 =	vld.idx.msk [tilespmem:v4+s17+$0x0], $0xffff  }
0x212: {  	s2 =	sor.u32 s8, s4;
	v4 =	vld.idx.msk [tilespmem:v6+s17+$0x0], $0xffff  }
0x213: {  	s8 =	sadd.s32 $0x15080, s2;
	v6 =	vld.idx.msk [tilespmem:v8+s17+$0x0], $0xffff  }
0x214: {  	v8 =	vshll.u32 v5, $0x3;
	v0 =	vld.idx.msk [tilespmem:v0+s17+$0x0], $0xffff;
	[tilespmem:s8+$0x280] =	vst v1  }
0x215: {  	v1 =	vand.u32 $0xFFFFFC00, v8;
	[tilespmem:s8+$0x80] =	vst v2;
	v2 =	vand.u32 $0x7F, v5  }
0x216: {  	s13 =	sand.u32 $0x3, s1;
	[tilespmem:s2+$0x15080] =	vst v7;
	v2 =	vor.u32 v2, v1  }
0x217: {  	s4 =	sshll.u32 s13, $0x5;
	[tilespmem:s8+$0x100] =	vst v3;
	v1 =	vor.u32 $0x380, v2  }
0x218: {  	s4 =	sadd.s32 $0x0, s4;
	[tilespmem:s8+$0x180] =	vst v4;
	v8 =	vor.u32 $0x300, v2  }
0x219: {  	s6 =	sor.u32 s1, s1;
	s14 =	sor.u32 $0x300, s4;
	[tilespmem:s8+$0x200] =	vst v6  }
0x21a: {  	s15 =	sor.u32 $0x380, s6;
	[tilespmem:s14+$0x15080] =	vst v9  }
0x21b: {  	v6 =	vor.u32 $0x200, v2;
	[tilespmem:s15+$0x15080] =	vst v0  }
0x21c: {  	s29 =	simm.s32 $0x0;
	s7 =	simm.s32 $0x20;
	v7 =	vor.u32 $0x280, v2;
	v0 =	vld.idx.msk [tilespmem:v1+s17+$0x0], $0xffff  }
0x21d: {  	s13 =	sadd.s32 $0x10, s4;
	s14 =	simm.s32 $0x0;
	v3 =	vor.u32 $0x100, v2;
	v4 =	vor.u32 $0x180, v2;
	v5 =	vor.u32 $0x80, v2;
	s15 =	simm.s32 $0x840;
	v1 =	vld.idx.msk [tilespmem:v8+s17+$0x0], $0xffff  }
.LBB2_15:
0x21e: {  	s14 =	sadd.s32 $0x2, s14;
	v8 =	vld [tilespmem:s3+$0x0];
	s1 =	sadd.s32 $0x100, s1;
	s29 =	sadd.s32 $0x1, s29  }
0x21f: {  	s3 =	smov.u32 s15;
	p1 =	slt.u32 s14, $0x3E;
	v2 =	vld.idx.msk [tilespmem:v2+s17+$0x0], $0xffff  }
0x220: {  	v6 =	vld.idx.msk [tilespmem:v6+s17+$0x0], $0xffff  }
0x221: {  	v7 =	vld.idx.msk [tilespmem:v7+s17+$0x0], $0xffff  }
0x222: {  	v4 =	vld.idx.msk [tilespmem:v4+s17+$0x0], $0xffff  }
0x223: {  	v3 =	vld.idx.msk [tilespmem:v3+s17+$0x0], $0xffff  }
0x224: {  	v5 =	vld.idx.msk [tilespmem:v5+s17+$0x0], $0xffff  }
0x225: {  	[tilespmem:s8+$0x10] =	vst v2  }
0x226: {  	[tilespmem:s8+$0x210] =	vst v6  }
0x227: {  	v2 =	vshll.u32 v8, $0x3;
	[tilespmem:s8+$0x290] =	vst v7  }
0x228: {  	v6 =	vand.u32 $0x7F, v8;
	v2 =	vand.u32 $0xFFFFFC00, v2;
	[tilespmem:s8+$0x190] =	vst v4  }
0x229: {  	s2 =	sor.u32 $0x300, s13;
	v2 =	vor.u32 v6, v2;
	[tilespmem:s8+$0x110] =	vst v3  }
0x22a: {  	s4 =	sor.u32 $0x380, s13;
	v4 =	vor.u32 $0x100, v2;
	v6 =	vor.u32 $0x280, v2;
	v3 =	vor.u32 $0x80, v2;
	[tilespmem:s8+$0x90] =	vst v5  }
0x22b: {  	v7 =	vor.u32 $0x200, v2;
	v8 =	vor.u32 $0x300, v2;
	v5 =	vor.u32 $0x180, v2;
	[tilespmem:s2+$0x15080] =	vst v1  }
0x22c: {  	v1 =	vor.u32 $0x380, v2;
	[tilespmem:s4+$0x15080] =	vst v0  }
0x22d: {  	v0 =	vld [tilespmem:s15+$0xFFFFFFF0]  }
0x22e: {  	v9 =	vld.idx.msk [tilespmem:v2+s17+$0x0], $0xffff  }
0x22f: {  	v2 =	vld.idx.msk [tilespmem:v6+s17+$0x0], $0xffff  }
0x230: {  	v6 =	vld.idx.msk [tilespmem:v8+s17+$0x0], $0xffff  }
0x231: {  	v3 =	vld.idx.msk [tilespmem:v3+s17+$0x0], $0xffff  }
0x232: {  	v4 =	vld.idx.msk [tilespmem:v4+s17+$0x0], $0xffff  }
0x233: {  	s2 =	sand.u32 $0x60, s7;
	s4 =	sand.u32 $0x1C00, s1;
	v8 =	vshll.u32 v0, $0x3;
	v5 =	vld.idx.msk [tilespmem:v5+s17+$0x0], $0xffff  }
0x234: {  	s2 =	sor.u32 s2, s4;
	v8 =	vand.u32 $0xFFFFFC00, v8;
	v7 =	vld.idx.msk [tilespmem:v7+s17+$0x0], $0xffff  }
0x235: {  	s8 =	sadd.s32 $0x15080, s2;
	v1 =	vld.idx.msk [tilespmem:v1+s17+$0x0], $0xffff  }
0x236: {  	[tilespmem:s8+$0x280] =	vst v2  }
0x237: {  	v0 =	vand.u32 $0x7F, v0;
	[tilespmem:s8+$0x80] =	vst v3  }
0x238: {  	s4 =	sand.u32 $0x3, s29;
	v2 =	vor.u32 v0, v8;
	[tilespmem:s8+$0x100] =	vst v4  }
0x239: {  	s4 =	sshll.u32 s4, $0x5;
	v3 =	vor.u32 $0x100, v2;
	v8 =	vor.u32 $0x300, v2;
	v0 =	vor.u32 $0x380, v2;
	[tilespmem:s8+$0x180] =	vst v5  }
0x23a: {  	s6 =	sor.u32 s1, s7;
	s4 =	sadd.s32 s4, s1;
	[tilespmem:s8+$0x200] =	vst v7  }
.Ltmp8:
0x23b: {  	s13 =	sadd.s32 $0x10, s4;
	[tilespmem:s2+$0x15080] =	vst v9;
	s2 =	sor.u32 $0x300, s4;
	(pc) =	sbr.rel @p1 .LBB2_15-.Ltmp8, $4  }
0x23c: {  	v4 =	vor.u32 $0x180, v2;
	[tilespmem:s2+$0x15080] =	vst v6;
	s2 =	sor.u32 $0x380, s6  }
0x23d: {  	v6 =	vor.u32 $0x200, v2;
	[tilespmem:s2+$0x15080] =	vst v1  }
0x23e: {  	v5 =	vor.u32 $0x80, v2;
	v7 =	vor.u32 $0x280, v2;
	v0 =	vld.idx.msk [tilespmem:v0+s17+$0x0], $0xffff  }
0x23f: {  	s7 =	sadd.s32 $0x20, s7;
	s15 =	sadd.s32 $0x20, s15;
	v1 =	vld.idx.msk [tilespmem:v8+s17+$0x0], $0xffff  }
0x240: {  	_ =	sdelay $0x3  }
0x241: {  	v2 =	vld.idx.msk [tilespmem:v2+s17+$0x0], $0xffff  }
0x242: {  	v6 =	vld.idx.msk [tilespmem:v6+s17+$0x0], $0xffff  }
0x243: {  	v7 =	vld.idx.msk [tilespmem:v7+s17+$0x0], $0xffff  }
0x244: {  	v4 =	vld.idx.msk [tilespmem:v4+s17+$0x0], $0xffff  }
0x245: {  	v3 =	vld.idx.msk [tilespmem:v3+s17+$0x0], $0xffff  }
0x246: {  	v5 =	vld.idx.msk [tilespmem:v5+s17+$0x0], $0xffff;
	[tilespmem:s8+$0x10] =	vst v2  }
0x247: {  	[tilespmem:s8+$0x210] =	vst v6  }
0x248: {  	[tilespmem:s8+$0x290] =	vst v7  }
0x249: {  	[tilespmem:s8+$0x190] =	vst v4  }
0x24a: {  	[tilespmem:s8+$0x110] =	vst v3  }
0x24b: {  	s1 =	sor.u32 $0x300, s13;
	[tilespmem:s8+$0x90] =	vst v5  }
0x24c: {  	s2 =	sor.u32 $0x380, s13;
	[tilespmem:s1+$0x15080] =	vst v1  }
0x24d: {  	s7 =	sadd.s32 s0, s10;
	s1 =	simm.s32 $0x0;
	[tilespmem:s2+$0x15080] =	vst v0  }
0x24e: {  	[hbm4b:s7+s1] =	stream.linear.scatter [tilespmem:s21], [sflag:$0x5], $0x2000, $0x38;
	[tilespmem:$0x19080] =	vst v63  }
0x24f: {  	_ =	swait.ge [sflag:s28], $0x2000  }
0x250: {  	[sflag:s28] =	ssyncset.done $0x0  }
0x251: {  	[sflag:s28] =	ssyncadd.s32 $0xFFFFE000  }
0x252: {  	v0 =	vld [tilespmem:$0xC00];
	_ =	sdelay $0x4  }
0x253: {  	v1 =	vshll.u32 v0, $0x3  }
0x254: {  	v0 =	vand.u32 $0x7F, v0;
	v1 =	vand.u32 $0xFFFFFC00, v1  }
0x255: {  	v0 =	vor.u32 v0, v1  }
0x256: {  	v1 =	vor.u32 $0x280, v0  }
0x257: {  	v2 =	vor.u32 $0x300, v0  }
0x258: {  	s3 =	simm.s32 $0xC20;
	v3 =	vor.u32 $0x80, v0  }
0x259: {  	v5 =	vld [tilespmem:s3+$0xFFFFFFF0];
	v4 =	vor.u32 $0x100, v0  }
0x25a: {  	v6 =	vor.u32 $0x180, v0;
	v7 =	vld.idx.msk [tilespmem:v0+s17+$0x0], $0xffff  }
0x25b: {  	v8 =	vor.u32 $0x200, v0;
	v1 =	vld.idx.msk [tilespmem:v1+s17+$0x0], $0xffff  }
0x25c: {  	v0 =	vor.u32 $0x380, v0;
	v9 =	vld.idx.msk [tilespmem:v2+s17+$0x0], $0xffff  }
0x25d: {  	v2 =	vld.idx.msk [tilespmem:v3+s17+$0x0], $0xffff  }
0x25e: {  	s8 =	sand.u32 $0x60, s1;
	s4 =	sand.u32 $0x1C00, s1;
	v3 =	vld.idx.msk [tilespmem:v4+s17+$0x0], $0xffff  }
0x25f: {  	s2 =	sor.u32 s8, s4;
	v4 =	vld.idx.msk [tilespmem:v6+s17+$0x0], $0xffff  }
0x260: {  	s8 =	sadd.s32 $0x17080, s2;
	v6 =	vld.idx.msk [tilespmem:v8+s17+$0x0], $0xffff  }
0x261: {  	v8 =	vshll.u32 v5, $0x3;
	v0 =	vld.idx.msk [tilespmem:v0+s17+$0x0], $0xffff;
	[tilespmem:s8+$0x280] =	vst v1  }
0x262: {  	v1 =	vand.u32 $0xFFFFFC00, v8;
	[tilespmem:s8+$0x80] =	vst v2;
	v2 =	vand.u32 $0x7F, v5  }
0x263: {  	s13 =	sand.u32 $0x3, s1;
	[tilespmem:s2+$0x17080] =	vst v7;
	v2 =	vor.u32 v2, v1  }
0x264: {  	s4 =	sshll.u32 s13, $0x5;
	[tilespmem:s8+$0x100] =	vst v3;
	v1 =	vor.u32 $0x380, v2  }
0x265: {  	s4 =	sadd.s32 $0x0, s4;
	[tilespmem:s8+$0x180] =	vst v4;
	v8 =	vor.u32 $0x300, v2  }
0x266: {  	s6 =	sor.u32 s1, s1;
	s14 =	sor.u32 $0x300, s4;
	[tilespmem:s8+$0x200] =	vst v6  }
0x267: {  	s15 =	sor.u32 $0x380, s6;
	[tilespmem:s14+$0x17080] =	vst v9  }
0x268: {  	v6 =	vor.u32 $0x200, v2;
	[tilespmem:s15+$0x17080] =	vst v0  }
0x269: {  	s29 =	simm.s32 $0x0;
	s7 =	simm.s32 $0x20;
	v7 =	vor.u32 $0x280, v2;
	v0 =	vld.idx.msk [tilespmem:v1+s17+$0x0], $0xffff  }
0x26a: {  	s13 =	sadd.s32 $0x10, s4;
	s14 =	simm.s32 $0x0;
	v3 =	vor.u32 $0x100, v2;
	v4 =	vor.u32 $0x180, v2;
	v5 =	vor.u32 $0x80, v2;
	s15 =	simm.s32 $0xC40;
	v1 =	vld.idx.msk [tilespmem:v8+s17+$0x0], $0xffff  }
.LBB2_17:
0x26b: {  	s14 =	sadd.s32 $0x2, s14;
	v8 =	vld [tilespmem:s3+$0x0];
	s1 =	sadd.s32 $0x100, s1;
	s29 =	sadd.s32 $0x1, s29  }
0x26c: {  	s3 =	smov.u32 s15;
	p1 =	slt.u32 s14, $0x3E;
	v2 =	vld.idx.msk [tilespmem:v2+s17+$0x0], $0xffff  }
0x26d: {  	v6 =	vld.idx.msk [tilespmem:v6+s17+$0x0], $0xffff  }
0x26e: {  	v7 =	vld.idx.msk [tilespmem:v7+s17+$0x0], $0xffff  }
0x26f: {  	v4 =	vld.idx.msk [tilespmem:v4+s17+$0x0], $0xffff  }
0x270: {  	v3 =	vld.idx.msk [tilespmem:v3+s17+$0x0], $0xffff  }
0x271: {  	v5 =	vld.idx.msk [tilespmem:v5+s17+$0x0], $0xffff  }
0x272: {  	[tilespmem:s8+$0x10] =	vst v2  }
0x273: {  	[tilespmem:s8+$0x210] =	vst v6  }
0x274: {  	v2 =	vshll.u32 v8, $0x3;
	[tilespmem:s8+$0x290] =	vst v7  }
0x275: {  	v6 =	vand.u32 $0x7F, v8;
	v2 =	vand.u32 $0xFFFFFC00, v2;
	[tilespmem:s8+$0x190] =	vst v4  }
0x276: {  	s2 =	sor.u32 $0x300, s13;
	v2 =	vor.u32 v6, v2;
	[tilespmem:s8+$0x110] =	vst v3  }
0x277: {  	s4 =	sor.u32 $0x380, s13;
	v4 =	vor.u32 $0x100, v2;
	v6 =	vor.u32 $0x280, v2;
	v3 =	vor.u32 $0x80, v2;
	[tilespmem:s8+$0x90] =	vst v5  }
0x278: {  	v7 =	vor.u32 $0x200, v2;
	v8 =	vor.u32 $0x300, v2;
	v5 =	vor.u32 $0x180, v2;
	[tilespmem:s2+$0x17080] =	vst v1  }
0x279: {  	v1 =	vor.u32 $0x380, v2;
	[tilespmem:s4+$0x17080] =	vst v0  }
0x27a: {  	v0 =	vld [tilespmem:s15+$0xFFFFFFF0]  }
0x27b: {  	v9 =	vld.idx.msk [tilespmem:v2+s17+$0x0], $0xffff  }
0x27c: {  	v2 =	vld.idx.msk [tilespmem:v6+s17+$0x0], $0xffff  }
0x27d: {  	v6 =	vld.idx.msk [tilespmem:v8+s17+$0x0], $0xffff  }
0x27e: {  	v3 =	vld.idx.msk [tilespmem:v3+s17+$0x0], $0xffff  }
0x27f: {  	v4 =	vld.idx.msk [tilespmem:v4+s17+$0x0], $0xffff  }
0x280: {  	s2 =	sand.u32 $0x60, s7;
	s4 =	sand.u32 $0x1C00, s1;
	v8 =	vshll.u32 v0, $0x3;
	v5 =	vld.idx.msk [tilespmem:v5+s17+$0x0], $0xffff  }
0x281: {  	s2 =	sor.u32 s2, s4;
	v8 =	vand.u32 $0xFFFFFC00, v8;
	v7 =	vld.idx.msk [tilespmem:v7+s17+$0x0], $0xffff  }
0x282: {  	s8 =	sadd.s32 $0x17080, s2;
	v1 =	vld.idx.msk [tilespmem:v1+s17+$0x0], $0xffff  }
0x283: {  	[tilespmem:s8+$0x280] =	vst v2  }
0x284: {  	v0 =	vand.u32 $0x7F, v0;
	[tilespmem:s8+$0x80] =	vst v3  }
0x285: {  	s4 =	sand.u32 $0x3, s29;
	v2 =	vor.u32 v0, v8;
	[tilespmem:s8+$0x100] =	vst v4  }
0x286: {  	s4 =	sshll.u32 s4, $0x5;
	v3 =	vor.u32 $0x100, v2;
	v8 =	vor.u32 $0x300, v2;
	v0 =	vor.u32 $0x380, v2;
	[tilespmem:s8+$0x180] =	vst v5  }
0x287: {  	s6 =	sor.u32 s1, s7;
	s4 =	sadd.s32 s4, s1;
	[tilespmem:s8+$0x200] =	vst v7  }
.Ltmp9:
0x288: {  	s13 =	sadd.s32 $0x10, s4;
	[tilespmem:s2+$0x17080] =	vst v9;
	s2 =	sor.u32 $0x300, s4;
	(pc) =	sbr.rel @p1 .LBB2_17-.Ltmp9, $4  }
0x289: {  	v4 =	vor.u32 $0x180, v2;
	[tilespmem:s2+$0x17080] =	vst v6;
	s2 =	sor.u32 $0x380, s6  }
0x28a: {  	v6 =	vor.u32 $0x200, v2;
	[tilespmem:s2+$0x17080] =	vst v1  }
0x28b: {  	v5 =	vor.u32 $0x80, v2;
	v7 =	vor.u32 $0x280, v2;
	v0 =	vld.idx.msk [tilespmem:v0+s17+$0x0], $0xffff  }
0x28c: {  	s7 =	sadd.s32 $0x20, s7;
	s15 =	sadd.s32 $0x20, s15;
	v1 =	vld.idx.msk [tilespmem:v8+s17+$0x0], $0xffff  }
0x28d: {  	_ =	sdelay $0x3  }
0x28e: {  	v2 =	vld.idx.msk [tilespmem:v2+s17+$0x0], $0xffff  }
0x28f: {  	v6 =	vld.idx.msk [tilespmem:v6+s17+$0x0], $0xffff  }
0x290: {  	v7 =	vld.idx.msk [tilespmem:v7+s17+$0x0], $0xffff  }
0x291: {  	v4 =	vld.idx.msk [tilespmem:v4+s17+$0x0], $0xffff  }
0x292: {  	v3 =	vld.idx.msk [tilespmem:v3+s17+$0x0], $0xffff  }
0x293: {  	v5 =	vld.idx.msk [tilespmem:v5+s17+$0x0], $0xffff;
	[tilespmem:s8+$0x10] =	vst v2  }
0x294: {  	[tilespmem:s8+$0x210] =	vst v6  }
0x295: {  	[tilespmem:s8+$0x290] =	vst v7  }
0x296: {  	[tilespmem:s8+$0x190] =	vst v4  }
.Ltmp10:
0x297: {  	[tilespmem:s8+$0x110] =	vst v3;
	(pc) =	sbr.rel @p0 .LBB2_20-.Ltmp10, $4  }
0x298: {  	s1 =	sor.u32 $0x300, s13;
	[tilespmem:s8+$0x90] =	vst v5  }
0x299: {  	s2 =	sor.u32 $0x380, s13;
	[tilespmem:s1+$0x17080] =	vst v1  }
0x29a: {  	s0 =	sadd.s32 s0, s11;
	[tilespmem:s2+$0x17080] =	vst v0  }
0x29b: {  	[hbm4b:s0+s5] =	stream.linear.scatter [tilespmem:s22], [sflag:$0x6], $0x2000, $0x38;
	[tilespmem:$0x19080] =	vst v63  }
.Ltmp11:
0x29c: {  	s0 =	rddreg [dreg:$0x7];
	(pc) =	sbr.rel .LBB2_2-.Ltmp11, $4  }
0x29d: {  	s0 =	sadd.s32 s31, s0  }
0x29e: {  	s1 =	rddreg [dreg:$0x0];
	s0 =	sshll.u32 s0, $0xC  }
0x29f: {  	s30 =	sadd.s32 $0x1, s30;
	s0 =	sadd.s32 s1, s0  }
0x2a0: {  	[tilespmem:s17], [sflag:$0x2] =	stream.linear.gather [hbm4b:s0+s5], $0x8000, $0x38;
	[tilespmem:$0x19080] =	vst v63  }
.LBB2_21:
0x2a1: {  	_ =	sfence.sel $0x180000  }
0x2a2: {  	[bflag:$0x0] =	sbarrier.arrive $0xFFFF  }
0x2a3: {  	_ =	strace $0x90000047  }
0x2a4: {  	s0 =	stileid.u32;
	[bflag:$0x2] =	sbarrier.arrive $0xFFFF  }
0x2a5: {  	p0 =	sne.s32 s0, $0x0;
	s0 =	rddreg [dreg:$0x3]  }
0x2a6: {  	s0 =	sadd.s32 @!p0 $0x100000, s0  }
0x2a7: {  	[sflag:s0] =	ssyncadd.tile.s32 @!p0 $0x1;
	_ =	shalt  }
.Lfunc_end2:
_tile_overlayer_lowered:
.L_overlay_start_2:
0x2a8: {  	(tag) =	ssettag $0x2  }
0x2a9: {  	s0 =	rddreg [dreg:$0x0];
	s2 =	stileid.u32  }
0x2aa: {  	s1 =	rddreg [dreg:$0x1];
	p0 =	sne.s32 s2, $0x0  }
0x2ab: {  	s3 =	rddreg [dreg:$0x2];
	[bflag:$0x3] =	sbarrier.arrive $0xFFFF;
	s2 =	simm.s32 @!p0 $0x1C07  }
0x2ac: {  	[timem:s3], [sflag:s2] =	dma.local @!p0 [hbm:s0], s1  }
0x2ad: {  	s0 =	simm.s32 @!p0 $0x7  }
0x2ae: {  	_ =	swait.ge @!p0 [sflag:s0], s1  }
0x2af: {  	s1 =	ssub.s32 @!p0 $0x0, s1;
	[sflag:s0] =	ssyncset.done @!p0 $0x0  }
0x2b0: {  	[sflag:s0] =	ssyncadd.s32 @!p0 s1  }
0x2b1: {  	[bflag:$0x3] =	sbarrier.arrive $0xFFFF  }
0x2b2: {  	_ =	shalt  }

</sc_bundles>
